<compile_context>
chip_gen: v7x
topology: tpu7x:2x2x1
jax: 0.10.2.dev20260603
libtpu: 0.0.44.dev20260713+nightly
codegen_flags: <defaults>
</compile_context>

<pallas_src>
import functools

import jax
import jax.numpy as jnp
from jax import lax
from jax.experimental import pallas as pl
from jax.experimental.pallas import tpu as pltpu
from jax.experimental.pallas import tpu_sc as plsc

VOCAB = 1000000
HIDDEN = 64
NUM_CLASSES = 3
BATCH = 4096
HIST = 200

_PADC = 16
_PACK = 128 // _PADC
_VCHUNK = 16384
_STRIPE = _VCHUNK // _PACK
_VSHIFT = _VCHUNK.bit_length() - 1
_SSHIFT = _STRIPE.bit_length() - 1
_GRID = -(-VOCAB // _VCHUNK)

_NC = 2
_NS = 16
_NW = _NC * _NS
_ROWS_PER_W = BATCH // _NW
_IDX_PER_W = _ROWS_PER_W * HIST
_NBUF = 8
_UNROLL = 10
_CHUNK_A = 128
_CHUNK_B = HIST - _CHUNK_A


def _tw_body(et_ref, w_ref, b_ref, o_ref):
    for s in range(_PACK):
        blk = lax.dot_general(
            et_ref[:, _STRIPE * s:_STRIPE * (s + 1)], w_ref[...],
            dimension_numbers=(((0,), (0,)), ((), ())),
            preferred_element_type=jnp.float32)
        o_ref[:, _PADC * s:_PADC * (s + 1)] = blk + b_ref[...]


_tw_matmul = pl.pallas_call(
    _tw_body,
    grid=(_GRID,),
    in_specs=[
        pl.BlockSpec((HIDDEN, _VCHUNK), lambda i: (0, i)),
        pl.BlockSpec((HIDDEN, _PADC), lambda i: (0, 0)),
        pl.BlockSpec((1, _PADC), lambda i: (0, 0)),
    ],
    out_specs=pl.BlockSpec((_STRIPE, 128), lambda i: (i, 0)),
    out_shape=jax.ShapeDtypeStruct((_GRID * _STRIPE, 128), jnp.float32),
)


def _pool_body(idx_hbm, tw_hbm, out_hbm, idx_v, rows_v, pooled_v, *sems):
    wid = lax.axis_index("s") * _NC + lax.axis_index("c")
    base = wid * _ROWS_PER_W
    pltpu.sync_copy(idx_hbm.at[pl.ds(base * HIST, _IDX_PER_W)], idx_v)

    def xf_body(i, carry):
        for u in range(4):
            off = (i * 4 + u) * 16
            v = idx_v[pl.ds(off, 16)]
            packed = ((v >> _VSHIFT) << _VSHIFT) \
                | ((v & (_STRIPE - 1)) << 3) \
                | ((v >> _SSHIFT) & (_PACK - 1))
            idx_v[pl.ds(off, 16)] = packed
        return carry

    lax.fori_loop(0, _IDX_PER_W // 64, xf_body, jnp.int32(0))

    def issue(b, k):
        pltpu.async_copy(
            tw_hbm.at[idx_v.at[pl.ds(b * HIST, _CHUNK_A)]],
            rows_v.at[k, pl.ds(0, _CHUNK_A)], sems[k])
        pltpu.async_copy(
            tw_hbm.at[idx_v.at[pl.ds(b * HIST + _CHUNK_A, _CHUNK_B)]],
            rows_v.at[k, pl.ds(_CHUNK_A, _CHUNK_B)], sems[k])

    def wait_row(k):
        pltpu.make_async_copy(
            tw_hbm.at[pl.ds(0, HIST)], rows_v.at[k], sems[k]).wait()

    for k in range(_NBUF):
        issue(k, k)

    def quad_body(p, carry):
        for k in range(_NBUF):
            b = p * _NBUF + k
            wait_row(k)

            def acc_body(j, acc, _k=k):
                for u in range(_UNROLL):
                    acc = acc + rows_v[_k, j * _UNROLL + u, :]
                return acc

            acc = lax.fori_loop(
                0, HIST // _UNROLL, acc_body, jnp.zeros((_PADC,), jnp.float32))

            @pl.when(b + _NBUF < _ROWS_PER_W)
            def _():
                issue(b + _NBUF, k)

            pooled_v[b, :] = acc
        return carry

    lax.fori_loop(0, _ROWS_PER_W // _NBUF, quad_body, jnp.int32(0))
    pltpu.sync_copy(pooled_v, out_hbm.at[pl.ds(base, _ROWS_PER_W)])


_pool = functools.partial(
    pl.kernel,
    out_type=jax.ShapeDtypeStruct((BATCH, _PADC), jnp.float32),
    mesh=plsc.VectorSubcoreMesh(core_axis_name="c", subcore_axis_name="s"),
    scratch_types=[
        pltpu.VMEM((_IDX_PER_W,), jnp.int32),
        pltpu.VMEM((_NBUF, HIST, _PADC), jnp.float32),
        pltpu.VMEM((_ROWS_PER_W, _PADC), jnp.float32),
    ] + [pltpu.SemaphoreType.DMA] * _NBUF,
    compiler_params=pltpu.CompilerParams(use_tc_tiling_on_sc=False),
)(_pool_body)


def kernel(input_ids, embedding, W, b):
    idx = input_ids.astype(jnp.int32).reshape(-1)
    et = embedding.T
    w_scaled = jnp.pad(W, ((0, 0), (0, _PADC - NUM_CLASSES))) * (1.0 / HIST)
    b_scaled = (jnp.pad(b, (0, _PADC - NUM_CLASSES)) * (1.0 / HIST)
                ).reshape(1, _PADC)
    tw_packed = _tw_matmul(et, w_scaled, b_scaled)
    tw = tw_packed.reshape(-1, _PADC)
    pooled = _pool(idx, tw)
    return pooled[:, :NUM_CLASSES]

# --- scband reference (transcript-rebuilt; emitter-appended) ---
"""Pipeline reference for scband-plain-batch-dict-model-28982439313923 (READ-ONLY COPY).

The authoritative reference and input builder live on the scoring server;
editing this copy changes nothing except your own understanding.
"""

import jax, jax.numpy as jnp
import numpy as np

VOCAB = 1000000
HIDDEN = 64
NUM_CLASSES = 3
BATCH = 4096
HIST = 200


def setup_inputs(seed: int = 0) -> dict:
    key = jax.random.key(seed)
    k1, k2, k3, k4 = jax.random.split(key, 4)
    input_ids = jax.random.randint(k1, (BATCH, HIST), 0, VOCAB, dtype=jnp.int64 if jax.config.jax_enable_x64 else jnp.int32)
    embedding = jax.random.normal(k2, (VOCAB, HIDDEN), dtype=jnp.float32) * 0.02
    W = jax.random.normal(k3, (HIDDEN, NUM_CLASSES), dtype=jnp.float32) * (1.0 / np.sqrt(HIDDEN))
    b = jnp.zeros((NUM_CLASSES,), dtype=jnp.float32)
    return {"input_ids": input_ids, "embedding": embedding, "W": W, "b": b}


def reference(input_ids, embedding, W, b):
    # nn.Embedding lookup: gather rows of the table
    emb = jnp.take(embedding, input_ids, axis=0)  # [B, L, H]
    x = emb.mean(axis=1)                           # [B, H]
    logits = x @ W + b                             # [B, C]
    return logits

if __name__ == "__main__":
    import jax
    _d = setup_inputs()
    print(jax.jit(kernel)(*tuple(_d.values())))

</pallas_src>

<mosaic_0001>
#map = affine_map<(d0, d1) -> (0)>
#map1 = affine_map<(d0, d1) -> (0, 0)>
module attributes {stable_mosaic.version = 14 : i64} {
  func.func @_pool_body(%arg0: i32, %arg1: i32, %arg2: memref<819200xi32, #tpu.memory_space<hbm>>, %arg3: memref<1015808x16xf32, #tpu.memory_space<hbm>>, %arg4: memref<4096x16xf32, #tpu.memory_space<hbm>>, %arg5: memref<25600xi32, #tpu.memory_space<vmem>>, %arg6: memref<8x200x16xf32, #tpu.memory_space<vmem>>, %arg7: memref<128x16xf32, #tpu.memory_space<vmem>>, %arg8: memref<!tpu.dma_semaphore, #tpu.memory_space<semaphore_mem>>, %arg9: memref<!tpu.dma_semaphore, #tpu.memory_space<semaphore_mem>>, %arg10: memref<!tpu.dma_semaphore, #tpu.memory_space<semaphore_mem>>, %arg11: memref<!tpu.dma_semaphore, #tpu.memory_space<semaphore_mem>>, %arg12: memref<!tpu.dma_semaphore, #tpu.memory_space<semaphore_mem>>, %arg13: memref<!tpu.dma_semaphore, #tpu.memory_space<semaphore_mem>>, %arg14: memref<!tpu.dma_semaphore, #tpu.memory_space<semaphore_mem>>, %arg15: memref<!tpu.dma_semaphore, #tpu.memory_space<semaphore_mem>>) attributes {dimension_semantics = [#tpu.dimension_semantics<core_parallel>, #tpu.dimension_semantics<subcore_parallel>], iteration_bounds = array<i64: 2, 16>, scalar_prefetch = 0 : i64, scratch_operands = 11 : i64, tpu.core_type = #tpu.core_type<sc_vector_subcore>, window_params = [{transform_indices = #map}, {transform_indices = #map1}, {transform_indices = #map1}]} {
    %mul3A = arith.constant 2 : i32
    %mul3A_0 = arith.muli %arg1, %mul3A : i32
    %add3A = arith.addi %mul3A_0, %arg0 : i32
    %mul3A_1 = arith.constant 128 : i32
    %mul3A_2 = arith.muli %add3A, %mul3A_1 : i32
    %mul3A_3 = arith.constant 200 : i32
    %mul3A_4 = arith.muli %mul3A_2, %mul3A_3 : i32
    "tpu.region"() ({
      %run_scoped3A = tpu.sem_alloc : memref<!tpu.dma_semaphore, #tpu.memory_space<semaphore_mem>>
      %dma_start3A_175 = tpu.memref_slice %arg2[%mul3A_4] : memref<819200xi32, #tpu.memory_space<hbm>> -> memref<25600xi32, #tpu.memory_space<hbm>>
      %dma_start3A_176 = tpu.memref_slice %arg2[%mul3A_4] : memref<819200xi32, #tpu.memory_space<hbm>> -> memref<25600xi32, #tpu.memory_space<hbm>>
      tpu.enqueue_dma source(%dma_start3A_176 : memref<25600xi32, #tpu.memory_space<hbm>>) target(%arg5 : memref<25600xi32, #tpu.memory_space<vmem>>) target_semaphore(%run_scoped3A : memref<!tpu.dma_semaphore, #tpu.memory_space<semaphore_mem>>)
      %dma_wait3A = tpu.memref_slice %arg2[%mul3A_4] : memref<819200xi32, #tpu.memory_space<hbm>> -> memref<25600xi32, #tpu.memory_space<hbm>>
      %dma_wait3A_177 = tpu.memref_slice %arg2[%mul3A_4] : memref<819200xi32, #tpu.memory_space<hbm>> -> memref<25600xi32, #tpu.memory_space<hbm>>
      tpu.wait_dma2 semaphore(%run_scoped3A : memref<!tpu.dma_semaphore, #tpu.memory_space<semaphore_mem>>) src(%dma_wait3A_177 : memref<25600xi32, #tpu.memory_space<hbm>>) dst(%arg5 : memref<25600xi32, #tpu.memory_space<vmem>>)
      tpu.yield
    }) : () -> ()
    %scan3A = arith.constant 0 : i32
    %scan3A_5 = arith.constant 0 : i32
    %scan3A_6 = arith.constant 400 : i32
    %scan3A_7 = arith.addi %scan3A_5, %scan3A_6 : i32
    %scan3A_8 = arith.constant 1 : i32
    scf.for %scan3A_175 = %scan3A_5 to %scan3A_7 step %scan3A_8  : i32 {
      %mul3A_176 = arith.constant 4 : i32
      %mul3A_177 = arith.muli %scan3A_175, %mul3A_176 : i32
      %add3A_178 = arith.constant 0 : i32
      %add3A_179 = arith.addi %mul3A_177, %add3A_178 : i32
      %mul3A_180 = arith.constant 16 : i32
      %mul3A_181 = arith.muli %add3A_179, %mul3A_180 : i32
      %get3A = arith.index_cast %mul3A_181 : i32 to index
      %get3A_182 = tpu.vector_load %arg5[%get3A] {strides = array<i32>} : memref<25600xi32, #tpu.memory_space<vmem>>, vector<16xi32>,
      %get3A_183 = vector.shape_cast %get3A_182 : vector<16xi32> to vector<16xi32>
      %shift_right_arithmetic3A = arith.constant 14 : i32
      %shift_right_arithmetic3A_184 = vector.broadcast %shift_right_arithmetic3A : i32 to vector<16xi32>
      %shift_right_arithmetic3A_185 = arith.shrsi %get3A_183, %shift_right_arithmetic3A_184 : vector<16xi32>
      %shift_left3A = arith.constant 14 : i32
      %shift_left3A_186 = vector.broadcast %shift_left3A : i32 to vector<16xi32>
      %shift_left3A_187 = arith.shli %shift_right_arithmetic3A_185, %shift_left3A_186 : vector<16xi32>
      %and3A = arith.constant 2047 : i32
      %and3A_188 = vector.broadcast %and3A : i32 to vector<16xi32>
      %and3A_189 = arith.andi %get3A_183, %and3A_188 : vector<16xi32>
      %shift_left3A_190 = arith.constant 3 : i32
      %shift_left3A_191 = vector.broadcast %shift_left3A_190 : i32 to vector<16xi32>
      %shift_left3A_192 = arith.shli %and3A_189, %shift_left3A_191 : vector<16xi32>
      %or3A = arith.ori %shift_left3A_187, %shift_left3A_192 : vector<16xi32>
      %shift_right_arithmetic3A_193 = arith.constant 11 : i32
      %shift_right_arithmetic3A_194 = vector.broadcast %shift_right_arithmetic3A_193 : i32 to vector<16xi32>
      %shift_right_arithmetic3A_195 = arith.shrsi %get3A_183, %shift_right_arithmetic3A_194 : vector<16xi32>
      %and3A_196 = arith.constant 7 : i32
      %and3A_197 = vector.broadcast %and3A_196 : i32 to vector<16xi32>
      %and3A_198 = arith.andi %shift_right_arithmetic3A_195, %and3A_197 : vector<16xi32>
      %or3A_199 = arith.ori %or3A, %and3A_198 : vector<16xi32>
      %swap3A = arith.index_cast %mul3A_181 : i32 to index
      %swap3A_200 = tpu.vector_load %arg5[%swap3A] {strides = array<i32>} : memref<25600xi32, #tpu.memory_space<vmem>>, vector<16xi32>,
      %swap3A_201 = vector.shape_cast %swap3A_200 : vector<16xi32> to vector<16xi32>
      %swap3A_202 = vector.shape_cast %or3A_199 : vector<16xi32> to vector<16xi32>
      tpu.vector_store %arg5[%swap3A], %swap3A_202 {strides = array<i32>} : memref<25600xi32, #tpu.memory_space<vmem>>, vector<16xi32>,
      %mul3A_203 = arith.constant 4 : i32
      %mul3A_204 = arith.muli %scan3A_175, %mul3A_203 : i32
      %add3A_205 = arith.constant 1 : i32
      %add3A_206 = arith.addi %mul3A_204, %add3A_205 : i32
      %mul3A_207 = arith.constant 16 : i32
      %mul3A_208 = arith.muli %add3A_206, %mul3A_207 : i32
      %get3A_209 = arith.index_cast %mul3A_208 : i32 to index
      %get3A_210 = tpu.vector_load %arg5[%get3A_209] {strides = array<i32>} : memref<25600xi32, #tpu.memory_space<vmem>>, vector<16xi32>,
      %get3A_211 = vector.shape_cast %get3A_210 : vector<16xi32> to vector<16xi32>
      %shift_right_arithmetic3A_212 = arith.constant 14 : i32
      %shift_right_arithmetic3A_213 = vector.broadcast %shift_right_arithmetic3A_212 : i32 to vector<16xi32>
      %shift_right_arithmetic3A_214 = arith.shrsi %get3A_211, %shift_right_arithmetic3A_213 : vector<16xi32>
      %shift_left3A_215 = arith.constant 14 : i32
      %shift_left3A_216 = vector.broadcast %shift_left3A_215 : i32 to vector<16xi32>
      %shift_left3A_217 = arith.shli %shift_right_arithmetic3A_214, %shift_left3A_216 : vector<16xi32>
      %and3A_218 = arith.constant 2047 : i32
      %and3A_219 = vector.broadcast %and3A_218 : i32 to vector<16xi32>
      %and3A_220 = arith.andi %get3A_211, %and3A_219 : vector<16xi32>
      %shift_left3A_221 = arith.constant 3 : i32
      %shift_left3A_222 = vector.broadcast %shift_left3A_221 : i32 to vector<16xi32>
      %shift_left3A_223 = arith.shli %and3A_220, %shift_left3A_222 : vector<16xi32>
      %or3A_224 = arith.ori %shift_left3A_217, %shift_left3A_223 : vector<16xi32>
      %shift_right_arithmetic3A_225 = arith.constant 11 : i32
      %shift_right_arithmetic3A_226 = vector.broadcast %shift_right_arithmetic3A_225 : i32 to vector<16xi32>
      %shift_right_arithmetic3A_227 = arith.shrsi %get3A_211, %shift_right_arithmetic3A_226 : vector<16xi32>
      %and3A_228 = arith.constant 7 : i32
      %and3A_229 = vector.broadcast %and3A_228 : i32 to vector<16xi32>
      %and3A_230 = arith.andi %shift_right_arithmetic3A_227, %and3A_229 : vector<16xi32>
      %or3A_231 = arith.ori %or3A_224, %and3A_230 : vector<16xi32>
      %swap3A_232 = arith.index_cast %mul3A_208 : i32 to index
      %swap3A_233 = tpu.vector_load %arg5[%swap3A_232] {strides = array<i32>} : memref<25600xi32, #tpu.memory_space<vmem>>, vector<16xi32>,
      %swap3A_234 = vector.shape_cast %swap3A_233 : vector<16xi32> to vector<16xi32>
      %swap3A_235 = vector.shape_cast %or3A_231 : vector<16xi32> to vector<16xi32>
      tpu.vector_store %arg5[%swap3A_232], %swap3A_235 {strides = array<i32>} : memref<25600xi32, #tpu.memory_space<vmem>>, vector<16xi32>,
      %mul3A_236 = arith.constant 4 : i32
      %mul3A_237 = arith.muli %scan3A_175, %mul3A_236 : i32
      %add3A_238 = arith.constant 2 : i32
      %add3A_239 = arith.addi %mul3A_237, %add3A_238 : i32
      %mul3A_240 = arith.constant 16 : i32
      %mul3A_241 = arith.muli %add3A_239, %mul3A_240 : i32
      %get3A_242 = arith.index_cast %mul3A_241 : i32 to index
      %get3A_243 = tpu.vector_load %arg5[%get3A_242] {strides = array<i32>} : memref<25600xi32, #tpu.memory_space<vmem>>, vector<16xi32>,
      %get3A_244 = vector.shape_cast %get3A_243 : vector<16xi32> to vector<16xi32>
      %shift_right_arithmetic3A_245 = arith.constant 14 : i32
      %shift_right_arithmetic3A_246 = vector.broadcast %shift_right_arithmetic3A_245 : i32 to vector<16xi32>
      %shift_right_arithmetic3A_247 = arith.shrsi %get3A_244, %shift_right_arithmetic3A_246 : vector<16xi32>
      %shift_left3A_248 = arith.constant 14 : i32
      %shift_left3A_249 = vector.broadcast %shift_left3A_248 : i32 to vector<16xi32>
      %shift_left3A_250 = arith.shli %shift_right_arithmetic3A_247, %shift_left3A_249 : vector<16xi32>
      %and3A_251 = arith.constant 2047 : i32
      %and3A_252 = vector.broadcast %and3A_251 : i32 to vector<16xi32>
      %and3A_253 = arith.andi %get3A_244, %and3A_252 : vector<16xi32>
      %shift_left3A_254 = arith.constant 3 : i32
      %shift_left3A_255 = vector.broadcast %shift_left3A_254 : i32 to vector<16xi32>
      %shift_left3A_256 = arith.shli %and3A_253, %shift_left3A_255 : vector<16xi32>
      %or3A_257 = arith.ori %shift_left3A_250, %shift_left3A_256 : vector<16xi32>
      %shift_right_arithmetic3A_258 = arith.constant 11 : i32
      %shift_right_arithmetic3A_259 = vector.broadcast %shift_right_arithmetic3A_258 : i32 to vector<16xi32>
      %shift_right_arithmetic3A_260 = arith.shrsi %get3A_244, %shift_right_arithmetic3A_259 : vector<16xi32>
      %and3A_261 = arith.constant 7 : i32
      %and3A_262 = vector.broadcast %and3A_261 : i32 to vector<16xi32>
      %and3A_263 = arith.andi %shift_right_arithmetic3A_260, %and3A_262 : vector<16xi32>
      %or3A_264 = arith.ori %or3A_257, %and3A_263 : vector<16xi32>
      %swap3A_265 = arith.index_cast %mul3A_241 : i32 to index
      %swap3A_266 = tpu.vector_load %arg5[%swap3A_265] {strides = array<i32>} : memref<25600xi32, #tpu.memory_space<vmem>>, vector<16xi32>,
      %swap3A_267 = vector.shape_cast %swap3A_266 : vector<16xi32> to vector<16xi32>
      %swap3A_268 = vector.shape_cast %or3A_264 : vector<16xi32> to vector<16xi32>
      tpu.vector_store %arg5[%swap3A_265], %swap3A_268 {strides = array<i32>} : memref<25600xi32, #tpu.memory_space<vmem>>, vector<16xi32>,
      %mul3A_269 = arith.constant 4 : i32
      %mul3A_270 = arith.muli %scan3A_175, %mul3A_269 : i32
      %add3A_271 = arith.constant 3 : i32
      %add3A_272 = arith.addi %mul3A_270, %add3A_271 : i32
      %mul3A_273 = arith.constant 16 : i32
      %mul3A_274 = arith.muli %add3A_272, %mul3A_273 : i32
      %get3A_275 = arith.index_cast %mul3A_274 : i32 to index
      %get3A_276 = tpu.vector_load %arg5[%get3A_275] {strides = array<i32>} : memref<25600xi32, #tpu.memory_space<vmem>>, vector<16xi32>,
      %get3A_277 = vector.shape_cast %get3A_276 : vector<16xi32> to vector<16xi32>
      %shift_right_arithmetic3A_278 = arith.constant 14 : i32
      %shift_right_arithmetic3A_279 = vector.broadcast %shift_right_arithmetic3A_278 : i32 to vector<16xi32>
      %shift_right_arithmetic3A_280 = arith.shrsi %get3A_277, %shift_right_arithmetic3A_279 : vector<16xi32>
      %shift_left3A_281 = arith.constant 14 : i32
      %shift_left3A_282 = vector.broadcast %shift_left3A_281 : i32 to vector<16xi32>
      %shift_left3A_283 = arith.shli %shift_right_arithmetic3A_280, %shift_left3A_282 : vector<16xi32>
      %and3A_284 = arith.constant 2047 : i32
      %and3A_285 = vector.broadcast %and3A_284 : i32 to vector<16xi32>
      %and3A_286 = arith.andi %get3A_277, %and3A_285 : vector<16xi32>
      %shift_left3A_287 = arith.constant 3 : i32
      %shift_left3A_288 = vector.broadcast %shift_left3A_287 : i32 to vector<16xi32>
      %shift_left3A_289 = arith.shli %and3A_286, %shift_left3A_288 : vector<16xi32>
      %or3A_290 = arith.ori %shift_left3A_283, %shift_left3A_289 : vector<16xi32>
      %shift_right_arithmetic3A_291 = arith.constant 11 : i32
      %shift_right_arithmetic3A_292 = vector.broadcast %shift_right_arithmetic3A_291 : i32 to vector<16xi32>
      %shift_right_arithmetic3A_293 = arith.shrsi %get3A_277, %shift_right_arithmetic3A_292 : vector<16xi32>
      %and3A_294 = arith.constant 7 : i32
      %and3A_295 = vector.broadcast %and3A_294 : i32 to vector<16xi32>
      %and3A_296 = arith.andi %shift_right_arithmetic3A_293, %and3A_295 : vector<16xi32>
      %or3A_297 = arith.ori %or3A_290, %and3A_296 : vector<16xi32>
      %swap3A_298 = arith.index_cast %mul3A_274 : i32 to index
      %swap3A_299 = tpu.vector_load %arg5[%swap3A_298] {strides = array<i32>} : memref<25600xi32, #tpu.memory_space<vmem>>, vector<16xi32>,
      %swap3A_300 = vector.shape_cast %swap3A_299 : vector<16xi32> to vector<16xi32>
      %swap3A_301 = vector.shape_cast %or3A_297 : vector<16xi32> to vector<16xi32>
      tpu.vector_store %arg5[%swap3A_298], %swap3A_301 {strides = array<i32>} : memref<25600xi32, #tpu.memory_space<vmem>>, vector<16xi32>,
    }
    %scan3A_9 = arith.constant 400 : i32
    %dma_start3A = arith.constant 0 : i32
    %dma_start3A_10 = arith.constant 0 : i32
    %dma_start3A_11 = arith.constant 0 : i32
    %dma_start3A_12 = tpu.memref_slice %arg6[%dma_start3A, %dma_start3A_10, %dma_start3A_11] : memref<8x200x16xf32, #tpu.memory_space<vmem>> -> memref<1x128x16xf32, #tpu.memory_space<vmem>>
    %dma_start3A_13 = tpu.memref_squeeze %dma_start3A_12 : memref<1x128x16xf32, #tpu.memory_space<vmem>> -> memref<128x16xf32, #tpu.memory_space<vmem>>
    %dma_start3A_14 = arith.constant 0 : i32
    %dma_start3A_15 = tpu.memref_slice %arg5[%dma_start3A_14] : memref<25600xi32, #tpu.memory_space<vmem>> -> memref<128xi32, #tpu.memory_space<vmem>>
    %dma_start3A_16 = arith.constant 0 : i32
    %dma_start3A_17 = arith.constant 0 : i32
    %dma_start3A_18 = tpu.memref_slice %arg3[%dma_start3A_16, %dma_start3A_17] : memref<1015808x16xf32, #tpu.memory_space<hbm>> -> memref<1015808x16xf32, #tpu.memory_space<hbm>>
    tpu.enqueue_indirect_dma source(%dma_start3A_18 : memref<1015808x16xf32, #tpu.memory_space<hbm>>) target(%dma_start3A_13 : memref<128x16xf32, #tpu.memory_space<vmem>>) offsets(%dma_start3A_15 : memref<128xi32, #tpu.memory_space<vmem>>) semaphore(%arg8 : memref<!tpu.dma_semaphore, #tpu.memory_space<semaphore_mem>>)
    %dma_start3A_19 = arith.constant 0 : i32
    %dma_start3A_20 = arith.constant 128 : i32
    %dma_start3A_21 = arith.constant 0 : i32
    %dma_start3A_22 = tpu.memref_slice %arg6[%dma_start3A_19, %dma_start3A_20, %dma_start3A_21] : memref<8x200x16xf32, #tpu.memory_space<vmem>> -> memref<1x72x16xf32, #tpu.memory_space<vmem>>
    %dma_start3A_23 = tpu.memref_squeeze %dma_start3A_22 : memref<1x72x16xf32, #tpu.memory_space<vmem>> -> memref<72x16xf32, #tpu.memory_space<vmem>>
    %dma_start3A_24 = arith.constant 128 : i32
    %dma_start3A_25 = tpu.memref_slice %arg5[%dma_start3A_24] : memref<25600xi32, #tpu.memory_space<vmem>> -> memref<72xi32, #tpu.memory_space<vmem>>
    %dma_start3A_26 = arith.constant 0 : i32
    %dma_start3A_27 = arith.constant 0 : i32
    %dma_start3A_28 = tpu.memref_slice %arg3[%dma_start3A_26, %dma_start3A_27] : memref<1015808x16xf32, #tpu.memory_space<hbm>> -> memref<1015808x16xf32, #tpu.memory_space<hbm>>
    tpu.enqueue_indirect_dma source(%dma_start3A_28 : memref<1015808x16xf32, #tpu.memory_space<hbm>>) target(%dma_start3A_23 : memref<72x16xf32, #tpu.memory_space<vmem>>) offsets(%dma_start3A_25 : memref<72xi32, #tpu.memory_space<vmem>>) semaphore(%arg8 : memref<!tpu.dma_semaphore, #tpu.memory_space<semaphore_mem>>)
    %dma_start3A_29 = arith.constant 1 : i32
    %dma_start3A_30 = arith.constant 0 : i32
    %dma_start3A_31 = arith.constant 0 : i32
    %dma_start3A_32 = tpu.memref_slice %arg6[%dma_start3A_29, %dma_start3A_30, %dma_start3A_31] : memref<8x200x16xf32, #tpu.memory_space<vmem>> -> memref<1x128x16xf32, #tpu.memory_space<vmem>>
    %dma_start3A_33 = tpu.memref_squeeze %dma_start3A_32 : memref<1x128x16xf32, #tpu.memory_space<vmem>> -> memref<128x16xf32, #tpu.memory_space<vmem>>
    %dma_start3A_34 = arith.constant 200 : i32
    %dma_start3A_35 = tpu.memref_slice %arg5[%dma_start3A_34] : memref<25600xi32, #tpu.memory_space<vmem>> -> memref<128xi32, #tpu.memory_space<vmem>>
    %dma_start3A_36 = arith.constant 0 : i32
    %dma_start3A_37 = arith.constant 0 : i32
    %dma_start3A_38 = tpu.memref_slice %arg3[%dma_start3A_36, %dma_start3A_37] : memref<1015808x16xf32, #tpu.memory_space<hbm>> -> memref<1015808x16xf32, #tpu.memory_space<hbm>>
    tpu.enqueue_indirect_dma source(%dma_start3A_38 : memref<1015808x16xf32, #tpu.memory_space<hbm>>) target(%dma_start3A_33 : memref<128x16xf32, #tpu.memory_space<vmem>>) offsets(%dma_start3A_35 : memref<128xi32, #tpu.memory_space<vmem>>) semaphore(%arg9 : memref<!tpu.dma_semaphore, #tpu.memory_space<semaphore_mem>>)
    %dma_start3A_39 = arith.constant 1 : i32
    %dma_start3A_40 = arith.constant 128 : i32
    %dma_start3A_41 = arith.constant 0 : i32
    %dma_start3A_42 = tpu.memref_slice %arg6[%dma_start3A_39, %dma_start3A_40, %dma_start3A_41] : memref<8x200x16xf32, #tpu.memory_space<vmem>> -> memref<1x72x16xf32, #tpu.memory_space<vmem>>
    %dma_start3A_43 = tpu.memref_squeeze %dma_start3A_42 : memref<1x72x16xf32, #tpu.memory_space<vmem>> -> memref<72x16xf32, #tpu.memory_space<vmem>>
    %dma_start3A_44 = arith.constant 328 : i32
    %dma_start3A_45 = tpu.memref_slice %arg5[%dma_start3A_44] : memref<25600xi32, #tpu.memory_space<vmem>> -> memref<72xi32, #tpu.memory_space<vmem>>
    %dma_start3A_46 = arith.constant 0 : i32
    %dma_start3A_47 = arith.constant 0 : i32
    %dma_start3A_48 = tpu.memref_slice %arg3[%dma_start3A_46, %dma_start3A_47] : memref<1015808x16xf32, #tpu.memory_space<hbm>> -> memref<1015808x16xf32, #tpu.memory_space<hbm>>
    tpu.enqueue_indirect_dma source(%dma_start3A_48 : memref<1015808x16xf32, #tpu.memory_space<hbm>>) target(%dma_start3A_43 : memref<72x16xf32, #tpu.memory_space<vmem>>) offsets(%dma_start3A_45 : memref<72xi32, #tpu.memory_space<vmem>>) semaphore(%arg9 : memref<!tpu.dma_semaphore, #tpu.memory_space<semaphore_mem>>)
    %dma_start3A_49 = arith.constant 2 : i32
    %dma_start3A_50 = arith.constant 0 : i32
    %dma_start3A_51 = arith.constant 0 : i32
    %dma_start3A_52 = tpu.memref_slice %arg6[%dma_start3A_49, %dma_start3A_50, %dma_start3A_51] : memref<8x200x16xf32, #tpu.memory_space<vmem>> -> memref<1x128x16xf32, #tpu.memory_space<vmem>>
    %dma_start3A_53 = tpu.memref_squeeze %dma_start3A_52 : memref<1x128x16xf32, #tpu.memory_space<vmem>> -> memref<128x16xf32, #tpu.memory_space<vmem>>
    %dma_start3A_54 = arith.constant 400 : i32
    %dma_start3A_55 = tpu.memref_slice %arg5[%dma_start3A_54] : memref<25600xi32, #tpu.memory_space<vmem>> -> memref<128xi32, #tpu.memory_space<vmem>>
    %dma_start3A_56 = arith.constant 0 : i32
    %dma_start3A_57 = arith.constant 0 : i32
    %dma_start3A_58 = tpu.memref_slice %arg3[%dma_start3A_56, %dma_start3A_57] : memref<1015808x16xf32, #tpu.memory_space<hbm>> -> memref<1015808x16xf32, #tpu.memory_space<hbm>>
    tpu.enqueue_indirect_dma source(%dma_start3A_58 : memref<1015808x16xf32, #tpu.memory_space<hbm>>) target(%dma_start3A_53 : memref<128x16xf32, #tpu.memory_space<vmem>>) offsets(%dma_start3A_55 : memref<128xi32, #tpu.memory_space<vmem>>) semaphore(%arg10 : memref<!tpu.dma_semaphore, #tpu.memory_space<semaphore_mem>>)
    %dma_start3A_59 = arith.constant 2 : i32
    %dma_start3A_60 = arith.constant 128 : i32
    %dma_start3A_61 = arith.constant 0 : i32
    %dma_start3A_62 = tpu.memref_slice %arg6[%dma_start3A_59, %dma_start3A_60, %dma_start3A_61] : memref<8x200x16xf32, #tpu.memory_space<vmem>> -> memref<1x72x16xf32, #tpu.memory_space<vmem>>
    %dma_start3A_63 = tpu.memref_squeeze %dma_start3A_62 : memref<1x72x16xf32, #tpu.memory_space<vmem>> -> memref<72x16xf32, #tpu.memory_space<vmem>>
    %dma_start3A_64 = arith.constant 528 : i32
    %dma_start3A_65 = tpu.memref_slice %arg5[%dma_start3A_64] : memref<25600xi32, #tpu.memory_space<vmem>> -> memref<72xi32, #tpu.memory_space<vmem>>
    %dma_start3A_66 = arith.constant 0 : i32
    %dma_start3A_67 = arith.constant 0 : i32
    %dma_start3A_68 = tpu.memref_slice %arg3[%dma_start3A_66, %dma_start3A_67] : memref<1015808x16xf32, #tpu.memory_space<hbm>> -> memref<1015808x16xf32, #tpu.memory_space<hbm>>
    tpu.enqueue_indirect_dma source(%dma_start3A_68 : memref<1015808x16xf32, #tpu.memory_space<hbm>>) target(%dma_start3A_63 : memref<72x16xf32, #tpu.memory_space<vmem>>) offsets(%dma_start3A_65 : memref<72xi32, #tpu.memory_space<vmem>>) semaphore(%arg10 : memref<!tpu.dma_semaphore, #tpu.memory_space<semaphore_mem>>)
    %dma_start3A_69 = arith.constant 3 : i32
    %dma_start3A_70 = arith.constant 0 : i32
    %dma_start3A_71 = arith.constant 0 : i32
    %dma_start3A_72 = tpu.memref_slice %arg6[%dma_start3A_69, %dma_start3A_70, %dma_start3A_71] : memref<8x200x16xf32, #tpu.memory_space<vmem>> -> memref<1x128x16xf32, #tpu.memory_space<vmem>>
    %dma_start3A_73 = tpu.memref_squeeze %dma_start3A_72 : memref<1x128x16xf32, #tpu.memory_space<vmem>> -> memref<128x16xf32, #tpu.memory_space<vmem>>
    %dma_start3A_74 = arith.constant 600 : i32
    %dma_start3A_75 = tpu.memref_slice %arg5[%dma_start3A_74] : memref<25600xi32, #tpu.memory_space<vmem>> -> memref<128xi32, #tpu.memory_space<vmem>>
    %dma_start3A_76 = arith.constant 0 : i32
    %dma_start3A_77 = arith.constant 0 : i32
    %dma_start3A_78 = tpu.memref_slice %arg3[%dma_start3A_76, %dma_start3A_77] : memref<1015808x16xf32, #tpu.memory_space<hbm>> -> memref<1015808x16xf32, #tpu.memory_space<hbm>>
    tpu.enqueue_indirect_dma source(%dma_start3A_78 : memref<1015808x16xf32, #tpu.memory_space<hbm>>) target(%dma_start3A_73 : memref<128x16xf32, #tpu.memory_space<vmem>>) offsets(%dma_start3A_75 : memref<128xi32, #tpu.memory_space<vmem>>) semaphore(%arg11 : memref<!tpu.dma_semaphore, #tpu.memory_space<semaphore_mem>>)
    %dma_start3A_79 = arith.constant 3 : i32
    %dma_start3A_80 = arith.constant 128 : i32
    %dma_start3A_81 = arith.constant 0 : i32
    %dma_start3A_82 = tpu.memref_slice %arg6[%dma_start3A_79, %dma_start3A_80, %dma_start3A_81] : memref<8x200x16xf32, #tpu.memory_space<vmem>> -> memref<1x72x16xf32, #tpu.memory_space<vmem>>
    %dma_start3A_83 = tpu.memref_squeeze %dma_start3A_82 : memref<1x72x16xf32, #tpu.memory_space<vmem>> -> memref<72x16xf32, #tpu.memory_space<vmem>>
    %dma_start3A_84 = arith.constant 728 : i32
    %dma_start3A_85 = tpu.memref_slice %arg5[%dma_start3A_84] : memref<25600xi32, #tpu.memory_space<vmem>> -> memref<72xi32, #tpu.memory_space<vmem>>
    %dma_start3A_86 = arith.constant 0 : i32
    %dma_start3A_87 = arith.constant 0 : i32
    %dma_start3A_88 = tpu.memref_slice %arg3[%dma_start3A_86, %dma_start3A_87] : memref<1015808x16xf32, #tpu.memory_space<hbm>> -> memref<1015808x16xf32, #tpu.memory_space<hbm>>
    tpu.enqueue_indirect_dma source(%dma_start3A_88 : memref<1015808x16xf32, #tpu.memory_space<hbm>>) target(%dma_start3A_83 : memref<72x16xf32, #tpu.memory_space<vmem>>) offsets(%dma_start3A_85 : memref<72xi32, #tpu.memory_space<vmem>>) semaphore(%arg11 : memref<!tpu.dma_semaphore, #tpu.memory_space<semaphore_mem>>)
    %dma_start3A_89 = arith.constant 4 : i32
    %dma_start3A_90 = arith.constant 0 : i32
    %dma_start3A_91 = arith.constant 0 : i32
    %dma_start3A_92 = tpu.memref_slice %arg6[%dma_start3A_89, %dma_start3A_90, %dma_start3A_91] : memref<8x200x16xf32, #tpu.memory_space<vmem>> -> memref<1x128x16xf32, #tpu.memory_space<vmem>>
    %dma_start3A_93 = tpu.memref_squeeze %dma_start3A_92 : memref<1x128x16xf32, #tpu.memory_space<vmem>> -> memref<128x16xf32, #tpu.memory_space<vmem>>
    %dma_start3A_94 = arith.constant 800 : i32
    %dma_start3A_95 = tpu.memref_slice %arg5[%dma_start3A_94] : memref<25600xi32, #tpu.memory_space<vmem>> -> memref<128xi32, #tpu.memory_space<vmem>>
    %dma_start3A_96 = arith.constant 0 : i32
    %dma_start3A_97 = arith.constant 0 : i32
    %dma_start3A_98 = tpu.memref_slice %arg3[%dma_start3A_96, %dma_start3A_97] : memref<1015808x16xf32, #tpu.memory_space<hbm>> -> memref<1015808x16xf32, #tpu.memory_space<hbm>>
    tpu.enqueue_indirect_dma source(%dma_start3A_98 : memref<1015808x16xf32, #tpu.memory_space<hbm>>) target(%dma_start3A_93 : memref<128x16xf32, #tpu.memory_space<vmem>>) offsets(%dma_start3A_95 : memref<128xi32, #tpu.memory_space<vmem>>) semaphore(%arg12 : memref<!tpu.dma_semaphore, #tpu.memory_space<semaphore_mem>>)
    %dma_start3A_99 = arith.constant 4 : i32
    %dma_start3A_100 = arith.constant 128 : i32
    %dma_start3A_101 = arith.constant 0 : i32
    %dma_start3A_102 = tpu.memref_slice %arg6[%dma_start3A_99, %dma_start3A_100, %dma_start3A_101] : memref<8x200x16xf32, #tpu.memory_space<vmem>> -> memref<1x72x16xf32, #tpu.memory_space<vmem>>
    %dma_start3A_103 = tpu.memref_squeeze %dma_start3A_102 : memref<1x72x16xf32, #tpu.memory_space<vmem>> -> memref<72x16xf32, #tpu.memory_space<vmem>>
    %dma_start3A_104 = arith.constant 928 : i32
    %dma_start3A_105 = tpu.memref_slice %arg5[%dma_start3A_104] : memref<25600xi32, #tpu.memory_space<vmem>> -> memref<72xi32, #tpu.memory_space<vmem>>
    %dma_start3A_106 = arith.constant 0 : i32
    %dma_start3A_107 = arith.constant 0 : i32
    %dma_start3A_108 = tpu.memref_slice %arg3[%dma_start3A_106, %dma_start3A_107] : memref<1015808x16xf32, #tpu.memory_space<hbm>> -> memref<1015808x16xf32, #tpu.memory_space<hbm>>
    tpu.enqueue_indirect_dma source(%dma_start3A_108 : memref<1015808x16xf32, #tpu.memory_space<hbm>>) target(%dma_start3A_103 : memref<72x16xf32, #tpu.memory_space<vmem>>) offsets(%dma_start3A_105 : memref<72xi32, #tpu.memory_space<vmem>>) semaphore(%arg12 : memref<!tpu.dma_semaphore, #tpu.memory_space<semaphore_mem>>)
    %dma_start3A_109 = arith.constant 5 : i32
    %dma_start3A_110 = arith.constant 0 : i32
    %dma_start3A_111 = arith.constant 0 : i32
    %dma_start3A_112 = tpu.memref_slice %arg6[%dma_start3A_109, %dma_start3A_110, %dma_start3A_111] : memref<8x200x16xf32, #tpu.memory_space<vmem>> -> memref<1x128x16xf32, #tpu.memory_space<vmem>>
    %dma_start3A_113 = tpu.memref_squeeze %dma_start3A_112 : memref<1x128x16xf32, #tpu.memory_space<vmem>> -> memref<128x16xf32, #tpu.memory_space<vmem>>
    %dma_start3A_114 = arith.constant 1000 : i32
    %dma_start3A_115 = tpu.memref_slice %arg5[%dma_start3A_114] : memref<25600xi32, #tpu.memory_space<vmem>> -> memref<128xi32, #tpu.memory_space<vmem>>
    %dma_start3A_116 = arith.constant 0 : i32
    %dma_start3A_117 = arith.constant 0 : i32
    %dma_start3A_118 = tpu.memref_slice %arg3[%dma_start3A_116, %dma_start3A_117] : memref<1015808x16xf32, #tpu.memory_space<hbm>> -> memref<1015808x16xf32, #tpu.memory_space<hbm>>
    tpu.enqueue_indirect_dma source(%dma_start3A_118 : memref<1015808x16xf32, #tpu.memory_space<hbm>>) target(%dma_start3A_113 : memref<128x16xf32, #tpu.memory_space<vmem>>) offsets(%dma_start3A_115 : memref<128xi32, #tpu.memory_space<vmem>>) semaphore(%arg13 : memref<!tpu.dma_semaphore, #tpu.memory_space<semaphore_mem>>)
    %dma_start3A_119 = arith.constant 5 : i32
    %dma_start3A_120 = arith.constant 128 : i32
    %dma_start3A_121 = arith.constant 0 : i32
    %dma_start3A_122 = tpu.memref_slice %arg6[%dma_start3A_119, %dma_start3A_120, %dma_start3A_121] : memref<8x200x16xf32, #tpu.memory_space<vmem>> -> memref<1x72x16xf32, #tpu.memory_space<vmem>>
    %dma_start3A_123 = tpu.memref_squeeze %dma_start3A_122 : memref<1x72x16xf32, #tpu.memory_space<vmem>> -> memref<72x16xf32, #tpu.memory_space<vmem>>
    %dma_start3A_124 = arith.constant 1128 : i32
    %dma_start3A_125 = tpu.memref_slice %arg5[%dma_start3A_124] : memref<25600xi32, #tpu.memory_space<vmem>> -> memref<72xi32, #tpu.memory_space<vmem>>
    %dma_start3A_126 = arith.constant 0 : i32
    %dma_start3A_127 = arith.constant 0 : i32
    %dma_start3A_128 = tpu.memref_slice %arg3[%dma_start3A_126, %dma_start3A_127] : memref<1015808x16xf32, #tpu.memory_space<hbm>> -> memref<1015808x16xf32, #tpu.memory_space<hbm>>
    tpu.enqueue_indirect_dma source(%dma_start3A_128 : memref<1015808x16xf32, #tpu.memory_space<hbm>>) target(%dma_start3A_123 : memref<72x16xf32, #tpu.memory_space<vmem>>) offsets(%dma_start3A_125 : memref<72xi32, #tpu.memory_space<vmem>>) semaphore(%arg13 : memref<!tpu.dma_semaphore, #tpu.memory_space<semaphore_mem>>)
    %dma_start3A_129 = arith.constant 6 : i32
    %dma_start3A_130 = arith.constant 0 : i32
    %dma_start3A_131 = arith.constant 0 : i32
    %dma_start3A_132 = tpu.memref_slice %arg6[%dma_start3A_129, %dma_start3A_130, %dma_start3A_131] : memref<8x200x16xf32, #tpu.memory_space<vmem>> -> memref<1x128x16xf32, #tpu.memory_space<vmem>>
    %dma_start3A_133 = tpu.memref_squeeze %dma_start3A_132 : memref<1x128x16xf32, #tpu.memory_space<vmem>> -> memref<128x16xf32, #tpu.memory_space<vmem>>
    %dma_start3A_134 = arith.constant 1200 : i32
    %dma_start3A_135 = tpu.memref_slice %arg5[%dma_start3A_134] : memref<25600xi32, #tpu.memory_space<vmem>> -> memref<128xi32, #tpu.memory_space<vmem>>
    %dma_start3A_136 = arith.constant 0 : i32
    %dma_start3A_137 = arith.constant 0 : i32
    %dma_start3A_138 = tpu.memref_slice %arg3[%dma_start3A_136, %dma_start3A_137] : memref<1015808x16xf32, #tpu.memory_space<hbm>> -> memref<1015808x16xf32, #tpu.memory_space<hbm>>
    tpu.enqueue_indirect_dma source(%dma_start3A_138 : memref<1015808x16xf32, #tpu.memory_space<hbm>>) target(%dma_start3A_133 : memref<128x16xf32, #tpu.memory_space<vmem>>) offsets(%dma_start3A_135 : memref<128xi32, #tpu.memory_space<vmem>>) semaphore(%arg14 : memref<!tpu.dma_semaphore, #tpu.memory_space<semaphore_mem>>)
    %dma_start3A_139 = arith.constant 6 : i32
    %dma_start3A_140 = arith.constant 128 : i32
    %dma_start3A_141 = arith.constant 0 : i32
    %dma_start3A_142 = tpu.memref_slice %arg6[%dma_start3A_139, %dma_start3A_140, %dma_start3A_141] : memref<8x200x16xf32, #tpu.memory_space<vmem>> -> memref<1x72x16xf32, #tpu.memory_space<vmem>>
    %dma_start3A_143 = tpu.memref_squeeze %dma_start3A_142 : memref<1x72x16xf32, #tpu.memory_space<vmem>> -> memref<72x16xf32, #tpu.memory_space<vmem>>
    %dma_start3A_144 = arith.constant 1328 : i32
    %dma_start3A_145 = tpu.memref_slice %arg5[%dma_start3A_144] : memref<25600xi32, #tpu.memory_space<vmem>> -> memref<72xi32, #tpu.memory_space<vmem>>
    %dma_start3A_146 = arith.constant 0 : i32
    %dma_start3A_147 = arith.constant 0 : i32
    %dma_start3A_148 = tpu.memref_slice %arg3[%dma_start3A_146, %dma_start3A_147] : memref<1015808x16xf32, #tpu.memory_space<hbm>> -> memref<1015808x16xf32, #tpu.memory_space<hbm>>
    tpu.enqueue_indirect_dma source(%dma_start3A_148 : memref<1015808x16xf32, #tpu.memory_space<hbm>>) target(%dma_start3A_143 : memref<72x16xf32, #tpu.memory_space<vmem>>) offsets(%dma_start3A_145 : memref<72xi32, #tpu.memory_space<vmem>>) semaphore(%arg14 : memref<!tpu.dma_semaphore, #tpu.memory_space<semaphore_mem>>)
    %dma_start3A_149 = arith.constant 7 : i32
    %dma_start3A_150 = arith.constant 0 : i32
    %dma_start3A_151 = arith.constant 0 : i32
    %dma_start3A_152 = tpu.memref_slice %arg6[%dma_start3A_149, %dma_start3A_150, %dma_start3A_151] : memref<8x200x16xf32, #tpu.memory_space<vmem>> -> memref<1x128x16xf32, #tpu.memory_space<vmem>>
    %dma_start3A_153 = tpu.memref_squeeze %dma_start3A_152 : memref<1x128x16xf32, #tpu.memory_space<vmem>> -> memref<128x16xf32, #tpu.memory_space<vmem>>
    %dma_start3A_154 = arith.constant 1400 : i32
    %dma_start3A_155 = tpu.memref_slice %arg5[%dma_start3A_154] : memref<25600xi32, #tpu.memory_space<vmem>> -> memref<128xi32, #tpu.memory_space<vmem>>
    %dma_start3A_156 = arith.constant 0 : i32
    %dma_start3A_157 = arith.constant 0 : i32
    %dma_start3A_158 = tpu.memref_slice %arg3[%dma_start3A_156, %dma_start3A_157] : memref<1015808x16xf32, #tpu.memory_space<hbm>> -> memref<1015808x16xf32, #tpu.memory_space<hbm>>
    tpu.enqueue_indirect_dma source(%dma_start3A_158 : memref<1015808x16xf32, #tpu.memory_space<hbm>>) target(%dma_start3A_153 : memref<128x16xf32, #tpu.memory_space<vmem>>) offsets(%dma_start3A_155 : memref<128xi32, #tpu.memory_space<vmem>>) semaphore(%arg15 : memref<!tpu.dma_semaphore, #tpu.memory_space<semaphore_mem>>)
    %dma_start3A_159 = arith.constant 7 : i32
    %dma_start3A_160 = arith.constant 128 : i32
    %dma_start3A_161 = arith.constant 0 : i32
    %dma_start3A_162 = tpu.memref_slice %arg6[%dma_start3A_159, %dma_start3A_160, %dma_start3A_161] : memref<8x200x16xf32, #tpu.memory_space<vmem>> -> memref<1x72x16xf32, #tpu.memory_space<vmem>>
    %dma_start3A_163 = tpu.memref_squeeze %dma_start3A_162 : memref<1x72x16xf32, #tpu.memory_space<vmem>> -> memref<72x16xf32, #tpu.memory_space<vmem>>
    %dma_start3A_164 = arith.constant 1528 : i32
    %dma_start3A_165 = tpu.memref_slice %arg5[%dma_start3A_164] : memref<25600xi32, #tpu.memory_space<vmem>> -> memref<72xi32, #tpu.memory_space<vmem>>
    %dma_start3A_166 = arith.constant 0 : i32
    %dma_start3A_167 = arith.constant 0 : i32
    %dma_start3A_168 = tpu.memref_slice %arg3[%dma_start3A_166, %dma_start3A_167] : memref<1015808x16xf32, #tpu.memory_space<hbm>> -> memref<1015808x16xf32, #tpu.memory_space<hbm>>
    tpu.enqueue_indirect_dma source(%dma_start3A_168 : memref<1015808x16xf32, #tpu.memory_space<hbm>>) target(%dma_start3A_163 : memref<72x16xf32, #tpu.memory_space<vmem>>) offsets(%dma_start3A_165 : memref<72xi32, #tpu.memory_space<vmem>>) semaphore(%arg15 : memref<!tpu.dma_semaphore, #tpu.memory_space<semaphore_mem>>)
    %scan3A_169 = arith.constant 0 : i32
    %scan3A_170 = arith.constant 0 : i32
    %scan3A_171 = arith.constant 16 : i32
    %scan3A_172 = arith.addi %scan3A_170, %scan3A_171 : i32
    %scan3A_173 = arith.constant 1 : i32
    scf.for %scan3A_175 = %scan3A_170 to %scan3A_172 step %scan3A_173  : i32 {
      %mul3A_176 = arith.constant 8 : i32
      %mul3A_177 = arith.muli %scan3A_175, %mul3A_176 : i32
      %add3A_178 = arith.constant 0 : i32
      %add3A_179 = arith.addi %mul3A_177, %add3A_178 : i32
      %dma_wait3A = arith.constant 0 : i32
      %dma_wait3A_180 = arith.constant 0 : i32
      %dma_wait3A_181 = arith.constant 0 : i32
      %dma_wait3A_182 = tpu.memref_slice %arg6[%dma_wait3A, %dma_wait3A_180, %dma_wait3A_181] : memref<8x200x16xf32, #tpu.memory_space<vmem>> -> memref<1x200x16xf32, #tpu.memory_space<vmem>>
      %dma_wait3A_183 = tpu.memref_squeeze %dma_wait3A_182 : memref<1x200x16xf32, #tpu.memory_space<vmem>> -> memref<200x16xf32, #tpu.memory_space<vmem>>
      %dma_wait3A_184 = arith.constant 0 : i32
      %dma_wait3A_185 = arith.constant 0 : i32
      %dma_wait3A_186 = tpu.memref_slice %arg3[%dma_wait3A_184, %dma_wait3A_185] : memref<1015808x16xf32, #tpu.memory_space<hbm>> -> memref<200x16xf32, #tpu.memory_space<hbm>>
      %dma_wait3A_187 = arith.constant 0 : i32
      %dma_wait3A_188 = arith.constant 0 : i32
      %dma_wait3A_189 = tpu.memref_slice %arg6[%dma_wait3A, %dma_wait3A_187, %dma_wait3A_188] : memref<8x200x16xf32, #tpu.memory_space<vmem>> -> memref<1x200x16xf32, #tpu.memory_space<vmem>>
      %dma_wait3A_190 = tpu.memref_squeeze %dma_wait3A_189 : memref<1x200x16xf32, #tpu.memory_space<vmem>> -> memref<200x16xf32, #tpu.memory_space<vmem>>
      %dma_wait3A_191 = arith.constant 0 : i32
      %dma_wait3A_192 = arith.constant 0 : i32
      %dma_wait3A_193 = tpu.memref_slice %arg3[%dma_wait3A_191, %dma_wait3A_192] : memref<1015808x16xf32, #tpu.memory_space<hbm>> -> memref<200x16xf32, #tpu.memory_space<hbm>>
      tpu.wait_dma2 semaphore(%arg8 : memref<!tpu.dma_semaphore, #tpu.memory_space<semaphore_mem>>) src(%dma_wait3A_193 : memref<200x16xf32, #tpu.memory_space<hbm>>) dst(%dma_wait3A_190 : memref<200x16xf32, #tpu.memory_space<vmem>>)
      %broadcast_in_dim3A = arith.constant 0.000000e+00 : f32
      %broadcast_in_dim3A_194 = vector.broadcast %broadcast_in_dim3A : f32 to vector<16xf32>
      %scan3A_195 = arith.constant 0 : i32
      %scan3A_196 = arith.constant 20 : i32
      %scan3A_197 = arith.addi %scan3A_195, %scan3A_196 : i32
      %scan3A_198 = arith.constant 1 : i32
      %scan3A_199 = scf.for %scan3A_482 = %scan3A_195 to %scan3A_197 step %scan3A_198 iter_args(%scan3A_483 = %broadcast_in_dim3A_194) -> (vector<16xf32>)  : i32 {
        %mul3A_484 = arith.constant 10 : i32
        %mul3A_485 = arith.muli %scan3A_482, %mul3A_484 : i32
        %add3A_486 = arith.constant 0 : i32
        %add3A_487 = arith.addi %mul3A_485, %add3A_486 : i32
        %get3A = arith.constant 0 : i32
        %get3A_488 = arith.index_cast %get3A : i32 to index
        %get3A_489 = arith.index_cast %add3A_487 : i32 to index
        %get3A_490 = arith.constant 0 : index
        %get3A_491 = tpu.vector_load %arg6[%get3A_488, %get3A_489, %get3A_490] {strides = array<i32>} : memref<8x200x16xf32, #tpu.memory_space<vmem>>, vector<1x1x16xf32>,
        %get3A_492 = vector.shape_cast %get3A_491 : vector<1x1x16xf32> to vector<16xf32>
        %add3A_493 = arith.addf %scan3A_483, %get3A_492 : vector<16xf32>
        %mul3A_494 = arith.constant 10 : i32
        %mul3A_495 = arith.muli %scan3A_482, %mul3A_494 : i32
        %add3A_496 = arith.constant 1 : i32
        %add3A_497 = arith.addi %mul3A_495, %add3A_496 : i32
        %get3A_498 = arith.constant 0 : i32
        %get3A_499 = arith.index_cast %get3A_498 : i32 to index
        %get3A_500 = arith.index_cast %add3A_497 : i32 to index
        %get3A_501 = arith.constant 0 : index
        %get3A_502 = tpu.vector_load %arg6[%get3A_499, %get3A_500, %get3A_501] {strides = array<i32>} : memref<8x200x16xf32, #tpu.memory_space<vmem>>, vector<1x1x16xf32>,
        %get3A_503 = vector.shape_cast %get3A_502 : vector<1x1x16xf32> to vector<16xf32>
        %add3A_504 = arith.addf %add3A_493, %get3A_503 : vector<16xf32>
        %mul3A_505 = arith.constant 10 : i32
        %mul3A_506 = arith.muli %scan3A_482, %mul3A_505 : i32
        %add3A_507 = arith.constant 2 : i32
        %add3A_508 = arith.addi %mul3A_506, %add3A_507 : i32
        %get3A_509 = arith.constant 0 : i32
        %get3A_510 = arith.index_cast %get3A_509 : i32 to index
        %get3A_511 = arith.index_cast %add3A_508 : i32 to index
        %get3A_512 = arith.constant 0 : index
        %get3A_513 = tpu.vector_load %arg6[%get3A_510, %get3A_511, %get3A_512] {strides = array<i32>} : memref<8x200x16xf32, #tpu.memory_space<vmem>>, vector<1x1x16xf32>,
        %get3A_514 = vector.shape_cast %get3A_513 : vector<1x1x16xf32> to vector<16xf32>
        %add3A_515 = arith.addf %add3A_504, %get3A_514 : vector<16xf32>
        %mul3A_516 = arith.constant 10 : i32
        %mul3A_517 = arith.muli %scan3A_482, %mul3A_516 : i32
        %add3A_518 = arith.constant 3 : i32
        %add3A_519 = arith.addi %mul3A_517, %add3A_518 : i32
        %get3A_520 = arith.constant 0 : i32
        %get3A_521 = arith.index_cast %get3A_520 : i32 to index
        %get3A_522 = arith.index_cast %add3A_519 : i32 to index
        %get3A_523 = arith.constant 0 : index
        %get3A_524 = tpu.vector_load %arg6[%get3A_521, %get3A_522, %get3A_523] {strides = array<i32>} : memref<8x200x16xf32, #tpu.memory_space<vmem>>, vector<1x1x16xf32>,
        %get3A_525 = vector.shape_cast %get3A_524 : vector<1x1x16xf32> to vector<16xf32>
        %add3A_526 = arith.addf %add3A_515, %get3A_525 : vector<16xf32>
        %mul3A_527 = arith.constant 10 : i32
        %mul3A_528 = arith.muli %scan3A_482, %mul3A_527 : i32
        %add3A_529 = arith.constant 4 : i32
        %add3A_530 = arith.addi %mul3A_528, %add3A_529 : i32
        %get3A_531 = arith.constant 0 : i32
        %get3A_532 = arith.index_cast %get3A_531 : i32 to index
        %get3A_533 = arith.index_cast %add3A_530 : i32 to index
        %get3A_534 = arith.constant 0 : index
        %get3A_535 = tpu.vector_load %arg6[%get3A_532, %get3A_533, %get3A_534] {strides = array<i32>} : memref<8x200x16xf32, #tpu.memory_space<vmem>>, vector<1x1x16xf32>,
        %get3A_536 = vector.shape_cast %get3A_535 : vector<1x1x16xf32> to vector<16xf32>
        %add3A_537 = arith.addf %add3A_526, %get3A_536 : vector<16xf32>
        %mul3A_538 = arith.constant 10 : i32
        %mul3A_539 = arith.muli %scan3A_482, %mul3A_538 : i32
        %add3A_540 = arith.constant 5 : i32
        %add3A_541 = arith.addi %mul3A_539, %add3A_540 : i32
        %get3A_542 = arith.constant 0 : i32
        %get3A_543 = arith.index_cast %get3A_542 : i32 to index
        %get3A_544 = arith.index_cast %add3A_541 : i32 to index
        %get3A_545 = arith.constant 0 : index
        %get3A_546 = tpu.vector_load %arg6[%get3A_543, %get3A_544, %get3A_545] {strides = array<i32>} : memref<8x200x16xf32, #tpu.memory_space<vmem>>, vector<1x1x16xf32>,
        %get3A_547 = vector.shape_cast %get3A_546 : vector<1x1x16xf32> to vector<16xf32>
        %add3A_548 = arith.addf %add3A_537, %get3A_547 : vector<16xf32>
        %mul3A_549 = arith.constant 10 : i32
        %mul3A_550 = arith.muli %scan3A_482, %mul3A_549 : i32
        %add3A_551 = arith.constant 6 : i32
        %add3A_552 = arith.addi %mul3A_550, %add3A_551 : i32
        %get3A_553 = arith.constant 0 : i32
        %get3A_554 = arith.index_cast %get3A_553 : i32 to index
        %get3A_555 = arith.index_cast %add3A_552 : i32 to index
        %get3A_556 = arith.constant 0 : index
        %get3A_557 = tpu.vector_load %arg6[%get3A_554, %get3A_555, %get3A_556] {strides = array<i32>} : memref<8x200x16xf32, #tpu.memory_space<vmem>>, vector<1x1x16xf32>,
        %get3A_558 = vector.shape_cast %get3A_557 : vector<1x1x16xf32> to vector<16xf32>
        %add3A_559 = arith.addf %add3A_548, %get3A_558 : vector<16xf32>
        %mul3A_560 = arith.constant 10 : i32
        %mul3A_561 = arith.muli %scan3A_482, %mul3A_560 : i32
        %add3A_562 = arith.constant 7 : i32
        %add3A_563 = arith.addi %mul3A_561, %add3A_562 : i32
        %get3A_564 = arith.constant 0 : i32
        %get3A_565 = arith.index_cast %get3A_564 : i32 to index
        %get3A_566 = arith.index_cast %add3A_563 : i32 to index
        %get3A_567 = arith.constant 0 : index
        %get3A_568 = tpu.vector_load %arg6[%get3A_565, %get3A_566, %get3A_567] {strides = array<i32>} : memref<8x200x16xf32, #tpu.memory_space<vmem>>, vector<1x1x16xf32>,
        %get3A_569 = vector.shape_cast %get3A_568 : vector<1x1x16xf32> to vector<16xf32>
        %add3A_570 = arith.addf %add3A_559, %get3A_569 : vector<16xf32>
        %mul3A_571 = arith.constant 10 : i32
        %mul3A_572 = arith.muli %scan3A_482, %mul3A_571 : i32
        %add3A_573 = arith.constant 8 : i32
        %add3A_574 = arith.addi %mul3A_572, %add3A_573 : i32
        %get3A_575 = arith.constant 0 : i32
        %get3A_576 = arith.index_cast %get3A_575 : i32 to index
        %get3A_577 = arith.index_cast %add3A_574 : i32 to index
        %get3A_578 = arith.constant 0 : index
        %get3A_579 = tpu.vector_load %arg6[%get3A_576, %get3A_577, %get3A_578] {strides = array<i32>} : memref<8x200x16xf32, #tpu.memory_space<vmem>>, vector<1x1x16xf32>,
        %get3A_580 = vector.shape_cast %get3A_579 : vector<1x1x16xf32> to vector<16xf32>
        %add3A_581 = arith.addf %add3A_570, %get3A_580 : vector<16xf32>
        %mul3A_582 = arith.constant 10 : i32
        %mul3A_583 = arith.muli %scan3A_482, %mul3A_582 : i32
        %add3A_584 = arith.constant 9 : i32
        %add3A_585 = arith.addi %mul3A_583, %add3A_584 : i32
        %get3A_586 = arith.constant 0 : i32
        %get3A_587 = arith.index_cast %get3A_586 : i32 to index
        %get3A_588 = arith.index_cast %add3A_585 : i32 to index
        %get3A_589 = arith.constant 0 : index
        %get3A_590 = tpu.vector_load %arg6[%get3A_587, %get3A_588, %get3A_589] {strides = array<i32>} : memref<8x200x16xf32, #tpu.memory_space<vmem>>, vector<1x1x16xf32>,
        %get3A_591 = vector.shape_cast %get3A_590 : vector<1x1x16xf32> to vector<16xf32>
        %add3A_592 = arith.addf %add3A_581, %get3A_591 : vector<16xf32>
        scf.yield %add3A_592 : vector<16xf32>
      }
      %scan3A_200 = arith.constant 20 : i32
      %add3A_201 = arith.constant 8 : i32
      %add3A_202 = arith.addi %add3A_179, %add3A_201 : i32
      %lt3A = arith.constant 128 : i32
      %lt3A_203 = arith.cmpi slt, %add3A_202, %lt3A : i32
      %convert_element_type3A = arith.extui %lt3A_203 : i1 to i32
      %cond3A = arith.constant 0 : i32
      %cond3A_204 = arith.cmpi ne, %convert_element_type3A, %cond3A : i32
      scf.if %cond3A_204 {
        %add3A_482 = arith.constant 8 : i32
        %add3A_483 = arith.addi %add3A_179, %add3A_482 : i32
        %mul3A_484 = arith.constant 200 : i32
        %mul3A_485 = arith.muli %add3A_483, %mul3A_484 : i32
        %dma_start3A_486 = arith.constant 0 : i32
        %dma_start3A_487 = arith.constant 0 : i32
        %dma_start3A_488 = arith.constant 0 : i32
        %dma_start3A_489 = tpu.memref_slice %arg6[%dma_start3A_486, %dma_start3A_487, %dma_start3A_488] : memref<8x200x16xf32, #tpu.memory_space<vmem>> -> memref<1x128x16xf32, #tpu.memory_space<vmem>>
        %dma_start3A_490 = tpu.memref_squeeze %dma_start3A_489 : memref<1x128x16xf32, #tpu.memory_space<vmem>> -> memref<128x16xf32, #tpu.memory_space<vmem>>
        %dma_start3A_491 = tpu.memref_slice %arg5[%mul3A_485] : memref<25600xi32, #tpu.memory_space<vmem>> -> memref<128xi32, #tpu.memory_space<vmem>>
        %dma_start3A_492 = arith.constant 0 : i32
        %dma_start3A_493 = arith.constant 0 : i32
        %dma_start3A_494 = tpu.memref_slice %arg3[%dma_start3A_492, %dma_start3A_493] : memref<1015808x16xf32, #tpu.memory_space<hbm>> -> memref<1015808x16xf32, #tpu.memory_space<hbm>>
        tpu.enqueue_indirect_dma source(%dma_start3A_494 : memref<1015808x16xf32, #tpu.memory_space<hbm>>) target(%dma_start3A_490 : memref<128x16xf32, #tpu.memory_space<vmem>>) offsets(%dma_start3A_491 : memref<128xi32, #tpu.memory_space<vmem>>) semaphore(%arg8 : memref<!tpu.dma_semaphore, #tpu.memory_space<semaphore_mem>>)
        %mul3A_495 = arith.constant 200 : i32
        %mul3A_496 = arith.muli %add3A_483, %mul3A_495 : i32
        %add3A_497 = arith.constant 128 : i32
        %add3A_498 = arith.addi %mul3A_496, %add3A_497 : i32
        %dma_start3A_499 = arith.constant 0 : i32
        %dma_start3A_500 = arith.constant 128 : i32
        %dma_start3A_501 = arith.constant 0 : i32
        %dma_start3A_502 = tpu.memref_slice %arg6[%dma_start3A_499, %dma_start3A_500, %dma_start3A_501] : memref<8x200x16xf32, #tpu.memory_space<vmem>> -> memref<1x72x16xf32, #tpu.memory_space<vmem>>
        %dma_start3A_503 = tpu.memref_squeeze %dma_start3A_502 : memref<1x72x16xf32, #tpu.memory_space<vmem>> -> memref<72x16xf32, #tpu.memory_space<vmem>>
        %dma_start3A_504 = tpu.memref_slice %arg5[%add3A_498] : memref<25600xi32, #tpu.memory_space<vmem>> -> memref<72xi32, #tpu.memory_space<vmem>>
        %dma_start3A_505 = arith.constant 0 : i32
        %dma_start3A_506 = arith.constant 0 : i32
        %dma_start3A_507 = tpu.memref_slice %arg3[%dma_start3A_505, %dma_start3A_506] : memref<1015808x16xf32, #tpu.memory_space<hbm>> -> memref<1015808x16xf32, #tpu.memory_space<hbm>>
        tpu.enqueue_indirect_dma source(%dma_start3A_507 : memref<1015808x16xf32, #tpu.memory_space<hbm>>) target(%dma_start3A_503 : memref<72x16xf32, #tpu.memory_space<vmem>>) offsets(%dma_start3A_504 : memref<72xi32, #tpu.memory_space<vmem>>) semaphore(%arg8 : memref<!tpu.dma_semaphore, #tpu.memory_space<semaphore_mem>>)
      } else {
      }
      %swap3A = arith.index_cast %add3A_179 : i32 to index
      %swap3A_205 = arith.constant 0 : index
      %swap3A_206 = tpu.vector_load %arg7[%swap3A, %swap3A_205] {strides = array<i32>} : memref<128x16xf32, #tpu.memory_space<vmem>>, vector<1x16xf32>,
      %swap3A_207 = vector.shape_cast %swap3A_206 : vector<1x16xf32> to vector<16xf32>
      %swap3A_208 = vector.shape_cast %scan3A_199 : vector<16xf32> to vector<1x16xf32>
      tpu.vector_store %arg7[%swap3A, %swap3A_205], %swap3A_208 {strides = array<i32>} : memref<128x16xf32, #tpu.memory_space<vmem>>, vector<1x16xf32>,
      %mul3A_209 = arith.constant 8 : i32
      %mul3A_210 = arith.muli %scan3A_175, %mul3A_209 : i32
      %add3A_211 = arith.constant 1 : i32
      %add3A_212 = arith.addi %mul3A_210, %add3A_211 : i32
      %dma_wait3A_213 = arith.constant 1 : i32
      %dma_wait3A_214 = arith.constant 0 : i32
      %dma_wait3A_215 = arith.constant 0 : i32
      %dma_wait3A_216 = tpu.memref_slice %arg6[%dma_wait3A_213, %dma_wait3A_214, %dma_wait3A_215] : memref<8x200x16xf32, #tpu.memory_space<vmem>> -> memref<1x200x16xf32, #tpu.memory_space<vmem>>
      %dma_wait3A_217 = tpu.memref_squeeze %dma_wait3A_216 : memref<1x200x16xf32, #tpu.memory_space<vmem>> -> memref<200x16xf32, #tpu.memory_space<vmem>>
      %dma_wait3A_218 = arith.constant 0 : i32
      %dma_wait3A_219 = arith.constant 0 : i32
      %dma_wait3A_220 = tpu.memref_slice %arg3[%dma_wait3A_218, %dma_wait3A_219] : memref<1015808x16xf32, #tpu.memory_space<hbm>> -> memref<200x16xf32, #tpu.memory_space<hbm>>
      %dma_wait3A_221 = arith.constant 0 : i32
      %dma_wait3A_222 = arith.constant 0 : i32
      %dma_wait3A_223 = tpu.memref_slice %arg6[%dma_wait3A_213, %dma_wait3A_221, %dma_wait3A_222] : memref<8x200x16xf32, #tpu.memory_space<vmem>> -> memref<1x200x16xf32, #tpu.memory_space<vmem>>
      %dma_wait3A_224 = tpu.memref_squeeze %dma_wait3A_223 : memref<1x200x16xf32, #tpu.memory_space<vmem>> -> memref<200x16xf32, #tpu.memory_space<vmem>>
      %dma_wait3A_225 = arith.constant 0 : i32
      %dma_wait3A_226 = arith.constant 0 : i32
      %dma_wait3A_227 = tpu.memref_slice %arg3[%dma_wait3A_225, %dma_wait3A_226] : memref<1015808x16xf32, #tpu.memory_space<hbm>> -> memref<200x16xf32, #tpu.memory_space<hbm>>
      tpu.wait_dma2 semaphore(%arg9 : memref<!tpu.dma_semaphore, #tpu.memory_space<semaphore_mem>>) src(%dma_wait3A_227 : memref<200x16xf32, #tpu.memory_space<hbm>>) dst(%dma_wait3A_224 : memref<200x16xf32, #tpu.memory_space<vmem>>)
      %broadcast_in_dim3A_228 = arith.constant 0.000000e+00 : f32
      %broadcast_in_dim3A_229 = vector.broadcast %broadcast_in_dim3A_228 : f32 to vector<16xf32>
      %scan3A_230 = arith.constant 0 : i32
      %scan3A_231 = arith.constant 20 : i32
      %scan3A_232 = arith.addi %scan3A_230, %scan3A_231 : i32
      %scan3A_233 = arith.constant 1 : i32
      %scan3A_234 = scf.for %scan3A_482 = %scan3A_230 to %scan3A_232 step %scan3A_233 iter_args(%scan3A_483 = %broadcast_in_dim3A_229) -> (vector<16xf32>)  : i32 {
        %mul3A_484 = arith.constant 10 : i32
        %mul3A_485 = arith.muli %scan3A_482, %mul3A_484 : i32
        %add3A_486 = arith.constant 0 : i32
        %add3A_487 = arith.addi %mul3A_485, %add3A_486 : i32
        %get3A = arith.constant 1 : i32
        %get3A_488 = arith.index_cast %get3A : i32 to index
        %get3A_489 = arith.index_cast %add3A_487 : i32 to index
        %get3A_490 = arith.constant 0 : index
        %get3A_491 = tpu.vector_load %arg6[%get3A_488, %get3A_489, %get3A_490] {strides = array<i32>} : memref<8x200x16xf32, #tpu.memory_space<vmem>>, vector<1x1x16xf32>,
        %get3A_492 = vector.shape_cast %get3A_491 : vector<1x1x16xf32> to vector<16xf32>
        %add3A_493 = arith.addf %scan3A_483, %get3A_492 : vector<16xf32>
        %mul3A_494 = arith.constant 10 : i32
        %mul3A_495 = arith.muli %scan3A_482, %mul3A_494 : i32
        %add3A_496 = arith.constant 1 : i32
        %add3A_497 = arith.addi %mul3A_495, %add3A_496 : i32
        %get3A_498 = arith.constant 1 : i32
        %get3A_499 = arith.index_cast %get3A_498 : i32 to index
        %get3A_500 = arith.index_cast %add3A_497 : i32 to index
        %get3A_501 = arith.constant 0 : index
        %get3A_502 = tpu.vector_load %arg6[%get3A_499, %get3A_500, %get3A_501] {strides = array<i32>} : memref<8x200x16xf32, #tpu.memory_space<vmem>>, vector<1x1x16xf32>,
        %get3A_503 = vector.shape_cast %get3A_502 : vector<1x1x16xf32> to vector<16xf32>
        %add3A_504 = arith.addf %add3A_493, %get3A_503 : vector<16xf32>
        %mul3A_505 = arith.constant 10 : i32
        %mul3A_506 = arith.muli %scan3A_482, %mul3A_505 : i32
        %add3A_507 = arith.constant 2 : i32
        %add3A_508 = arith.addi %mul3A_506, %add3A_507 : i32
        %get3A_509 = arith.constant 1 : i32
        %get3A_510 = arith.index_cast %get3A_509 : i32 to index
        %get3A_511 = arith.index_cast %add3A_508 : i32 to index
        %get3A_512 = arith.constant 0 : index
        %get3A_513 = tpu.vector_load %arg6[%get3A_510, %get3A_511, %get3A_512] {strides = array<i32>} : memref<8x200x16xf32, #tpu.memory_space<vmem>>, vector<1x1x16xf32>,
        %get3A_514 = vector.shape_cast %get3A_513 : vector<1x1x16xf32> to vector<16xf32>
        %add3A_515 = arith.addf %add3A_504, %get3A_514 : vector<16xf32>
        %mul3A_516 = arith.constant 10 : i32
        %mul3A_517 = arith.muli %scan3A_482, %mul3A_516 : i32
        %add3A_518 = arith.constant 3 : i32
        %add3A_519 = arith.addi %mul3A_517, %add3A_518 : i32
        %get3A_520 = arith.constant 1 : i32
        %get3A_521 = arith.index_cast %get3A_520 : i32 to index
        %get3A_522 = arith.index_cast %add3A_519 : i32 to index
        %get3A_523 = arith.constant 0 : index
        %get3A_524 = tpu.vector_load %arg6[%get3A_521, %get3A_522, %get3A_523] {strides = array<i32>} : memref<8x200x16xf32, #tpu.memory_space<vmem>>, vector<1x1x16xf32>,
        %get3A_525 = vector.shape_cast %get3A_524 : vector<1x1x16xf32> to vector<16xf32>
        %add3A_526 = arith.addf %add3A_515, %get3A_525 : vector<16xf32>
        %mul3A_527 = arith.constant 10 : i32
        %mul3A_528 = arith.muli %scan3A_482, %mul3A_527 : i32
        %add3A_529 = arith.constant 4 : i32
        %add3A_530 = arith.addi %mul3A_528, %add3A_529 : i32
        %get3A_531 = arith.constant 1 : i32
        %get3A_532 = arith.index_cast %get3A_531 : i32 to index
        %get3A_533 = arith.index_cast %add3A_530 : i32 to index
        %get3A_534 = arith.constant 0 : index
        %get3A_535 = tpu.vector_load %arg6[%get3A_532, %get3A_533, %get3A_534] {strides = array<i32>} : memref<8x200x16xf32, #tpu.memory_space<vmem>>, vector<1x1x16xf32>,
        %get3A_536 = vector.shape_cast %get3A_535 : vector<1x1x16xf32> to vector<16xf32>
        %add3A_537 = arith.addf %add3A_526, %get3A_536 : vector<16xf32>
        %mul3A_538 = arith.constant 10 : i32
        %mul3A_539 = arith.muli %scan3A_482, %mul3A_538 : i32
        %add3A_540 = arith.constant 5 : i32
        %add3A_541 = arith.addi %mul3A_539, %add3A_540 : i32
        %get3A_542 = arith.constant 1 : i32
        %get3A_543 = arith.index_cast %get3A_542 : i32 to index
        %get3A_544 = arith.index_cast %add3A_541 : i32 to index
        %get3A_545 = arith.constant 0 : index
        %get3A_546 = tpu.vector_load %arg6[%get3A_543, %get3A_544, %get3A_545] {strides = array<i32>} : memref<8x200x16xf32, #tpu.memory_space<vmem>>, vector<1x1x16xf32>,
        %get3A_547 = vector.shape_cast %get3A_546 : vector<1x1x16xf32> to vector<16xf32>
        %add3A_548 = arith.addf %add3A_537, %get3A_547 : vector<16xf32>
        %mul3A_549 = arith.constant 10 : i32
        %mul3A_550 = arith.muli %scan3A_482, %mul3A_549 : i32
        %add3A_551 = arith.constant 6 : i32
        %add3A_552 = arith.addi %mul3A_550, %add3A_551 : i32
        %get3A_553 = arith.constant 1 : i32
        %get3A_554 = arith.index_cast %get3A_553 : i32 to index
        %get3A_555 = arith.index_cast %add3A_552 : i32 to index
        %get3A_556 = arith.constant 0 : index
        %get3A_557 = tpu.vector_load %arg6[%get3A_554, %get3A_555, %get3A_556] {strides = array<i32>} : memref<8x200x16xf32, #tpu.memory_space<vmem>>, vector<1x1x16xf32>,
        %get3A_558 = vector.shape_cast %get3A_557 : vector<1x1x16xf32> to vector<16xf32>
        %add3A_559 = arith.addf %add3A_548, %get3A_558 : vector<16xf32>
        %mul3A_560 = arith.constant 10 : i32
        %mul3A_561 = arith.muli %scan3A_482, %mul3A_560 : i32
        %add3A_562 = arith.constant 7 : i32
        %add3A_563 = arith.addi %mul3A_561, %add3A_562 : i32
        %get3A_564 = arith.constant 1 : i32
        %get3A_565 = arith.index_cast %get3A_564 : i32 to index
        %get3A_566 = arith.index_cast %add3A_563 : i32 to index
        %get3A_567 = arith.constant 0 : index
        %get3A_568 = tpu.vector_load %arg6[%get3A_565, %get3A_566, %get3A_567] {strides = array<i32>} : memref<8x200x16xf32, #tpu.memory_space<vmem>>, vector<1x1x16xf32>,
        %get3A_569 = vector.shape_cast %get3A_568 : vector<1x1x16xf32> to vector<16xf32>
        %add3A_570 = arith.addf %add3A_559, %get3A_569 : vector<16xf32>
        %mul3A_571 = arith.constant 10 : i32
        %mul3A_572 = arith.muli %scan3A_482, %mul3A_571 : i32
        %add3A_573 = arith.constant 8 : i32
        %add3A_574 = arith.addi %mul3A_572, %add3A_573 : i32
        %get3A_575 = arith.constant 1 : i32
        %get3A_576 = arith.index_cast %get3A_575 : i32 to index
        %get3A_577 = arith.index_cast %add3A_574 : i32 to index
        %get3A_578 = arith.constant 0 : index
        %get3A_579 = tpu.vector_load %arg6[%get3A_576, %get3A_577, %get3A_578] {strides = array<i32>} : memref<8x200x16xf32, #tpu.memory_space<vmem>>, vector<1x1x16xf32>,
        %get3A_580 = vector.shape_cast %get3A_579 : vector<1x1x16xf32> to vector<16xf32>
        %add3A_581 = arith.addf %add3A_570, %get3A_580 : vector<16xf32>
        %mul3A_582 = arith.constant 10 : i32
        %mul3A_583 = arith.muli %scan3A_482, %mul3A_582 : i32
        %add3A_584 = arith.constant 9 : i32
        %add3A_585 = arith.addi %mul3A_583, %add3A_584 : i32
        %get3A_586 = arith.constant 1 : i32
        %get3A_587 = arith.index_cast %get3A_586 : i32 to index
        %get3A_588 = arith.index_cast %add3A_585 : i32 to index
        %get3A_589 = arith.constant 0 : index
        %get3A_590 = tpu.vector_load %arg6[%get3A_587, %get3A_588, %get3A_589] {strides = array<i32>} : memref<8x200x16xf32, #tpu.memory_space<vmem>>, vector<1x1x16xf32>,
        %get3A_591 = vector.shape_cast %get3A_590 : vector<1x1x16xf32> to vector<16xf32>
        %add3A_592 = arith.addf %add3A_581, %get3A_591 : vector<16xf32>
        scf.yield %add3A_592 : vector<16xf32>
      }
      %scan3A_235 = arith.constant 20 : i32
      %add3A_236 = arith.constant 8 : i32
      %add3A_237 = arith.addi %add3A_212, %add3A_236 : i32
      %lt3A_238 = arith.constant 128 : i32
      %lt3A_239 = arith.cmpi slt, %add3A_237, %lt3A_238 : i32
      %convert_element_type3A_240 = arith.extui %lt3A_239 : i1 to i32
      %cond3A_241 = arith.constant 0 : i32
      %cond3A_242 = arith.cmpi ne, %convert_element_type3A_240, %cond3A_241 : i32
      scf.if %cond3A_242 {
        %add3A_482 = arith.constant 8 : i32
        %add3A_483 = arith.addi %add3A_212, %add3A_482 : i32
        %mul3A_484 = arith.constant 200 : i32
        %mul3A_485 = arith.muli %add3A_483, %mul3A_484 : i32
        %dma_start3A_486 = arith.constant 1 : i32
        %dma_start3A_487 = arith.constant 0 : i32
        %dma_start3A_488 = arith.constant 0 : i32
        %dma_start3A_489 = tpu.memref_slice %arg6[%dma_start3A_486, %dma_start3A_487, %dma_start3A_488] : memref<8x200x16xf32, #tpu.memory_space<vmem>> -> memref<1x128x16xf32, #tpu.memory_space<vmem>>
        %dma_start3A_490 = tpu.memref_squeeze %dma_start3A_489 : memref<1x128x16xf32, #tpu.memory_space<vmem>> -> memref<128x16xf32, #tpu.memory_space<vmem>>
        %dma_start3A_491 = tpu.memref_slice %arg5[%mul3A_485] : memref<25600xi32, #tpu.memory_space<vmem>> -> memref<128xi32, #tpu.memory_space<vmem>>
        %dma_start3A_492 = arith.constant 0 : i32
        %dma_start3A_493 = arith.constant 0 : i32
        %dma_start3A_494 = tpu.memref_slice %arg3[%dma_start3A_492, %dma_start3A_493] : memref<1015808x16xf32, #tpu.memory_space<hbm>> -> memref<1015808x16xf32, #tpu.memory_space<hbm>>
        tpu.enqueue_indirect_dma source(%dma_start3A_494 : memref<1015808x16xf32, #tpu.memory_space<hbm>>) target(%dma_start3A_490 : memref<128x16xf32, #tpu.memory_space<vmem>>) offsets(%dma_start3A_491 : memref<128xi32, #tpu.memory_space<vmem>>) semaphore(%arg9 : memref<!tpu.dma_semaphore, #tpu.memory_space<semaphore_mem>>)
        %mul3A_495 = arith.constant 200 : i32
        %mul3A_496 = arith.muli %add3A_483, %mul3A_495 : i32
        %add3A_497 = arith.constant 128 : i32
        %add3A_498 = arith.addi %mul3A_496, %add3A_497 : i32
        %dma_start3A_499 = arith.constant 1 : i32
        %dma_start3A_500 = arith.constant 128 : i32
        %dma_start3A_501 = arith.constant 0 : i32
        %dma_start3A_502 = tpu.memref_slice %arg6[%dma_start3A_499, %dma_start3A_500, %dma_start3A_501] : memref<8x200x16xf32, #tpu.memory_space<vmem>> -> memref<1x72x16xf32, #tpu.memory_space<vmem>>
        %dma_start3A_503 = tpu.memref_squeeze %dma_start3A_502 : memref<1x72x16xf32, #tpu.memory_space<vmem>> -> memref<72x16xf32, #tpu.memory_space<vmem>>
        %dma_start3A_504 = tpu.memref_slice %arg5[%add3A_498] : memref<25600xi32, #tpu.memory_space<vmem>> -> memref<72xi32, #tpu.memory_space<vmem>>
        %dma_start3A_505 = arith.constant 0 : i32
        %dma_start3A_506 = arith.constant 0 : i32
        %dma_start3A_507 = tpu.memref_slice %arg3[%dma_start3A_505, %dma_start3A_506] : memref<1015808x16xf32, #tpu.memory_space<hbm>> -> memref<1015808x16xf32, #tpu.memory_space<hbm>>
        tpu.enqueue_indirect_dma source(%dma_start3A_507 : memref<1015808x16xf32, #tpu.memory_space<hbm>>) target(%dma_start3A_503 : memref<72x16xf32, #tpu.memory_space<vmem>>) offsets(%dma_start3A_504 : memref<72xi32, #tpu.memory_space<vmem>>) semaphore(%arg9 : memref<!tpu.dma_semaphore, #tpu.memory_space<semaphore_mem>>)
      } else {
      }
      %swap3A_243 = arith.index_cast %add3A_212 : i32 to index
      %swap3A_244 = arith.constant 0 : index
      %swap3A_245 = tpu.vector_load %arg7[%swap3A_243, %swap3A_244] {strides = array<i32>} : memref<128x16xf32, #tpu.memory_space<vmem>>, vector<1x16xf32>,
      %swap3A_246 = vector.shape_cast %swap3A_245 : vector<1x16xf32> to vector<16xf32>
      %swap3A_247 = vector.shape_cast %scan3A_234 : vector<16xf32> to vector<1x16xf32>
      tpu.vector_store %arg7[%swap3A_243, %swap3A_244], %swap3A_247 {strides = array<i32>} : memref<128x16xf32, #tpu.memory_space<vmem>>, vector<1x16xf32>,
      %mul3A_248 = arith.constant 8 : i32
      %mul3A_249 = arith.muli %scan3A_175, %mul3A_248 : i32
      %add3A_250 = arith.constant 2 : i32
      %add3A_251 = arith.addi %mul3A_249, %add3A_250 : i32
      %dma_wait3A_252 = arith.constant 2 : i32
      %dma_wait3A_253 = arith.constant 0 : i32
      %dma_wait3A_254 = arith.constant 0 : i32
      %dma_wait3A_255 = tpu.memref_slice %arg6[%dma_wait3A_252, %dma_wait3A_253, %dma_wait3A_254] : memref<8x200x16xf32, #tpu.memory_space<vmem>> -> memref<1x200x16xf32, #tpu.memory_space<vmem>>
      %dma_wait3A_256 = tpu.memref_squeeze %dma_wait3A_255 : memref<1x200x16xf32, #tpu.memory_space<vmem>> -> memref<200x16xf32, #tpu.memory_space<vmem>>
      %dma_wait3A_257 = arith.constant 0 : i32
      %dma_wait3A_258 = arith.constant 0 : i32
      %dma_wait3A_259 = tpu.memref_slice %arg3[%dma_wait3A_257, %dma_wait3A_258] : memref<1015808x16xf32, #tpu.memory_space<hbm>> -> memref<200x16xf32, #tpu.memory_space<hbm>>
      %dma_wait3A_260 = arith.constant 0 : i32
      %dma_wait3A_261 = arith.constant 0 : i32
      %dma_wait3A_262 = tpu.memref_slice %arg6[%dma_wait3A_252, %dma_wait3A_260, %dma_wait3A_261] : memref<8x200x16xf32, #tpu.memory_space<vmem>> -> memref<1x200x16xf32, #tpu.memory_space<vmem>>
      %dma_wait3A_263 = tpu.memref_squeeze %dma_wait3A_262 : memref<1x200x16xf32, #tpu.memory_space<vmem>> -> memref<200x16xf32, #tpu.memory_space<vmem>>
      %dma_wait3A_264 = arith.constant 0 : i32
      %dma_wait3A_265 = arith.constant 0 : i32
      %dma_wait3A_266 = tpu.memref_slice %arg3[%dma_wait3A_264, %dma_wait3A_265] : memref<1015808x16xf32, #tpu.memory_space<hbm>> -> memref<200x16xf32, #tpu.memory_space<hbm>>
      tpu.wait_dma2 semaphore(%arg10 : memref<!tpu.dma_semaphore, #tpu.memory_space<semaphore_mem>>) src(%dma_wait3A_266 : memref<200x16xf32, #tpu.memory_space<hbm>>) dst(%dma_wait3A_263 : memref<200x16xf32, #tpu.memory_space<vmem>>)
      %broadcast_in_dim3A_267 = arith.constant 0.000000e+00 : f32
      %broadcast_in_dim3A_268 = vector.broadcast %broadcast_in_dim3A_267 : f32 to vector<16xf32>
      %scan3A_269 = arith.constant 0 : i32
      %scan3A_270 = arith.constant 20 : i32
      %scan3A_271 = arith.addi %scan3A_269, %scan3A_270 : i32
      %scan3A_272 = arith.constant 1 : i32
      %scan3A_273 = scf.for %scan3A_482 = %scan3A_269 to %scan3A_271 step %scan3A_272 iter_args(%scan3A_483 = %broadcast_in_dim3A_268) -> (vector<16xf32>)  : i32 {
        %mul3A_484 = arith.constant 10 : i32
        %mul3A_485 = arith.muli %scan3A_482, %mul3A_484 : i32
        %add3A_486 = arith.constant 0 : i32
        %add3A_487 = arith.addi %mul3A_485, %add3A_486 : i32
        %get3A = arith.constant 2 : i32
        %get3A_488 = arith.index_cast %get3A : i32 to index
        %get3A_489 = arith.index_cast %add3A_487 : i32 to index
        %get3A_490 = arith.constant 0 : index
        %get3A_491 = tpu.vector_load %arg6[%get3A_488, %get3A_489, %get3A_490] {strides = array<i32>} : memref<8x200x16xf32, #tpu.memory_space<vmem>>, vector<1x1x16xf32>,
        %get3A_492 = vector.shape_cast %get3A_491 : vector<1x1x16xf32> to vector<16xf32>
        %add3A_493 = arith.addf %scan3A_483, %get3A_492 : vector<16xf32>
        %mul3A_494 = arith.constant 10 : i32
        %mul3A_495 = arith.muli %scan3A_482, %mul3A_494 : i32
        %add3A_496 = arith.constant 1 : i32
        %add3A_497 = arith.addi %mul3A_495, %add3A_496 : i32
        %get3A_498 = arith.constant 2 : i32
        %get3A_499 = arith.index_cast %get3A_498 : i32 to index
        %get3A_500 = arith.index_cast %add3A_497 : i32 to index
        %get3A_501 = arith.constant 0 : index
        %get3A_502 = tpu.vector_load %arg6[%get3A_499, %get3A_500, %get3A_501] {strides = array<i32>} : memref<8x200x16xf32, #tpu.memory_space<vmem>>, vector<1x1x16xf32>,
        %get3A_503 = vector.shape_cast %get3A_502 : vector<1x1x16xf32> to vector<16xf32>
        %add3A_504 = arith.addf %add3A_493, %get3A_503 : vector<16xf32>
        %mul3A_505 = arith.constant 10 : i32
        %mul3A_506 = arith.muli %scan3A_482, %mul3A_505 : i32
        %add3A_507 = arith.constant 2 : i32
        %add3A_508 = arith.addi %mul3A_506, %add3A_507 : i32
        %get3A_509 = arith.constant 2 : i32
        %get3A_510 = arith.index_cast %get3A_509 : i32 to index
        %get3A_511 = arith.index_cast %add3A_508 : i32 to index
        %get3A_512 = arith.constant 0 : index
        %get3A_513 = tpu.vector_load %arg6[%get3A_510, %get3A_511, %get3A_512] {strides = array<i32>} : memref<8x200x16xf32, #tpu.memory_space<vmem>>, vector<1x1x16xf32>,
        %get3A_514 = vector.shape_cast %get3A_513 : vector<1x1x16xf32> to vector<16xf32>
        %add3A_515 = arith.addf %add3A_504, %get3A_514 : vector<16xf32>
        %mul3A_516 = arith.constant 10 : i32
        %mul3A_517 = arith.muli %scan3A_482, %mul3A_516 : i32
        %add3A_518 = arith.constant 3 : i32
        %add3A_519 = arith.addi %mul3A_517, %add3A_518 : i32
        %get3A_520 = arith.constant 2 : i32
        %get3A_521 = arith.index_cast %get3A_520 : i32 to index
        %get3A_522 = arith.index_cast %add3A_519 : i32 to index
        %get3A_523 = arith.constant 0 : index
        %get3A_524 = tpu.vector_load %arg6[%get3A_521, %get3A_522, %get3A_523] {strides = array<i32>} : memref<8x200x16xf32, #tpu.memory_space<vmem>>, vector<1x1x16xf32>,
        %get3A_525 = vector.shape_cast %get3A_524 : vector<1x1x16xf32> to vector<16xf32>
        %add3A_526 = arith.addf %add3A_515, %get3A_525 : vector<16xf32>
        %mul3A_527 = arith.constant 10 : i32
        %mul3A_528 = arith.muli %scan3A_482, %mul3A_527 : i32
        %add3A_529 = arith.constant 4 : i32
        %add3A_530 = arith.addi %mul3A_528, %add3A_529 : i32
        %get3A_531 = arith.constant 2 : i32
        %get3A_532 = arith.index_cast %get3A_531 : i32 to index
        %get3A_533 = arith.index_cast %add3A_530 : i32 to index
        %get3A_534 = arith.constant 0 : index
        %get3A_535 = tpu.vector_load %arg6[%get3A_532, %get3A_533, %get3A_534] {strides = array<i32>} : memref<8x200x16xf32, #tpu.memory_space<vmem>>, vector<1x1x16xf32>,
        %get3A_536 = vector.shape_cast %get3A_535 : vector<1x1x16xf32> to vector<16xf32>
        %add3A_537 = arith.addf %add3A_526, %get3A_536 : vector<16xf32>
        %mul3A_538 = arith.constant 10 : i32
        %mul3A_539 = arith.muli %scan3A_482, %mul3A_538 : i32
        %add3A_540 = arith.constant 5 : i32
        %add3A_541 = arith.addi %mul3A_539, %add3A_540 : i32
        %get3A_542 = arith.constant 2 : i32
        %get3A_543 = arith.index_cast %get3A_542 : i32 to index
        %get3A_544 = arith.index_cast %add3A_541 : i32 to index
        %get3A_545 = arith.constant 0 : index
        %get3A_546 = tpu.vector_load %arg6[%get3A_543, %get3A_544, %get3A_545] {strides = array<i32>} : memref<8x200x16xf32, #tpu.memory_space<vmem>>, vector<1x1x16xf32>,
        %get3A_547 = vector.shape_cast %get3A_546 : vector<1x1x16xf32> to vector<16xf32>
        %add3A_548 = arith.addf %add3A_537, %get3A_547 : vector<16xf32>
        %mul3A_549 = arith.constant 10 : i32
        %mul3A_550 = arith.muli %scan3A_482, %mul3A_549 : i32
        %add3A_551 = arith.constant 6 : i32
        %add3A_552 = arith.addi %mul3A_550, %add3A_551 : i32
        %get3A_553 = arith.constant 2 : i32
        %get3A_554 = arith.index_cast %get3A_553 : i32 to index
        %get3A_555 = arith.index_cast %add3A_552 : i32 to index
        %get3A_556 = arith.constant 0 : index
        %get3A_557 = tpu.vector_load %arg6[%get3A_554, %get3A_555, %get3A_556] {strides = array<i32>} : memref<8x200x16xf32, #tpu.memory_space<vmem>>, vector<1x1x16xf32>,
        %get3A_558 = vector.shape_cast %get3A_557 : vector<1x1x16xf32> to vector<16xf32>
        %add3A_559 = arith.addf %add3A_548, %get3A_558 : vector<16xf32>
        %mul3A_560 = arith.constant 10 : i32
        %mul3A_561 = arith.muli %scan3A_482, %mul3A_560 : i32
        %add3A_562 = arith.constant 7 : i32
        %add3A_563 = arith.addi %mul3A_561, %add3A_562 : i32
        %get3A_564 = arith.constant 2 : i32
        %get3A_565 = arith.index_cast %get3A_564 : i32 to index
        %get3A_566 = arith.index_cast %add3A_563 : i32 to index
        %get3A_567 = arith.constant 0 : index
        %get3A_568 = tpu.vector_load %arg6[%get3A_565, %get3A_566, %get3A_567] {strides = array<i32>} : memref<8x200x16xf32, #tpu.memory_space<vmem>>, vector<1x1x16xf32>,
        %get3A_569 = vector.shape_cast %get3A_568 : vector<1x1x16xf32> to vector<16xf32>
        %add3A_570 = arith.addf %add3A_559, %get3A_569 : vector<16xf32>
        %mul3A_571 = arith.constant 10 : i32
        %mul3A_572 = arith.muli %scan3A_482, %mul3A_571 : i32
        %add3A_573 = arith.constant 8 : i32
        %add3A_574 = arith.addi %mul3A_572, %add3A_573 : i32
        %get3A_575 = arith.constant 2 : i32
        %get3A_576 = arith.index_cast %get3A_575 : i32 to index
        %get3A_577 = arith.index_cast %add3A_574 : i32 to index
        %get3A_578 = arith.constant 0 : index
        %get3A_579 = tpu.vector_load %arg6[%get3A_576, %get3A_577, %get3A_578] {strides = array<i32>} : memref<8x200x16xf32, #tpu.memory_space<vmem>>, vector<1x1x16xf32>,
        %get3A_580 = vector.shape_cast %get3A_579 : vector<1x1x16xf32> to vector<16xf32>
        %add3A_581 = arith.addf %add3A_570, %get3A_580 : vector<16xf32>
        %mul3A_582 = arith.constant 10 : i32
        %mul3A_583 = arith.muli %scan3A_482, %mul3A_582 : i32
        %add3A_584 = arith.constant 9 : i32
        %add3A_585 = arith.addi %mul3A_583, %add3A_584 : i32
        %get3A_586 = arith.constant 2 : i32
        %get3A_587 = arith.index_cast %get3A_586 : i32 to index
        %get3A_588 = arith.index_cast %add3A_585 : i32 to index
        %get3A_589 = arith.constant 0 : index
        %get3A_590 = tpu.vector_load %arg6[%get3A_587, %get3A_588, %get3A_589] {strides = array<i32>} : memref<8x200x16xf32, #tpu.memory_space<vmem>>, vector<1x1x16xf32>,
        %get3A_591 = vector.shape_cast %get3A_590 : vector<1x1x16xf32> to vector<16xf32>
        %add3A_592 = arith.addf %add3A_581, %get3A_591 : vector<16xf32>
        scf.yield %add3A_592 : vector<16xf32>
      }
      %scan3A_274 = arith.constant 20 : i32
      %add3A_275 = arith.constant 8 : i32
      %add3A_276 = arith.addi %add3A_251, %add3A_275 : i32
      %lt3A_277 = arith.constant 128 : i32
      %lt3A_278 = arith.cmpi slt, %add3A_276, %lt3A_277 : i32
      %convert_element_type3A_279 = arith.extui %lt3A_278 : i1 to i32
      %cond3A_280 = arith.constant 0 : i32
      %cond3A_281 = arith.cmpi ne, %convert_element_type3A_279, %cond3A_280 : i32
      scf.if %cond3A_281 {
        %add3A_482 = arith.constant 8 : i32
        %add3A_483 = arith.addi %add3A_251, %add3A_482 : i32
        %mul3A_484 = arith.constant 200 : i32
        %mul3A_485 = arith.muli %add3A_483, %mul3A_484 : i32
        %dma_start3A_486 = arith.constant 2 : i32
        %dma_start3A_487 = arith.constant 0 : i32
        %dma_start3A_488 = arith.constant 0 : i32
        %dma_start3A_489 = tpu.memref_slice %arg6[%dma_start3A_486, %dma_start3A_487, %dma_start3A_488] : memref<8x200x16xf32, #tpu.memory_space<vmem>> -> memref<1x128x16xf32, #tpu.memory_space<vmem>>
        %dma_start3A_490 = tpu.memref_squeeze %dma_start3A_489 : memref<1x128x16xf32, #tpu.memory_space<vmem>> -> memref<128x16xf32, #tpu.memory_space<vmem>>
        %dma_start3A_491 = tpu.memref_slice %arg5[%mul3A_485] : memref<25600xi32, #tpu.memory_space<vmem>> -> memref<128xi32, #tpu.memory_space<vmem>>
        %dma_start3A_492 = arith.constant 0 : i32
        %dma_start3A_493 = arith.constant 0 : i32
        %dma_start3A_494 = tpu.memref_slice %arg3[%dma_start3A_492, %dma_start3A_493] : memref<1015808x16xf32, #tpu.memory_space<hbm>> -> memref<1015808x16xf32, #tpu.memory_space<hbm>>
        tpu.enqueue_indirect_dma source(%dma_start3A_494 : memref<1015808x16xf32, #tpu.memory_space<hbm>>) target(%dma_start3A_490 : memref<128x16xf32, #tpu.memory_space<vmem>>) offsets(%dma_start3A_491 : memref<128xi32, #tpu.memory_space<vmem>>) semaphore(%arg10 : memref<!tpu.dma_semaphore, #tpu.memory_space<semaphore_mem>>)
        %mul3A_495 = arith.constant 200 : i32
        %mul3A_496 = arith.muli %add3A_483, %mul3A_495 : i32
        %add3A_497 = arith.constant 128 : i32
        %add3A_498 = arith.addi %mul3A_496, %add3A_497 : i32
        %dma_start3A_499 = arith.constant 2 : i32
        %dma_start3A_500 = arith.constant 128 : i32
        %dma_start3A_501 = arith.constant 0 : i32
        %dma_start3A_502 = tpu.memref_slice %arg6[%dma_start3A_499, %dma_start3A_500, %dma_start3A_501] : memref<8x200x16xf32, #tpu.memory_space<vmem>> -> memref<1x72x16xf32, #tpu.memory_space<vmem>>
        %dma_start3A_503 = tpu.memref_squeeze %dma_start3A_502 : memref<1x72x16xf32, #tpu.memory_space<vmem>> -> memref<72x16xf32, #tpu.memory_space<vmem>>
        %dma_start3A_504 = tpu.memref_slice %arg5[%add3A_498] : memref<25600xi32, #tpu.memory_space<vmem>> -> memref<72xi32, #tpu.memory_space<vmem>>
        %dma_start3A_505 = arith.constant 0 : i32
        %dma_start3A_506 = arith.constant 0 : i32
        %dma_start3A_507 = tpu.memref_slice %arg3[%dma_start3A_505, %dma_start3A_506] : memref<1015808x16xf32, #tpu.memory_space<hbm>> -> memref<1015808x16xf32, #tpu.memory_space<hbm>>
        tpu.enqueue_indirect_dma source(%dma_start3A_507 : memref<1015808x16xf32, #tpu.memory_space<hbm>>) target(%dma_start3A_503 : memref<72x16xf32, #tpu.memory_space<vmem>>) offsets(%dma_start3A_504 : memref<72xi32, #tpu.memory_space<vmem>>) semaphore(%arg10 : memref<!tpu.dma_semaphore, #tpu.memory_space<semaphore_mem>>)
      } else {
      }
      %swap3A_282 = arith.index_cast %add3A_251 : i32 to index
      %swap3A_283 = arith.constant 0 : index
      %swap3A_284 = tpu.vector_load %arg7[%swap3A_282, %swap3A_283] {strides = array<i32>} : memref<128x16xf32, #tpu.memory_space<vmem>>, vector<1x16xf32>,
      %swap3A_285 = vector.shape_cast %swap3A_284 : vector<1x16xf32> to vector<16xf32>
      %swap3A_286 = vector.shape_cast %scan3A_273 : vector<16xf32> to vector<1x16xf32>
      tpu.vector_store %arg7[%swap3A_282, %swap3A_283], %swap3A_286 {strides = array<i32>} : memref<128x16xf32, #tpu.memory_space<vmem>>, vector<1x16xf32>,
      %mul3A_287 = arith.constant 8 : i32
      %mul3A_288 = arith.muli %scan3A_175, %mul3A_287 : i32
      %add3A_289 = arith.constant 3 : i32
      %add3A_290 = arith.addi %mul3A_288, %add3A_289 : i32
      %dma_wait3A_291 = arith.constant 3 : i32
      %dma_wait3A_292 = arith.constant 0 : i32
      %dma_wait3A_293 = arith.constant 0 : i32
      %dma_wait3A_294 = tpu.memref_slice %arg6[%dma_wait3A_291, %dma_wait3A_292, %dma_wait3A_293] : memref<8x200x16xf32, #tpu.memory_space<vmem>> -> memref<1x200x16xf32, #tpu.memory_space<vmem>>
      %dma_wait3A_295 = tpu.memref_squeeze %dma_wait3A_294 : memref<1x200x16xf32, #tpu.memory_space<vmem>> -> memref<200x16xf32, #tpu.memory_space<vmem>>
      %dma_wait3A_296 = arith.constant 0 : i32
      %dma_wait3A_297 = arith.constant 0 : i32
      %dma_wait3A_298 = tpu.memref_slice %arg3[%dma_wait3A_296, %dma_wait3A_297] : memref<1015808x16xf32, #tpu.memory_space<hbm>> -> memref<200x16xf32, #tpu.memory_space<hbm>>
      %dma_wait3A_299 = arith.constant 0 : i32
      %dma_wait3A_300 = arith.constant 0 : i32
      %dma_wait3A_301 = tpu.memref_slice %arg6[%dma_wait3A_291, %dma_wait3A_299, %dma_wait3A_300] : memref<8x200x16xf32, #tpu.memory_space<vmem>> -> memref<1x200x16xf32, #tpu.memory_space<vmem>>
      %dma_wait3A_302 = tpu.memref_squeeze %dma_wait3A_301 : memref<1x200x16xf32, #tpu.memory_space<vmem>> -> memref<200x16xf32, #tpu.memory_space<vmem>>
      %dma_wait3A_303 = arith.constant 0 : i32
      %dma_wait3A_304 = arith.constant 0 : i32
      %dma_wait3A_305 = tpu.memref_slice %arg3[%dma_wait3A_303, %dma_wait3A_304] : memref<1015808x16xf32, #tpu.memory_space<hbm>> -> memref<200x16xf32, #tpu.memory_space<hbm>>
      tpu.wait_dma2 semaphore(%arg11 : memref<!tpu.dma_semaphore, #tpu.memory_space<semaphore_mem>>) src(%dma_wait3A_305 : memref<200x16xf32, #tpu.memory_space<hbm>>) dst(%dma_wait3A_302 : memref<200x16xf32, #tpu.memory_space<vmem>>)
      %broadcast_in_dim3A_306 = arith.constant 0.000000e+00 : f32
      %broadcast_in_dim3A_307 = vector.broadcast %broadcast_in_dim3A_306 : f32 to vector<16xf32>
      %scan3A_308 = arith.constant 0 : i32
      %scan3A_309 = arith.constant 20 : i32
      %scan3A_310 = arith.addi %scan3A_308, %scan3A_309 : i32
      %scan3A_311 = arith.constant 1 : i32
      %scan3A_312 = scf.for %scan3A_482 = %scan3A_308 to %scan3A_310 step %scan3A_311 iter_args(%scan3A_483 = %broadcast_in_dim3A_307) -> (vector<16xf32>)  : i32 {
        %mul3A_484 = arith.constant 10 : i32
        %mul3A_485 = arith.muli %scan3A_482, %mul3A_484 : i32
        %add3A_486 = arith.constant 0 : i32
        %add3A_487 = arith.addi %mul3A_485, %add3A_486 : i32
        %get3A = arith.constant 3 : i32
        %get3A_488 = arith.index_cast %get3A : i32 to index
        %get3A_489 = arith.index_cast %add3A_487 : i32 to index
        %get3A_490 = arith.constant 0 : index
        %get3A_491 = tpu.vector_load %arg6[%get3A_488, %get3A_489, %get3A_490] {strides = array<i32>} : memref<8x200x16xf32, #tpu.memory_space<vmem>>, vector<1x1x16xf32>,
        %get3A_492 = vector.shape_cast %get3A_491 : vector<1x1x16xf32> to vector<16xf32>
        %add3A_493 = arith.addf %scan3A_483, %get3A_492 : vector<16xf32>
        %mul3A_494 = arith.constant 10 : i32
        %mul3A_495 = arith.muli %scan3A_482, %mul3A_494 : i32
        %add3A_496 = arith.constant 1 : i32
        %add3A_497 = arith.addi %mul3A_495, %add3A_496 : i32
        %get3A_498 = arith.constant 3 : i32
        %get3A_499 = arith.index_cast %get3A_498 : i32 to index
        %get3A_500 = arith.index_cast %add3A_497 : i32 to index
        %get3A_501 = arith.constant 0 : index
        %get3A_502 = tpu.vector_load %arg6[%get3A_499, %get3A_500, %get3A_501] {strides = array<i32>} : memref<8x200x16xf32, #tpu.memory_space<vmem>>, vector<1x1x16xf32>,
        %get3A_503 = vector.shape_cast %get3A_502 : vector<1x1x16xf32> to vector<16xf32>
        %add3A_504 = arith.addf %add3A_493, %get3A_503 : vector<16xf32>
        %mul3A_505 = arith.constant 10 : i32
        %mul3A_506 = arith.muli %scan3A_482, %mul3A_505 : i32
        %add3A_507 = arith.constant 2 : i32
        %add3A_508 = arith.addi %mul3A_506, %add3A_507 : i32
        %get3A_509 = arith.constant 3 : i32
        %get3A_510 = arith.index_cast %get3A_509 : i32 to index
        %get3A_511 = arith.index_cast %add3A_508 : i32 to index
        %get3A_512 = arith.constant 0 : index
        %get3A_513 = tpu.vector_load %arg6[%get3A_510, %get3A_511, %get3A_512] {strides = array<i32>} : memref<8x200x16xf32, #tpu.memory_space<vmem>>, vector<1x1x16xf32>,
        %get3A_514 = vector.shape_cast %get3A_513 : vector<1x1x16xf32> to vector<16xf32>
        %add3A_515 = arith.addf %add3A_504, %get3A_514 : vector<16xf32>
        %mul3A_516 = arith.constant 10 : i32
        %mul3A_517 = arith.muli %scan3A_482, %mul3A_516 : i32
        %add3A_518 = arith.constant 3 : i32
        %add3A_519 = arith.addi %mul3A_517, %add3A_518 : i32
        %get3A_520 = arith.constant 3 : i32
        %get3A_521 = arith.index_cast %get3A_520 : i32 to index
        %get3A_522 = arith.index_cast %add3A_519 : i32 to index
        %get3A_523 = arith.constant 0 : index
        %get3A_524 = tpu.vector_load %arg6[%get3A_521, %get3A_522, %get3A_523] {strides = array<i32>} : memref<8x200x16xf32, #tpu.memory_space<vmem>>, vector<1x1x16xf32>,
        %get3A_525 = vector.shape_cast %get3A_524 : vector<1x1x16xf32> to vector<16xf32>
        %add3A_526 = arith.addf %add3A_515, %get3A_525 : vector<16xf32>
        %mul3A_527 = arith.constant 10 : i32
        %mul3A_528 = arith.muli %scan3A_482, %mul3A_527 : i32
        %add3A_529 = arith.constant 4 : i32
        %add3A_530 = arith.addi %mul3A_528, %add3A_529 : i32
        %get3A_531 = arith.constant 3 : i32
        %get3A_532 = arith.index_cast %get3A_531 : i32 to index
        %get3A_533 = arith.index_cast %add3A_530 : i32 to index
        %get3A_534 = arith.constant 0 : index
        %get3A_535 = tpu.vector_load %arg6[%get3A_532, %get3A_533, %get3A_534] {strides = array<i32>} : memref<8x200x16xf32, #tpu.memory_space<vmem>>, vector<1x1x16xf32>,
        %get3A_536 = vector.shape_cast %get3A_535 : vector<1x1x16xf32> to vector<16xf32>
        %add3A_537 = arith.addf %add3A_526, %get3A_536 : vector<16xf32>
        %mul3A_538 = arith.constant 10 : i32
        %mul3A_539 = arith.muli %scan3A_482, %mul3A_538 : i32
        %add3A_540 = arith.constant 5 : i32
        %add3A_541 = arith.addi %mul3A_539, %add3A_540 : i32
        %get3A_542 = arith.constant 3 : i32
        %get3A_543 = arith.index_cast %get3A_542 : i32 to index
        %get3A_544 = arith.index_cast %add3A_541 : i32 to index
        %get3A_545 = arith.constant 0 : index
        %get3A_546 = tpu.vector_load %arg6[%get3A_543, %get3A_544, %get3A_545] {strides = array<i32>} : memref<8x200x16xf32, #tpu.memory_space<vmem>>, vector<1x1x16xf32>,
        %get3A_547 = vector.shape_cast %get3A_546 : vector<1x1x16xf32> to vector<16xf32>
        %add3A_548 = arith.addf %add3A_537, %get3A_547 : vector<16xf32>
        %mul3A_549 = arith.constant 10 : i32
        %mul3A_550 = arith.muli %scan3A_482, %mul3A_549 : i32
        %add3A_551 = arith.constant 6 : i32
        %add3A_552 = arith.addi %mul3A_550, %add3A_551 : i32
        %get3A_553 = arith.constant 3 : i32
        %get3A_554 = arith.index_cast %get3A_553 : i32 to index
        %get3A_555 = arith.index_cast %add3A_552 : i32 to index
        %get3A_556 = arith.constant 0 : index
        %get3A_557 = tpu.vector_load %arg6[%get3A_554, %get3A_555, %get3A_556] {strides = array<i32>} : memref<8x200x16xf32, #tpu.memory_space<vmem>>, vector<1x1x16xf32>,
        %get3A_558 = vector.shape_cast %get3A_557 : vector<1x1x16xf32> to vector<16xf32>
        %add3A_559 = arith.addf %add3A_548, %get3A_558 : vector<16xf32>
        %mul3A_560 = arith.constant 10 : i32
        %mul3A_561 = arith.muli %scan3A_482, %mul3A_560 : i32
        %add3A_562 = arith.constant 7 : i32
        %add3A_563 = arith.addi %mul3A_561, %add3A_562 : i32
        %get3A_564 = arith.constant 3 : i32
        %get3A_565 = arith.index_cast %get3A_564 : i32 to index
        %get3A_566 = arith.index_cast %add3A_563 : i32 to index
        %get3A_567 = arith.constant 0 : index
        %get3A_568 = tpu.vector_load %arg6[%get3A_565, %get3A_566, %get3A_567] {strides = array<i32>} : memref<8x200x16xf32, #tpu.memory_space<vmem>>, vector<1x1x16xf32>,
        %get3A_569 = vector.shape_cast %get3A_568 : vector<1x1x16xf32> to vector<16xf32>
        %add3A_570 = arith.addf %add3A_559, %get3A_569 : vector<16xf32>
        %mul3A_571 = arith.constant 10 : i32
        %mul3A_572 = arith.muli %scan3A_482, %mul3A_571 : i32
        %add3A_573 = arith.constant 8 : i32
        %add3A_574 = arith.addi %mul3A_572, %add3A_573 : i32
        %get3A_575 = arith.constant 3 : i32
        %get3A_576 = arith.index_cast %get3A_575 : i32 to index
        %get3A_577 = arith.index_cast %add3A_574 : i32 to index
        %get3A_578 = arith.constant 0 : index
        %get3A_579 = tpu.vector_load %arg6[%get3A_576, %get3A_577, %get3A_578] {strides = array<i32>} : memref<8x200x16xf32, #tpu.memory_space<vmem>>, vector<1x1x16xf32>,
        %get3A_580 = vector.shape_cast %get3A_579 : vector<1x1x16xf32> to vector<16xf32>
        %add3A_581 = arith.addf %add3A_570, %get3A_580 : vector<16xf32>
        %mul3A_582 = arith.constant 10 : i32
        %mul3A_583 = arith.muli %scan3A_482, %mul3A_582 : i32
        %add3A_584 = arith.constant 9 : i32
        %add3A_585 = arith.addi %mul3A_583, %add3A_584 : i32
        %get3A_586 = arith.constant 3 : i32
        %get3A_587 = arith.index_cast %get3A_586 : i32 to index
        %get3A_588 = arith.index_cast %add3A_585 : i32 to index
        %get3A_589 = arith.constant 0 : index
        %get3A_590 = tpu.vector_load %arg6[%get3A_587, %get3A_588, %get3A_589] {strides = array<i32>} : memref<8x200x16xf32, #tpu.memory_space<vmem>>, vector<1x1x16xf32>,
        %get3A_591 = vector.shape_cast %get3A_590 : vector<1x1x16xf32> to vector<16xf32>
        %add3A_592 = arith.addf %add3A_581, %get3A_591 : vector<16xf32>
        scf.yield %add3A_592 : vector<16xf32>
      }
      %scan3A_313 = arith.constant 20 : i32
      %add3A_314 = arith.constant 8 : i32
      %add3A_315 = arith.addi %add3A_290, %add3A_314 : i32
      %lt3A_316 = arith.constant 128 : i32
      %lt3A_317 = arith.cmpi slt, %add3A_315, %lt3A_316 : i32
      %convert_element_type3A_318 = arith.extui %lt3A_317 : i1 to i32
      %cond3A_319 = arith.constant 0 : i32
      %cond3A_320 = arith.cmpi ne, %convert_element_type3A_318, %cond3A_319 : i32
      scf.if %cond3A_320 {
        %add3A_482 = arith.constant 8 : i32
        %add3A_483 = arith.addi %add3A_290, %add3A_482 : i32
        %mul3A_484 = arith.constant 200 : i32
        %mul3A_485 = arith.muli %add3A_483, %mul3A_484 : i32
        %dma_start3A_486 = arith.constant 3 : i32
        %dma_start3A_487 = arith.constant 0 : i32
        %dma_start3A_488 = arith.constant 0 : i32
        %dma_start3A_489 = tpu.memref_slice %arg6[%dma_start3A_486, %dma_start3A_487, %dma_start3A_488] : memref<8x200x16xf32, #tpu.memory_space<vmem>> -> memref<1x128x16xf32, #tpu.memory_space<vmem>>
        %dma_start3A_490 = tpu.memref_squeeze %dma_start3A_489 : memref<1x128x16xf32, #tpu.memory_space<vmem>> -> memref<128x16xf32, #tpu.memory_space<vmem>>
        %dma_start3A_491 = tpu.memref_slice %arg5[%mul3A_485] : memref<25600xi32, #tpu.memory_space<vmem>> -> memref<128xi32, #tpu.memory_space<vmem>>
        %dma_start3A_492 = arith.constant 0 : i32
        %dma_start3A_493 = arith.constant 0 : i32
        %dma_start3A_494 = tpu.memref_slice %arg3[%dma_start3A_492, %dma_start3A_493] : memref<1015808x16xf32, #tpu.memory_space<hbm>> -> memref<1015808x16xf32, #tpu.memory_space<hbm>>
        tpu.enqueue_indirect_dma source(%dma_start3A_494 : memref<1015808x16xf32, #tpu.memory_space<hbm>>) target(%dma_start3A_490 : memref<128x16xf32, #tpu.memory_space<vmem>>) offsets(%dma_start3A_491 : memref<128xi32, #tpu.memory_space<vmem>>) semaphore(%arg11 : memref<!tpu.dma_semaphore, #tpu.memory_space<semaphore_mem>>)
        %mul3A_495 = arith.constant 200 : i32
        %mul3A_496 = arith.muli %add3A_483, %mul3A_495 : i32
        %add3A_497 = arith.constant 128 : i32
        %add3A_498 = arith.addi %mul3A_496, %add3A_497 : i32
        %dma_start3A_499 = arith.constant 3 : i32
        %dma_start3A_500 = arith.constant 128 : i32
        %dma_start3A_501 = arith.constant 0 : i32
        %dma_start3A_502 = tpu.memref_slice %arg6[%dma_start3A_499, %dma_start3A_500, %dma_start3A_501] : memref<8x200x16xf32, #tpu.memory_space<vmem>> -> memref<1x72x16xf32, #tpu.memory_space<vmem>>
        %dma_start3A_503 = tpu.memref_squeeze %dma_start3A_502 : memref<1x72x16xf32, #tpu.memory_space<vmem>> -> memref<72x16xf32, #tpu.memory_space<vmem>>
        %dma_start3A_504 = tpu.memref_slice %arg5[%add3A_498] : memref<25600xi32, #tpu.memory_space<vmem>> -> memref<72xi32, #tpu.memory_space<vmem>>
        %dma_start3A_505 = arith.constant 0 : i32
        %dma_start3A_506 = arith.constant 0 : i32
        %dma_start3A_507 = tpu.memref_slice %arg3[%dma_start3A_505, %dma_start3A_506] : memref<1015808x16xf32, #tpu.memory_space<hbm>> -> memref<1015808x16xf32, #tpu.memory_space<hbm>>
        tpu.enqueue_indirect_dma source(%dma_start3A_507 : memref<1015808x16xf32, #tpu.memory_space<hbm>>) target(%dma_start3A_503 : memref<72x16xf32, #tpu.memory_space<vmem>>) offsets(%dma_start3A_504 : memref<72xi32, #tpu.memory_space<vmem>>) semaphore(%arg11 : memref<!tpu.dma_semaphore, #tpu.memory_space<semaphore_mem>>)
      } else {
      }
      %swap3A_321 = arith.index_cast %add3A_290 : i32 to index
      %swap3A_322 = arith.constant 0 : index
      %swap3A_323 = tpu.vector_load %arg7[%swap3A_321, %swap3A_322] {strides = array<i32>} : memref<128x16xf32, #tpu.memory_space<vmem>>, vector<1x16xf32>,
      %swap3A_324 = vector.shape_cast %swap3A_323 : vector<1x16xf32> to vector<16xf32>
      %swap3A_325 = vector.shape_cast %scan3A_312 : vector<16xf32> to vector<1x16xf32>
      tpu.vector_store %arg7[%swap3A_321, %swap3A_322], %swap3A_325 {strides = array<i32>} : memref<128x16xf32, #tpu.memory_space<vmem>>, vector<1x16xf32>,
      %mul3A_326 = arith.constant 8 : i32
      %mul3A_327 = arith.muli %scan3A_175, %mul3A_326 : i32
      %add3A_328 = arith.constant 4 : i32
      %add3A_329 = arith.addi %mul3A_327, %add3A_328 : i32
      %dma_wait3A_330 = arith.constant 4 : i32
      %dma_wait3A_331 = arith.constant 0 : i32
      %dma_wait3A_332 = arith.constant 0 : i32
      %dma_wait3A_333 = tpu.memref_slice %arg6[%dma_wait3A_330, %dma_wait3A_331, %dma_wait3A_332] : memref<8x200x16xf32, #tpu.memory_space<vmem>> -> memref<1x200x16xf32, #tpu.memory_space<vmem>>
      %dma_wait3A_334 = tpu.memref_squeeze %dma_wait3A_333 : memref<1x200x16xf32, #tpu.memory_space<vmem>> -> memref<200x16xf32, #tpu.memory_space<vmem>>
      %dma_wait3A_335 = arith.constant 0 : i32
      %dma_wait3A_336 = arith.constant 0 : i32
      %dma_wait3A_337 = tpu.memref_slice %arg3[%dma_wait3A_335, %dma_wait3A_336] : memref<1015808x16xf32, #tpu.memory_space<hbm>> -> memref<200x16xf32, #tpu.memory_space<hbm>>
      %dma_wait3A_338 = arith.constant 0 : i32
      %dma_wait3A_339 = arith.constant 0 : i32
      %dma_wait3A_340 = tpu.memref_slice %arg6[%dma_wait3A_330, %dma_wait3A_338, %dma_wait3A_339] : memref<8x200x16xf32, #tpu.memory_space<vmem>> -> memref<1x200x16xf32, #tpu.memory_space<vmem>>
      %dma_wait3A_341 = tpu.memref_squeeze %dma_wait3A_340 : memref<1x200x16xf32, #tpu.memory_space<vmem>> -> memref<200x16xf32, #tpu.memory_space<vmem>>
      %dma_wait3A_342 = arith.constant 0 : i32
      %dma_wait3A_343 = arith.constant 0 : i32
      %dma_wait3A_344 = tpu.memref_slice %arg3[%dma_wait3A_342, %dma_wait3A_343] : memref<1015808x16xf32, #tpu.memory_space<hbm>> -> memref<200x16xf32, #tpu.memory_space<hbm>>
      tpu.wait_dma2 semaphore(%arg12 : memref<!tpu.dma_semaphore, #tpu.memory_space<semaphore_mem>>) src(%dma_wait3A_344 : memref<200x16xf32, #tpu.memory_space<hbm>>) dst(%dma_wait3A_341 : memref<200x16xf32, #tpu.memory_space<vmem>>)
      %broadcast_in_dim3A_345 = arith.constant 0.000000e+00 : f32
      %broadcast_in_dim3A_346 = vector.broadcast %broadcast_in_dim3A_345 : f32 to vector<16xf32>
      %scan3A_347 = arith.constant 0 : i32
      %scan3A_348 = arith.constant 20 : i32
      %scan3A_349 = arith.addi %scan3A_347, %scan3A_348 : i32
      %scan3A_350 = arith.constant 1 : i32
      %scan3A_351 = scf.for %scan3A_482 = %scan3A_347 to %scan3A_349 step %scan3A_350 iter_args(%scan3A_483 = %broadcast_in_dim3A_346) -> (vector<16xf32>)  : i32 {
        %mul3A_484 = arith.constant 10 : i32
        %mul3A_485 = arith.muli %scan3A_482, %mul3A_484 : i32
        %add3A_486 = arith.constant 0 : i32
        %add3A_487 = arith.addi %mul3A_485, %add3A_486 : i32
        %get3A = arith.constant 4 : i32
        %get3A_488 = arith.index_cast %get3A : i32 to index
        %get3A_489 = arith.index_cast %add3A_487 : i32 to index
        %get3A_490 = arith.constant 0 : index
        %get3A_491 = tpu.vector_load %arg6[%get3A_488, %get3A_489, %get3A_490] {strides = array<i32>} : memref<8x200x16xf32, #tpu.memory_space<vmem>>, vector<1x1x16xf32>,
        %get3A_492 = vector.shape_cast %get3A_491 : vector<1x1x16xf32> to vector<16xf32>
        %add3A_493 = arith.addf %scan3A_483, %get3A_492 : vector<16xf32>
        %mul3A_494 = arith.constant 10 : i32
        %mul3A_495 = arith.muli %scan3A_482, %mul3A_494 : i32
        %add3A_496 = arith.constant 1 : i32
        %add3A_497 = arith.addi %mul3A_495, %add3A_496 : i32
        %get3A_498 = arith.constant 4 : i32
        %get3A_499 = arith.index_cast %get3A_498 : i32 to index
        %get3A_500 = arith.index_cast %add3A_497 : i32 to index
        %get3A_501 = arith.constant 0 : index
        %get3A_502 = tpu.vector_load %arg6[%get3A_499, %get3A_500, %get3A_501] {strides = array<i32>} : memref<8x200x16xf32, #tpu.memory_space<vmem>>, vector<1x1x16xf32>,
        %get3A_503 = vector.shape_cast %get3A_502 : vector<1x1x16xf32> to vector<16xf32>
        %add3A_504 = arith.addf %add3A_493, %get3A_503 : vector<16xf32>
        %mul3A_505 = arith.constant 10 : i32
        %mul3A_506 = arith.muli %scan3A_482, %mul3A_505 : i32
        %add3A_507 = arith.constant 2 : i32
        %add3A_508 = arith.addi %mul3A_506, %add3A_507 : i32
        %get3A_509 = arith.constant 4 : i32
        %get3A_510 = arith.index_cast %get3A_509 : i32 to index
        %get3A_511 = arith.index_cast %add3A_508 : i32 to index
        %get3A_512 = arith.constant 0 : index
        %get3A_513 = tpu.vector_load %arg6[%get3A_510, %get3A_511, %get3A_512] {strides = array<i32>} : memref<8x200x16xf32, #tpu.memory_space<vmem>>, vector<1x1x16xf32>,
        %get3A_514 = vector.shape_cast %get3A_513 : vector<1x1x16xf32> to vector<16xf32>
        %add3A_515 = arith.addf %add3A_504, %get3A_514 : vector<16xf32>
        %mul3A_516 = arith.constant 10 : i32
        %mul3A_517 = arith.muli %scan3A_482, %mul3A_516 : i32
        %add3A_518 = arith.constant 3 : i32
        %add3A_519 = arith.addi %mul3A_517, %add3A_518 : i32
        %get3A_520 = arith.constant 4 : i32
        %get3A_521 = arith.index_cast %get3A_520 : i32 to index
        %get3A_522 = arith.index_cast %add3A_519 : i32 to index
        %get3A_523 = arith.constant 0 : index
        %get3A_524 = tpu.vector_load %arg6[%get3A_521, %get3A_522, %get3A_523] {strides = array<i32>} : memref<8x200x16xf32, #tpu.memory_space<vmem>>, vector<1x1x16xf32>,
        %get3A_525 = vector.shape_cast %get3A_524 : vector<1x1x16xf32> to vector<16xf32>
        %add3A_526 = arith.addf %add3A_515, %get3A_525 : vector<16xf32>
        %mul3A_527 = arith.constant 10 : i32
        %mul3A_528 = arith.muli %scan3A_482, %mul3A_527 : i32
        %add3A_529 = arith.constant 4 : i32
        %add3A_530 = arith.addi %mul3A_528, %add3A_529 : i32
        %get3A_531 = arith.constant 4 : i32
        %get3A_532 = arith.index_cast %get3A_531 : i32 to index
        %get3A_533 = arith.index_cast %add3A_530 : i32 to index
        %get3A_534 = arith.constant 0 : index
        %get3A_535 = tpu.vector_load %arg6[%get3A_532, %get3A_533, %get3A_534] {strides = array<i32>} : memref<8x200x16xf32, #tpu.memory_space<vmem>>, vector<1x1x16xf32>,
        %get3A_536 = vector.shape_cast %get3A_535 : vector<1x1x16xf32> to vector<16xf32>
        %add3A_537 = arith.addf %add3A_526, %get3A_536 : vector<16xf32>
        %mul3A_538 = arith.constant 10 : i32
        %mul3A_539 = arith.muli %scan3A_482, %mul3A_538 : i32
        %add3A_540 = arith.constant 5 : i32
        %add3A_541 = arith.addi %mul3A_539, %add3A_540 : i32
        %get3A_542 = arith.constant 4 : i32
        %get3A_543 = arith.index_cast %get3A_542 : i32 to index
        %get3A_544 = arith.index_cast %add3A_541 : i32 to index
        %get3A_545 = arith.constant 0 : index
        %get3A_546 = tpu.vector_load %arg6[%get3A_543, %get3A_544, %get3A_545] {strides = array<i32>} : memref<8x200x16xf32, #tpu.memory_space<vmem>>, vector<1x1x16xf32>,
        %get3A_547 = vector.shape_cast %get3A_546 : vector<1x1x16xf32> to vector<16xf32>
        %add3A_548 = arith.addf %add3A_537, %get3A_547 : vector<16xf32>
        %mul3A_549 = arith.constant 10 : i32
        %mul3A_550 = arith.muli %scan3A_482, %mul3A_549 : i32
        %add3A_551 = arith.constant 6 : i32
        %add3A_552 = arith.addi %mul3A_550, %add3A_551 : i32
        %get3A_553 = arith.constant 4 : i32
        %get3A_554 = arith.index_cast %get3A_553 : i32 to index
        %get3A_555 = arith.index_cast %add3A_552 : i32 to index
        %get3A_556 = arith.constant 0 : index
        %get3A_557 = tpu.vector_load %arg6[%get3A_554, %get3A_555, %get3A_556] {strides = array<i32>} : memref<8x200x16xf32, #tpu.memory_space<vmem>>, vector<1x1x16xf32>,
        %get3A_558 = vector.shape_cast %get3A_557 : vector<1x1x16xf32> to vector<16xf32>
        %add3A_559 = arith.addf %add3A_548, %get3A_558 : vector<16xf32>
        %mul3A_560 = arith.constant 10 : i32
        %mul3A_561 = arith.muli %scan3A_482, %mul3A_560 : i32
        %add3A_562 = arith.constant 7 : i32
        %add3A_563 = arith.addi %mul3A_561, %add3A_562 : i32
        %get3A_564 = arith.constant 4 : i32
        %get3A_565 = arith.index_cast %get3A_564 : i32 to index
        %get3A_566 = arith.index_cast %add3A_563 : i32 to index
        %get3A_567 = arith.constant 0 : index
        %get3A_568 = tpu.vector_load %arg6[%get3A_565, %get3A_566, %get3A_567] {strides = array<i32>} : memref<8x200x16xf32, #tpu.memory_space<vmem>>, vector<1x1x16xf32>,
        %get3A_569 = vector.shape_cast %get3A_568 : vector<1x1x16xf32> to vector<16xf32>
        %add3A_570 = arith.addf %add3A_559, %get3A_569 : vector<16xf32>
        %mul3A_571 = arith.constant 10 : i32
        %mul3A_572 = arith.muli %scan3A_482, %mul3A_571 : i32
        %add3A_573 = arith.constant 8 : i32
        %add3A_574 = arith.addi %mul3A_572, %add3A_573 : i32
        %get3A_575 = arith.constant 4 : i32
        %get3A_576 = arith.index_cast %get3A_575 : i32 to index
        %get3A_577 = arith.index_cast %add3A_574 : i32 to index
        %get3A_578 = arith.constant 0 : index
        %get3A_579 = tpu.vector_load %arg6[%get3A_576, %get3A_577, %get3A_578] {strides = array<i32>} : memref<8x200x16xf32, #tpu.memory_space<vmem>>, vector<1x1x16xf32>,
        %get3A_580 = vector.shape_cast %get3A_579 : vector<1x1x16xf32> to vector<16xf32>
        %add3A_581 = arith.addf %add3A_570, %get3A_580 : vector<16xf32>
        %mul3A_582 = arith.constant 10 : i32
        %mul3A_583 = arith.muli %scan3A_482, %mul3A_582 : i32
        %add3A_584 = arith.constant 9 : i32
        %add3A_585 = arith.addi %mul3A_583, %add3A_584 : i32
        %get3A_586 = arith.constant 4 : i32
        %get3A_587 = arith.index_cast %get3A_586 : i32 to index
        %get3A_588 = arith.index_cast %add3A_585 : i32 to index
        %get3A_589 = arith.constant 0 : index
        %get3A_590 = tpu.vector_load %arg6[%get3A_587, %get3A_588, %get3A_589] {strides = array<i32>} : memref<8x200x16xf32, #tpu.memory_space<vmem>>, vector<1x1x16xf32>,
        %get3A_591 = vector.shape_cast %get3A_590 : vector<1x1x16xf32> to vector<16xf32>
        %add3A_592 = arith.addf %add3A_581, %get3A_591 : vector<16xf32>
        scf.yield %add3A_592 : vector<16xf32>
      }
      %scan3A_352 = arith.constant 20 : i32
      %add3A_353 = arith.constant 8 : i32
      %add3A_354 = arith.addi %add3A_329, %add3A_353 : i32
      %lt3A_355 = arith.constant 128 : i32
      %lt3A_356 = arith.cmpi slt, %add3A_354, %lt3A_355 : i32
      %convert_element_type3A_357 = arith.extui %lt3A_356 : i1 to i32
      %cond3A_358 = arith.constant 0 : i32
      %cond3A_359 = arith.cmpi ne, %convert_element_type3A_357, %cond3A_358 : i32
      scf.if %cond3A_359 {
        %add3A_482 = arith.constant 8 : i32
        %add3A_483 = arith.addi %add3A_329, %add3A_482 : i32
        %mul3A_484 = arith.constant 200 : i32
        %mul3A_485 = arith.muli %add3A_483, %mul3A_484 : i32
        %dma_start3A_486 = arith.constant 4 : i32
        %dma_start3A_487 = arith.constant 0 : i32
        %dma_start3A_488 = arith.constant 0 : i32
        %dma_start3A_489 = tpu.memref_slice %arg6[%dma_start3A_486, %dma_start3A_487, %dma_start3A_488] : memref<8x200x16xf32, #tpu.memory_space<vmem>> -> memref<1x128x16xf32, #tpu.memory_space<vmem>>
        %dma_start3A_490 = tpu.memref_squeeze %dma_start3A_489 : memref<1x128x16xf32, #tpu.memory_space<vmem>> -> memref<128x16xf32, #tpu.memory_space<vmem>>
        %dma_start3A_491 = tpu.memref_slice %arg5[%mul3A_485] : memref<25600xi32, #tpu.memory_space<vmem>> -> memref<128xi32, #tpu.memory_space<vmem>>
        %dma_start3A_492 = arith.constant 0 : i32
        %dma_start3A_493 = arith.constant 0 : i32
        %dma_start3A_494 = tpu.memref_slice %arg3[%dma_start3A_492, %dma_start3A_493] : memref<1015808x16xf32, #tpu.memory_space<hbm>> -> memref<1015808x16xf32, #tpu.memory_space<hbm>>
        tpu.enqueue_indirect_dma source(%dma_start3A_494 : memref<1015808x16xf32, #tpu.memory_space<hbm>>) target(%dma_start3A_490 : memref<128x16xf32, #tpu.memory_space<vmem>>) offsets(%dma_start3A_491 : memref<128xi32, #tpu.memory_space<vmem>>) semaphore(%arg12 : memref<!tpu.dma_semaphore, #tpu.memory_space<semaphore_mem>>)
        %mul3A_495 = arith.constant 200 : i32
        %mul3A_496 = arith.muli %add3A_483, %mul3A_495 : i32
        %add3A_497 = arith.constant 128 : i32
        %add3A_498 = arith.addi %mul3A_496, %add3A_497 : i32
        %dma_start3A_499 = arith.constant 4 : i32
        %dma_start3A_500 = arith.constant 128 : i32
        %dma_start3A_501 = arith.constant 0 : i32
        %dma_start3A_502 = tpu.memref_slice %arg6[%dma_start3A_499, %dma_start3A_500, %dma_start3A_501] : memref<8x200x16xf32, #tpu.memory_space<vmem>> -> memref<1x72x16xf32, #tpu.memory_space<vmem>>
        %dma_start3A_503 = tpu.memref_squeeze %dma_start3A_502 : memref<1x72x16xf32, #tpu.memory_space<vmem>> -> memref<72x16xf32, #tpu.memory_space<vmem>>
        %dma_start3A_504 = tpu.memref_slice %arg5[%add3A_498] : memref<25600xi32, #tpu.memory_space<vmem>> -> memref<72xi32, #tpu.memory_space<vmem>>
        %dma_start3A_505 = arith.constant 0 : i32
        %dma_start3A_506 = arith.constant 0 : i32
        %dma_start3A_507 = tpu.memref_slice %arg3[%dma_start3A_505, %dma_start3A_506] : memref<1015808x16xf32, #tpu.memory_space<hbm>> -> memref<1015808x16xf32, #tpu.memory_space<hbm>>
        tpu.enqueue_indirect_dma source(%dma_start3A_507 : memref<1015808x16xf32, #tpu.memory_space<hbm>>) target(%dma_start3A_503 : memref<72x16xf32, #tpu.memory_space<vmem>>) offsets(%dma_start3A_504 : memref<72xi32, #tpu.memory_space<vmem>>) semaphore(%arg12 : memref<!tpu.dma_semaphore, #tpu.memory_space<semaphore_mem>>)
      } else {
      }
      %swap3A_360 = arith.index_cast %add3A_329 : i32 to index
      %swap3A_361 = arith.constant 0 : index
      %swap3A_362 = tpu.vector_load %arg7[%swap3A_360, %swap3A_361] {strides = array<i32>} : memref<128x16xf32, #tpu.memory_space<vmem>>, vector<1x16xf32>,
      %swap3A_363 = vector.shape_cast %swap3A_362 : vector<1x16xf32> to vector<16xf32>
      %swap3A_364 = vector.shape_cast %scan3A_351 : vector<16xf32> to vector<1x16xf32>
      tpu.vector_store %arg7[%swap3A_360, %swap3A_361], %swap3A_364 {strides = array<i32>} : memref<128x16xf32, #tpu.memory_space<vmem>>, vector<1x16xf32>,
      %mul3A_365 = arith.constant 8 : i32
      %mul3A_366 = arith.muli %scan3A_175, %mul3A_365 : i32
      %add3A_367 = arith.constant 5 : i32
      %add3A_368 = arith.addi %mul3A_366, %add3A_367 : i32
      %dma_wait3A_369 = arith.constant 5 : i32
      %dma_wait3A_370 = arith.constant 0 : i32
      %dma_wait3A_371 = arith.constant 0 : i32
      %dma_wait3A_372 = tpu.memref_slice %arg6[%dma_wait3A_369, %dma_wait3A_370, %dma_wait3A_371] : memref<8x200x16xf32, #tpu.memory_space<vmem>> -> memref<1x200x16xf32, #tpu.memory_space<vmem>>
      %dma_wait3A_373 = tpu.memref_squeeze %dma_wait3A_372 : memref<1x200x16xf32, #tpu.memory_space<vmem>> -> memref<200x16xf32, #tpu.memory_space<vmem>>
      %dma_wait3A_374 = arith.constant 0 : i32
      %dma_wait3A_375 = arith.constant 0 : i32
      %dma_wait3A_376 = tpu.memref_slice %arg3[%dma_wait3A_374, %dma_wait3A_375] : memref<1015808x16xf32, #tpu.memory_space<hbm>> -> memref<200x16xf32, #tpu.memory_space<hbm>>
      %dma_wait3A_377 = arith.constant 0 : i32
      %dma_wait3A_378 = arith.constant 0 : i32
      %dma_wait3A_379 = tpu.memref_slice %arg6[%dma_wait3A_369, %dma_wait3A_377, %dma_wait3A_378] : memref<8x200x16xf32, #tpu.memory_space<vmem>> -> memref<1x200x16xf32, #tpu.memory_space<vmem>>
      %dma_wait3A_380 = tpu.memref_squeeze %dma_wait3A_379 : memref<1x200x16xf32, #tpu.memory_space<vmem>> -> memref<200x16xf32, #tpu.memory_space<vmem>>
      %dma_wait3A_381 = arith.constant 0 : i32
      %dma_wait3A_382 = arith.constant 0 : i32
      %dma_wait3A_383 = tpu.memref_slice %arg3[%dma_wait3A_381, %dma_wait3A_382] : memref<1015808x16xf32, #tpu.memory_space<hbm>> -> memref<200x16xf32, #tpu.memory_space<hbm>>
      tpu.wait_dma2 semaphore(%arg13 : memref<!tpu.dma_semaphore, #tpu.memory_space<semaphore_mem>>) src(%dma_wait3A_383 : memref<200x16xf32, #tpu.memory_space<hbm>>) dst(%dma_wait3A_380 : memref<200x16xf32, #tpu.memory_space<vmem>>)
      %broadcast_in_dim3A_384 = arith.constant 0.000000e+00 : f32
      %broadcast_in_dim3A_385 = vector.broadcast %broadcast_in_dim3A_384 : f32 to vector<16xf32>
      %scan3A_386 = arith.constant 0 : i32
      %scan3A_387 = arith.constant 20 : i32
      %scan3A_388 = arith.addi %scan3A_386, %scan3A_387 : i32
      %scan3A_389 = arith.constant 1 : i32
      %scan3A_390 = scf.for %scan3A_482 = %scan3A_386 to %scan3A_388 step %scan3A_389 iter_args(%scan3A_483 = %broadcast_in_dim3A_385) -> (vector<16xf32>)  : i32 {
        %mul3A_484 = arith.constant 10 : i32
        %mul3A_485 = arith.muli %scan3A_482, %mul3A_484 : i32
        %add3A_486 = arith.constant 0 : i32
        %add3A_487 = arith.addi %mul3A_485, %add3A_486 : i32
        %get3A = arith.constant 5 : i32
        %get3A_488 = arith.index_cast %get3A : i32 to index
        %get3A_489 = arith.index_cast %add3A_487 : i32 to index
        %get3A_490 = arith.constant 0 : index
        %get3A_491 = tpu.vector_load %arg6[%get3A_488, %get3A_489, %get3A_490] {strides = array<i32>} : memref<8x200x16xf32, #tpu.memory_space<vmem>>, vector<1x1x16xf32>,
        %get3A_492 = vector.shape_cast %get3A_491 : vector<1x1x16xf32> to vector<16xf32>
        %add3A_493 = arith.addf %scan3A_483, %get3A_492 : vector<16xf32>
        %mul3A_494 = arith.constant 10 : i32
        %mul3A_495 = arith.muli %scan3A_482, %mul3A_494 : i32
        %add3A_496 = arith.constant 1 : i32
        %add3A_497 = arith.addi %mul3A_495, %add3A_496 : i32
        %get3A_498 = arith.constant 5 : i32
        %get3A_499 = arith.index_cast %get3A_498 : i32 to index
        %get3A_500 = arith.index_cast %add3A_497 : i32 to index
        %get3A_501 = arith.constant 0 : index
        %get3A_502 = tpu.vector_load %arg6[%get3A_499, %get3A_500, %get3A_501] {strides = array<i32>} : memref<8x200x16xf32, #tpu.memory_space<vmem>>, vector<1x1x16xf32>,
        %get3A_503 = vector.shape_cast %get3A_502 : vector<1x1x16xf32> to vector<16xf32>
        %add3A_504 = arith.addf %add3A_493, %get3A_503 : vector<16xf32>
        %mul3A_505 = arith.constant 10 : i32
        %mul3A_506 = arith.muli %scan3A_482, %mul3A_505 : i32
        %add3A_507 = arith.constant 2 : i32
        %add3A_508 = arith.addi %mul3A_506, %add3A_507 : i32
        %get3A_509 = arith.constant 5 : i32
        %get3A_510 = arith.index_cast %get3A_509 : i32 to index
        %get3A_511 = arith.index_cast %add3A_508 : i32 to index
        %get3A_512 = arith.constant 0 : index
        %get3A_513 = tpu.vector_load %arg6[%get3A_510, %get3A_511, %get3A_512] {strides = array<i32>} : memref<8x200x16xf32, #tpu.memory_space<vmem>>, vector<1x1x16xf32>,
        %get3A_514 = vector.shape_cast %get3A_513 : vector<1x1x16xf32> to vector<16xf32>
        %add3A_515 = arith.addf %add3A_504, %get3A_514 : vector<16xf32>
        %mul3A_516 = arith.constant 10 : i32
        %mul3A_517 = arith.muli %scan3A_482, %mul3A_516 : i32
        %add3A_518 = arith.constant 3 : i32
        %add3A_519 = arith.addi %mul3A_517, %add3A_518 : i32
        %get3A_520 = arith.constant 5 : i32
        %get3A_521 = arith.index_cast %get3A_520 : i32 to index
        %get3A_522 = arith.index_cast %add3A_519 : i32 to index
        %get3A_523 = arith.constant 0 : index
        %get3A_524 = tpu.vector_load %arg6[%get3A_521, %get3A_522, %get3A_523] {strides = array<i32>} : memref<8x200x16xf32, #tpu.memory_space<vmem>>, vector<1x1x16xf32>,
        %get3A_525 = vector.shape_cast %get3A_524 : vector<1x1x16xf32> to vector<16xf32>
        %add3A_526 = arith.addf %add3A_515, %get3A_525 : vector<16xf32>
        %mul3A_527 = arith.constant 10 : i32
        %mul3A_528 = arith.muli %scan3A_482, %mul3A_527 : i32
        %add3A_529 = arith.constant 4 : i32
        %add3A_530 = arith.addi %mul3A_528, %add3A_529 : i32
        %get3A_531 = arith.constant 5 : i32
        %get3A_532 = arith.index_cast %get3A_531 : i32 to index
        %get3A_533 = arith.index_cast %add3A_530 : i32 to index
        %get3A_534 = arith.constant 0 : index
        %get3A_535 = tpu.vector_load %arg6[%get3A_532, %get3A_533, %get3A_534] {strides = array<i32>} : memref<8x200x16xf32, #tpu.memory_space<vmem>>, vector<1x1x16xf32>,
        %get3A_536 = vector.shape_cast %get3A_535 : vector<1x1x16xf32> to vector<16xf32>
        %add3A_537 = arith.addf %add3A_526, %get3A_536 : vector<16xf32>
        %mul3A_538 = arith.constant 10 : i32
        %mul3A_539 = arith.muli %scan3A_482, %mul3A_538 : i32
        %add3A_540 = arith.constant 5 : i32
        %add3A_541 = arith.addi %mul3A_539, %add3A_540 : i32
        %get3A_542 = arith.constant 5 : i32
        %get3A_543 = arith.index_cast %get3A_542 : i32 to index
        %get3A_544 = arith.index_cast %add3A_541 : i32 to index
        %get3A_545 = arith.constant 0 : index
        %get3A_546 = tpu.vector_load %arg6[%get3A_543, %get3A_544, %get3A_545] {strides = array<i32>} : memref<8x200x16xf32, #tpu.memory_space<vmem>>, vector<1x1x16xf32>,
        %get3A_547 = vector.shape_cast %get3A_546 : vector<1x1x16xf32> to vector<16xf32>
        %add3A_548 = arith.addf %add3A_537, %get3A_547 : vector<16xf32>
        %mul3A_549 = arith.constant 10 : i32
        %mul3A_550 = arith.muli %scan3A_482, %mul3A_549 : i32
        %add3A_551 = arith.constant 6 : i32
        %add3A_552 = arith.addi %mul3A_550, %add3A_551 : i32
        %get3A_553 = arith.constant 5 : i32
        %get3A_554 = arith.index_cast %get3A_553 : i32 to index
        %get3A_555 = arith.index_cast %add3A_552 : i32 to index
        %get3A_556 = arith.constant 0 : index
        %get3A_557 = tpu.vector_load %arg6[%get3A_554, %get3A_555, %get3A_556] {strides = array<i32>} : memref<8x200x16xf32, #tpu.memory_space<vmem>>, vector<1x1x16xf32>,
        %get3A_558 = vector.shape_cast %get3A_557 : vector<1x1x16xf32> to vector<16xf32>
        %add3A_559 = arith.addf %add3A_548, %get3A_558 : vector<16xf32>
        %mul3A_560 = arith.constant 10 : i32
        %mul3A_561 = arith.muli %scan3A_482, %mul3A_560 : i32
        %add3A_562 = arith.constant 7 : i32
        %add3A_563 = arith.addi %mul3A_561, %add3A_562 : i32
        %get3A_564 = arith.constant 5 : i32
        %get3A_565 = arith.index_cast %get3A_564 : i32 to index
        %get3A_566 = arith.index_cast %add3A_563 : i32 to index
        %get3A_567 = arith.constant 0 : index
        %get3A_568 = tpu.vector_load %arg6[%get3A_565, %get3A_566, %get3A_567] {strides = array<i32>} : memref<8x200x16xf32, #tpu.memory_space<vmem>>, vector<1x1x16xf32>,
        %get3A_569 = vector.shape_cast %get3A_568 : vector<1x1x16xf32> to vector<16xf32>
        %add3A_570 = arith.addf %add3A_559, %get3A_569 : vector<16xf32>
        %mul3A_571 = arith.constant 10 : i32
        %mul3A_572 = arith.muli %scan3A_482, %mul3A_571 : i32
        %add3A_573 = arith.constant 8 : i32
        %add3A_574 = arith.addi %mul3A_572, %add3A_573 : i32
        %get3A_575 = arith.constant 5 : i32
        %get3A_576 = arith.index_cast %get3A_575 : i32 to index
        %get3A_577 = arith.index_cast %add3A_574 : i32 to index
        %get3A_578 = arith.constant 0 : index
        %get3A_579 = tpu.vector_load %arg6[%get3A_576, %get3A_577, %get3A_578] {strides = array<i32>} : memref<8x200x16xf32, #tpu.memory_space<vmem>>, vector<1x1x16xf32>,
        %get3A_580 = vector.shape_cast %get3A_579 : vector<1x1x16xf32> to vector<16xf32>
        %add3A_581 = arith.addf %add3A_570, %get3A_580 : vector<16xf32>
        %mul3A_582 = arith.constant 10 : i32
        %mul3A_583 = arith.muli %scan3A_482, %mul3A_582 : i32
        %add3A_584 = arith.constant 9 : i32
        %add3A_585 = arith.addi %mul3A_583, %add3A_584 : i32
        %get3A_586 = arith.constant 5 : i32
        %get3A_587 = arith.index_cast %get3A_586 : i32 to index
        %get3A_588 = arith.index_cast %add3A_585 : i32 to index
        %get3A_589 = arith.constant 0 : index
        %get3A_590 = tpu.vector_load %arg6[%get3A_587, %get3A_588, %get3A_589] {strides = array<i32>} : memref<8x200x16xf32, #tpu.memory_space<vmem>>, vector<1x1x16xf32>,
        %get3A_591 = vector.shape_cast %get3A_590 : vector<1x1x16xf32> to vector<16xf32>
        %add3A_592 = arith.addf %add3A_581, %get3A_591 : vector<16xf32>
        scf.yield %add3A_592 : vector<16xf32>
      }
      %scan3A_391 = arith.constant 20 : i32
      %add3A_392 = arith.constant 8 : i32
      %add3A_393 = arith.addi %add3A_368, %add3A_392 : i32
      %lt3A_394 = arith.constant 128 : i32
      %lt3A_395 = arith.cmpi slt, %add3A_393, %lt3A_394 : i32
      %convert_element_type3A_396 = arith.extui %lt3A_395 : i1 to i32
      %cond3A_397 = arith.constant 0 : i32
      %cond3A_398 = arith.cmpi ne, %convert_element_type3A_396, %cond3A_397 : i32
      scf.if %cond3A_398 {
        %add3A_482 = arith.constant 8 : i32
        %add3A_483 = arith.addi %add3A_368, %add3A_482 : i32
        %mul3A_484 = arith.constant 200 : i32
        %mul3A_485 = arith.muli %add3A_483, %mul3A_484 : i32
        %dma_start3A_486 = arith.constant 5 : i32
        %dma_start3A_487 = arith.constant 0 : i32
        %dma_start3A_488 = arith.constant 0 : i32
        %dma_start3A_489 = tpu.memref_slice %arg6[%dma_start3A_486, %dma_start3A_487, %dma_start3A_488] : memref<8x200x16xf32, #tpu.memory_space<vmem>> -> memref<1x128x16xf32, #tpu.memory_space<vmem>>
        %dma_start3A_490 = tpu.memref_squeeze %dma_start3A_489 : memref<1x128x16xf32, #tpu.memory_space<vmem>> -> memref<128x16xf32, #tpu.memory_space<vmem>>
        %dma_start3A_491 = tpu.memref_slice %arg5[%mul3A_485] : memref<25600xi32, #tpu.memory_space<vmem>> -> memref<128xi32, #tpu.memory_space<vmem>>
        %dma_start3A_492 = arith.constant 0 : i32
        %dma_start3A_493 = arith.constant 0 : i32
        %dma_start3A_494 = tpu.memref_slice %arg3[%dma_start3A_492, %dma_start3A_493] : memref<1015808x16xf32, #tpu.memory_space<hbm>> -> memref<1015808x16xf32, #tpu.memory_space<hbm>>
        tpu.enqueue_indirect_dma source(%dma_start3A_494 : memref<1015808x16xf32, #tpu.memory_space<hbm>>) target(%dma_start3A_490 : memref<128x16xf32, #tpu.memory_space<vmem>>) offsets(%dma_start3A_491 : memref<128xi32, #tpu.memory_space<vmem>>) semaphore(%arg13 : memref<!tpu.dma_semaphore, #tpu.memory_space<semaphore_mem>>)
        %mul3A_495 = arith.constant 200 : i32
        %mul3A_496 = arith.muli %add3A_483, %mul3A_495 : i32
        %add3A_497 = arith.constant 128 : i32
        %add3A_498 = arith.addi %mul3A_496, %add3A_497 : i32
        %dma_start3A_499 = arith.constant 5 : i32
        %dma_start3A_500 = arith.constant 128 : i32
        %dma_start3A_501 = arith.constant 0 : i32
        %dma_start3A_502 = tpu.memref_slice %arg6[%dma_start3A_499, %dma_start3A_500, %dma_start3A_501] : memref<8x200x16xf32, #tpu.memory_space<vmem>> -> memref<1x72x16xf32, #tpu.memory_space<vmem>>
        %dma_start3A_503 = tpu.memref_squeeze %dma_start3A_502 : memref<1x72x16xf32, #tpu.memory_space<vmem>> -> memref<72x16xf32, #tpu.memory_space<vmem>>
        %dma_start3A_504 = tpu.memref_slice %arg5[%add3A_498] : memref<25600xi32, #tpu.memory_space<vmem>> -> memref<72xi32, #tpu.memory_space<vmem>>
        %dma_start3A_505 = arith.constant 0 : i32
        %dma_start3A_506 = arith.constant 0 : i32
        %dma_start3A_507 = tpu.memref_slice %arg3[%dma_start3A_505, %dma_start3A_506] : memref<1015808x16xf32, #tpu.memory_space<hbm>> -> memref<1015808x16xf32, #tpu.memory_space<hbm>>
        tpu.enqueue_indirect_dma source(%dma_start3A_507 : memref<1015808x16xf32, #tpu.memory_space<hbm>>) target(%dma_start3A_503 : memref<72x16xf32, #tpu.memory_space<vmem>>) offsets(%dma_start3A_504 : memref<72xi32, #tpu.memory_space<vmem>>) semaphore(%arg13 : memref<!tpu.dma_semaphore, #tpu.memory_space<semaphore_mem>>)
      } else {
      }
      %swap3A_399 = arith.index_cast %add3A_368 : i32 to index
      %swap3A_400 = arith.constant 0 : index
      %swap3A_401 = tpu.vector_load %arg7[%swap3A_399, %swap3A_400] {strides = array<i32>} : memref<128x16xf32, #tpu.memory_space<vmem>>, vector<1x16xf32>,
      %swap3A_402 = vector.shape_cast %swap3A_401 : vector<1x16xf32> to vector<16xf32>
      %swap3A_403 = vector.shape_cast %scan3A_390 : vector<16xf32> to vector<1x16xf32>
      tpu.vector_store %arg7[%swap3A_399, %swap3A_400], %swap3A_403 {strides = array<i32>} : memref<128x16xf32, #tpu.memory_space<vmem>>, vector<1x16xf32>,
      %mul3A_404 = arith.constant 8 : i32
      %mul3A_405 = arith.muli %scan3A_175, %mul3A_404 : i32
      %add3A_406 = arith.constant 6 : i32
      %add3A_407 = arith.addi %mul3A_405, %add3A_406 : i32
      %dma_wait3A_408 = arith.constant 6 : i32
      %dma_wait3A_409 = arith.constant 0 : i32
      %dma_wait3A_410 = arith.constant 0 : i32
      %dma_wait3A_411 = tpu.memref_slice %arg6[%dma_wait3A_408, %dma_wait3A_409, %dma_wait3A_410] : memref<8x200x16xf32, #tpu.memory_space<vmem>> -> memref<1x200x16xf32, #tpu.memory_space<vmem>>
      %dma_wait3A_412 = tpu.memref_squeeze %dma_wait3A_411 : memref<1x200x16xf32, #tpu.memory_space<vmem>> -> memref<200x16xf32, #tpu.memory_space<vmem>>
      %dma_wait3A_413 = arith.constant 0 : i32
      %dma_wait3A_414 = arith.constant 0 : i32
      %dma_wait3A_415 = tpu.memref_slice %arg3[%dma_wait3A_413, %dma_wait3A_414] : memref<1015808x16xf32, #tpu.memory_space<hbm>> -> memref<200x16xf32, #tpu.memory_space<hbm>>
      %dma_wait3A_416 = arith.constant 0 : i32
      %dma_wait3A_417 = arith.constant 0 : i32
      %dma_wait3A_418 = tpu.memref_slice %arg6[%dma_wait3A_408, %dma_wait3A_416, %dma_wait3A_417] : memref<8x200x16xf32, #tpu.memory_space<vmem>> -> memref<1x200x16xf32, #tpu.memory_space<vmem>>
      %dma_wait3A_419 = tpu.memref_squeeze %dma_wait3A_418 : memref<1x200x16xf32, #tpu.memory_space<vmem>> -> memref<200x16xf32, #tpu.memory_space<vmem>>
      %dma_wait3A_420 = arith.constant 0 : i32
      %dma_wait3A_421 = arith.constant 0 : i32
      %dma_wait3A_422 = tpu.memref_slice %arg3[%dma_wait3A_420, %dma_wait3A_421] : memref<1015808x16xf32, #tpu.memory_space<hbm>> -> memref<200x16xf32, #tpu.memory_space<hbm>>
      tpu.wait_dma2 semaphore(%arg14 : memref<!tpu.dma_semaphore, #tpu.memory_space<semaphore_mem>>) src(%dma_wait3A_422 : memref<200x16xf32, #tpu.memory_space<hbm>>) dst(%dma_wait3A_419 : memref<200x16xf32, #tpu.memory_space<vmem>>)
      %broadcast_in_dim3A_423 = arith.constant 0.000000e+00 : f32
      %broadcast_in_dim3A_424 = vector.broadcast %broadcast_in_dim3A_423 : f32 to vector<16xf32>
      %scan3A_425 = arith.constant 0 : i32
      %scan3A_426 = arith.constant 20 : i32
      %scan3A_427 = arith.addi %scan3A_425, %scan3A_426 : i32
      %scan3A_428 = arith.constant 1 : i32
      %scan3A_429 = scf.for %scan3A_482 = %scan3A_425 to %scan3A_427 step %scan3A_428 iter_args(%scan3A_483 = %broadcast_in_dim3A_424) -> (vector<16xf32>)  : i32 {
        %mul3A_484 = arith.constant 10 : i32
        %mul3A_485 = arith.muli %scan3A_482, %mul3A_484 : i32
        %add3A_486 = arith.constant 0 : i32
        %add3A_487 = arith.addi %mul3A_485, %add3A_486 : i32
        %get3A = arith.constant 6 : i32
        %get3A_488 = arith.index_cast %get3A : i32 to index
        %get3A_489 = arith.index_cast %add3A_487 : i32 to index
        %get3A_490 = arith.constant 0 : index
        %get3A_491 = tpu.vector_load %arg6[%get3A_488, %get3A_489, %get3A_490] {strides = array<i32>} : memref<8x200x16xf32, #tpu.memory_space<vmem>>, vector<1x1x16xf32>,
        %get3A_492 = vector.shape_cast %get3A_491 : vector<1x1x16xf32> to vector<16xf32>
        %add3A_493 = arith.addf %scan3A_483, %get3A_492 : vector<16xf32>
        %mul3A_494 = arith.constant 10 : i32
        %mul3A_495 = arith.muli %scan3A_482, %mul3A_494 : i32
        %add3A_496 = arith.constant 1 : i32
        %add3A_497 = arith.addi %mul3A_495, %add3A_496 : i32
        %get3A_498 = arith.constant 6 : i32
        %get3A_499 = arith.index_cast %get3A_498 : i32 to index
        %get3A_500 = arith.index_cast %add3A_497 : i32 to index
        %get3A_501 = arith.constant 0 : index
        %get3A_502 = tpu.vector_load %arg6[%get3A_499, %get3A_500, %get3A_501] {strides = array<i32>} : memref<8x200x16xf32, #tpu.memory_space<vmem>>, vector<1x1x16xf32>,
        %get3A_503 = vector.shape_cast %get3A_502 : vector<1x1x16xf32> to vector<16xf32>
        %add3A_504 = arith.addf %add3A_493, %get3A_503 : vector<16xf32>
        %mul3A_505 = arith.constant 10 : i32
        %mul3A_506 = arith.muli %scan3A_482, %mul3A_505 : i32
        %add3A_507 = arith.constant 2 : i32
        %add3A_508 = arith.addi %mul3A_506, %add3A_507 : i32
        %get3A_509 = arith.constant 6 : i32
        %get3A_510 = arith.index_cast %get3A_509 : i32 to index
        %get3A_511 = arith.index_cast %add3A_508 : i32 to index
        %get3A_512 = arith.constant 0 : index
        %get3A_513 = tpu.vector_load %arg6[%get3A_510, %get3A_511, %get3A_512] {strides = array<i32>} : memref<8x200x16xf32, #tpu.memory_space<vmem>>, vector<1x1x16xf32>,
        %get3A_514 = vector.shape_cast %get3A_513 : vector<1x1x16xf32> to vector<16xf32>
        %add3A_515 = arith.addf %add3A_504, %get3A_514 : vector<16xf32>
        %mul3A_516 = arith.constant 10 : i32
        %mul3A_517 = arith.muli %scan3A_482, %mul3A_516 : i32
        %add3A_518 = arith.constant 3 : i32
        %add3A_519 = arith.addi %mul3A_517, %add3A_518 : i32
        %get3A_520 = arith.constant 6 : i32
        %get3A_521 = arith.index_cast %get3A_520 : i32 to index
        %get3A_522 = arith.index_cast %add3A_519 : i32 to index
        %get3A_523 = arith.constant 0 : index
        %get3A_524 = tpu.vector_load %arg6[%get3A_521, %get3A_522, %get3A_523] {strides = array<i32>} : memref<8x200x16xf32, #tpu.memory_space<vmem>>, vector<1x1x16xf32>,
        %get3A_525 = vector.shape_cast %get3A_524 : vector<1x1x16xf32> to vector<16xf32>
        %add3A_526 = arith.addf %add3A_515, %get3A_525 : vector<16xf32>
        %mul3A_527 = arith.constant 10 : i32
        %mul3A_528 = arith.muli %scan3A_482, %mul3A_527 : i32
        %add3A_529 = arith.constant 4 : i32
        %add3A_530 = arith.addi %mul3A_528, %add3A_529 : i32
        %get3A_531 = arith.constant 6 : i32
        %get3A_532 = arith.index_cast %get3A_531 : i32 to index
        %get3A_533 = arith.index_cast %add3A_530 : i32 to index
        %get3A_534 = arith.constant 0 : index
        %get3A_535 = tpu.vector_load %arg6[%get3A_532, %get3A_533, %get3A_534] {strides = array<i32>} : memref<8x200x16xf32, #tpu.memory_space<vmem>>, vector<1x1x16xf32>,
        %get3A_536 = vector.shape_cast %get3A_535 : vector<1x1x16xf32> to vector<16xf32>
        %add3A_537 = arith.addf %add3A_526, %get3A_536 : vector<16xf32>
        %mul3A_538 = arith.constant 10 : i32
        %mul3A_539 = arith.muli %scan3A_482, %mul3A_538 : i32
        %add3A_540 = arith.constant 5 : i32
        %add3A_541 = arith.addi %mul3A_539, %add3A_540 : i32
        %get3A_542 = arith.constant 6 : i32
        %get3A_543 = arith.index_cast %get3A_542 : i32 to index
        %get3A_544 = arith.index_cast %add3A_541 : i32 to index
        %get3A_545 = arith.constant 0 : index
        %get3A_546 = tpu.vector_load %arg6[%get3A_543, %get3A_544, %get3A_545] {strides = array<i32>} : memref<8x200x16xf32, #tpu.memory_space<vmem>>, vector<1x1x16xf32>,
        %get3A_547 = vector.shape_cast %get3A_546 : vector<1x1x16xf32> to vector<16xf32>
        %add3A_548 = arith.addf %add3A_537, %get3A_547 : vector<16xf32>
        %mul3A_549 = arith.constant 10 : i32
        %mul3A_550 = arith.muli %scan3A_482, %mul3A_549 : i32
        %add3A_551 = arith.constant 6 : i32
        %add3A_552 = arith.addi %mul3A_550, %add3A_551 : i32
        %get3A_553 = arith.constant 6 : i32
        %get3A_554 = arith.index_cast %get3A_553 : i32 to index
        %get3A_555 = arith.index_cast %add3A_552 : i32 to index
        %get3A_556 = arith.constant 0 : index
        %get3A_557 = tpu.vector_load %arg6[%get3A_554, %get3A_555, %get3A_556] {strides = array<i32>} : memref<8x200x16xf32, #tpu.memory_space<vmem>>, vector<1x1x16xf32>,
        %get3A_558 = vector.shape_cast %get3A_557 : vector<1x1x16xf32> to vector<16xf32>
        %add3A_559 = arith.addf %add3A_548, %get3A_558 : vector<16xf32>
        %mul3A_560 = arith.constant 10 : i32
        %mul3A_561 = arith.muli %scan3A_482, %mul3A_560 : i32
        %add3A_562 = arith.constant 7 : i32
        %add3A_563 = arith.addi %mul3A_561, %add3A_562 : i32
        %get3A_564 = arith.constant 6 : i32
        %get3A_565 = arith.index_cast %get3A_564 : i32 to index
        %get3A_566 = arith.index_cast %add3A_563 : i32 to index
        %get3A_567 = arith.constant 0 : index
        %get3A_568 = tpu.vector_load %arg6[%get3A_565, %get3A_566, %get3A_567] {strides = array<i32>} : memref<8x200x16xf32, #tpu.memory_space<vmem>>, vector<1x1x16xf32>,
        %get3A_569 = vector.shape_cast %get3A_568 : vector<1x1x16xf32> to vector<16xf32>
        %add3A_570 = arith.addf %add3A_559, %get3A_569 : vector<16xf32>
        %mul3A_571 = arith.constant 10 : i32
        %mul3A_572 = arith.muli %scan3A_482, %mul3A_571 : i32
        %add3A_573 = arith.constant 8 : i32
        %add3A_574 = arith.addi %mul3A_572, %add3A_573 : i32
        %get3A_575 = arith.constant 6 : i32
        %get3A_576 = arith.index_cast %get3A_575 : i32 to index
        %get3A_577 = arith.index_cast %add3A_574 : i32 to index
        %get3A_578 = arith.constant 0 : index
        %get3A_579 = tpu.vector_load %arg6[%get3A_576, %get3A_577, %get3A_578] {strides = array<i32>} : memref<8x200x16xf32, #tpu.memory_space<vmem>>, vector<1x1x16xf32>,
        %get3A_580 = vector.shape_cast %get3A_579 : vector<1x1x16xf32> to vector<16xf32>
        %add3A_581 = arith.addf %add3A_570, %get3A_580 : vector<16xf32>
        %mul3A_582 = arith.constant 10 : i32
        %mul3A_583 = arith.muli %scan3A_482, %mul3A_582 : i32
        %add3A_584 = arith.constant 9 : i32
        %add3A_585 = arith.addi %mul3A_583, %add3A_584 : i32
        %get3A_586 = arith.constant 6 : i32
        %get3A_587 = arith.index_cast %get3A_586 : i32 to index
        %get3A_588 = arith.index_cast %add3A_585 : i32 to index
        %get3A_589 = arith.constant 0 : index
        %get3A_590 = tpu.vector_load %arg6[%get3A_587, %get3A_588, %get3A_589] {strides = array<i32>} : memref<8x200x16xf32, #tpu.memory_space<vmem>>, vector<1x1x16xf32>,
        %get3A_591 = vector.shape_cast %get3A_590 : vector<1x1x16xf32> to vector<16xf32>
        %add3A_592 = arith.addf %add3A_581, %get3A_591 : vector<16xf32>
        scf.yield %add3A_592 : vector<16xf32>
      }
      %scan3A_430 = arith.constant 20 : i32
      %add3A_431 = arith.constant 8 : i32
      %add3A_432 = arith.addi %add3A_407, %add3A_431 : i32
      %lt3A_433 = arith.constant 128 : i32
      %lt3A_434 = arith.cmpi slt, %add3A_432, %lt3A_433 : i32
      %convert_element_type3A_435 = arith.extui %lt3A_434 : i1 to i32
      %cond3A_436 = arith.constant 0 : i32
      %cond3A_437 = arith.cmpi ne, %convert_element_type3A_435, %cond3A_436 : i32
      scf.if %cond3A_437 {
        %add3A_482 = arith.constant 8 : i32
        %add3A_483 = arith.addi %add3A_407, %add3A_482 : i32
        %mul3A_484 = arith.constant 200 : i32
        %mul3A_485 = arith.muli %add3A_483, %mul3A_484 : i32
        %dma_start3A_486 = arith.constant 6 : i32
        %dma_start3A_487 = arith.constant 0 : i32
        %dma_start3A_488 = arith.constant 0 : i32
        %dma_start3A_489 = tpu.memref_slice %arg6[%dma_start3A_486, %dma_start3A_487, %dma_start3A_488] : memref<8x200x16xf32, #tpu.memory_space<vmem>> -> memref<1x128x16xf32, #tpu.memory_space<vmem>>
        %dma_start3A_490 = tpu.memref_squeeze %dma_start3A_489 : memref<1x128x16xf32, #tpu.memory_space<vmem>> -> memref<128x16xf32, #tpu.memory_space<vmem>>
        %dma_start3A_491 = tpu.memref_slice %arg5[%mul3A_485] : memref<25600xi32, #tpu.memory_space<vmem>> -> memref<128xi32, #tpu.memory_space<vmem>>
        %dma_start3A_492 = arith.constant 0 : i32
        %dma_start3A_493 = arith.constant 0 : i32
        %dma_start3A_494 = tpu.memref_slice %arg3[%dma_start3A_492, %dma_start3A_493] : memref<1015808x16xf32, #tpu.memory_space<hbm>> -> memref<1015808x16xf32, #tpu.memory_space<hbm>>
        tpu.enqueue_indirect_dma source(%dma_start3A_494 : memref<1015808x16xf32, #tpu.memory_space<hbm>>) target(%dma_start3A_490 : memref<128x16xf32, #tpu.memory_space<vmem>>) offsets(%dma_start3A_491 : memref<128xi32, #tpu.memory_space<vmem>>) semaphore(%arg14 : memref<!tpu.dma_semaphore, #tpu.memory_space<semaphore_mem>>)
        %mul3A_495 = arith.constant 200 : i32
        %mul3A_496 = arith.muli %add3A_483, %mul3A_495 : i32
        %add3A_497 = arith.constant 128 : i32
        %add3A_498 = arith.addi %mul3A_496, %add3A_497 : i32
        %dma_start3A_499 = arith.constant 6 : i32
        %dma_start3A_500 = arith.constant 128 : i32
        %dma_start3A_501 = arith.constant 0 : i32
        %dma_start3A_502 = tpu.memref_slice %arg6[%dma_start3A_499, %dma_start3A_500, %dma_start3A_501] : memref<8x200x16xf32, #tpu.memory_space<vmem>> -> memref<1x72x16xf32, #tpu.memory_space<vmem>>
        %dma_start3A_503 = tpu.memref_squeeze %dma_start3A_502 : memref<1x72x16xf32, #tpu.memory_space<vmem>> -> memref<72x16xf32, #tpu.memory_space<vmem>>
        %dma_start3A_504 = tpu.memref_slice %arg5[%add3A_498] : memref<25600xi32, #tpu.memory_space<vmem>> -> memref<72xi32, #tpu.memory_space<vmem>>
        %dma_start3A_505 = arith.constant 0 : i32
        %dma_start3A_506 = arith.constant 0 : i32
        %dma_start3A_507 = tpu.memref_slice %arg3[%dma_start3A_505, %dma_start3A_506] : memref<1015808x16xf32, #tpu.memory_space<hbm>> -> memref<1015808x16xf32, #tpu.memory_space<hbm>>
        tpu.enqueue_indirect_dma source(%dma_start3A_507 : memref<1015808x16xf32, #tpu.memory_space<hbm>>) target(%dma_start3A_503 : memref<72x16xf32, #tpu.memory_space<vmem>>) offsets(%dma_start3A_504 : memref<72xi32, #tpu.memory_space<vmem>>) semaphore(%arg14 : memref<!tpu.dma_semaphore, #tpu.memory_space<semaphore_mem>>)
      } else {
      }
      %swap3A_438 = arith.index_cast %add3A_407 : i32 to index
      %swap3A_439 = arith.constant 0 : index
      %swap3A_440 = tpu.vector_load %arg7[%swap3A_438, %swap3A_439] {strides = array<i32>} : memref<128x16xf32, #tpu.memory_space<vmem>>, vector<1x16xf32>,
      %swap3A_441 = vector.shape_cast %swap3A_440 : vector<1x16xf32> to vector<16xf32>
      %swap3A_442 = vector.shape_cast %scan3A_429 : vector<16xf32> to vector<1x16xf32>
      tpu.vector_store %arg7[%swap3A_438, %swap3A_439], %swap3A_442 {strides = array<i32>} : memref<128x16xf32, #tpu.memory_space<vmem>>, vector<1x16xf32>,
      %mul3A_443 = arith.constant 8 : i32
      %mul3A_444 = arith.muli %scan3A_175, %mul3A_443 : i32
      %add3A_445 = arith.constant 7 : i32
      %add3A_446 = arith.addi %mul3A_444, %add3A_445 : i32
      %dma_wait3A_447 = arith.constant 7 : i32
      %dma_wait3A_448 = arith.constant 0 : i32
      %dma_wait3A_449 = arith.constant 0 : i32
      %dma_wait3A_450 = tpu.memref_slice %arg6[%dma_wait3A_447, %dma_wait3A_448, %dma_wait3A_449] : memref<8x200x16xf32, #tpu.memory_space<vmem>> -> memref<1x200x16xf32, #tpu.memory_space<vmem>>
      %dma_wait3A_451 = tpu.memref_squeeze %dma_wait3A_450 : memref<1x200x16xf32, #tpu.memory_space<vmem>> -> memref<200x16xf32, #tpu.memory_space<vmem>>
      %dma_wait3A_452 = arith.constant 0 : i32
      %dma_wait3A_453 = arith.constant 0 : i32
      %dma_wait3A_454 = tpu.memref_slice %arg3[%dma_wait3A_452, %dma_wait3A_453] : memref<1015808x16xf32, #tpu.memory_space<hbm>> -> memref<200x16xf32, #tpu.memory_space<hbm>>
      %dma_wait3A_455 = arith.constant 0 : i32
      %dma_wait3A_456 = arith.constant 0 : i32
      %dma_wait3A_457 = tpu.memref_slice %arg6[%dma_wait3A_447, %dma_wait3A_455, %dma_wait3A_456] : memref<8x200x16xf32, #tpu.memory_space<vmem>> -> memref<1x200x16xf32, #tpu.memory_space<vmem>>
      %dma_wait3A_458 = tpu.memref_squeeze %dma_wait3A_457 : memref<1x200x16xf32, #tpu.memory_space<vmem>> -> memref<200x16xf32, #tpu.memory_space<vmem>>
      %dma_wait3A_459 = arith.constant 0 : i32
      %dma_wait3A_460 = arith.constant 0 : i32
      %dma_wait3A_461 = tpu.memref_slice %arg3[%dma_wait3A_459, %dma_wait3A_460] : memref<1015808x16xf32, #tpu.memory_space<hbm>> -> memref<200x16xf32, #tpu.memory_space<hbm>>
      tpu.wait_dma2 semaphore(%arg15 : memref<!tpu.dma_semaphore, #tpu.memory_space<semaphore_mem>>) src(%dma_wait3A_461 : memref<200x16xf32, #tpu.memory_space<hbm>>) dst(%dma_wait3A_458 : memref<200x16xf32, #tpu.memory_space<vmem>>)
      %broadcast_in_dim3A_462 = arith.constant 0.000000e+00 : f32
      %broadcast_in_dim3A_463 = vector.broadcast %broadcast_in_dim3A_462 : f32 to vector<16xf32>
      %scan3A_464 = arith.constant 0 : i32
      %scan3A_465 = arith.constant 20 : i32
      %scan3A_466 = arith.addi %scan3A_464, %scan3A_465 : i32
      %scan3A_467 = arith.constant 1 : i32
      %scan3A_468 = scf.for %scan3A_482 = %scan3A_464 to %scan3A_466 step %scan3A_467 iter_args(%scan3A_483 = %broadcast_in_dim3A_463) -> (vector<16xf32>)  : i32 {
        %mul3A_484 = arith.constant 10 : i32
        %mul3A_485 = arith.muli %scan3A_482, %mul3A_484 : i32
        %add3A_486 = arith.constant 0 : i32
        %add3A_487 = arith.addi %mul3A_485, %add3A_486 : i32
        %get3A = arith.constant 7 : i32
        %get3A_488 = arith.index_cast %get3A : i32 to index
        %get3A_489 = arith.index_cast %add3A_487 : i32 to index
        %get3A_490 = arith.constant 0 : index
        %get3A_491 = tpu.vector_load %arg6[%get3A_488, %get3A_489, %get3A_490] {strides = array<i32>} : memref<8x200x16xf32, #tpu.memory_space<vmem>>, vector<1x1x16xf32>,
        %get3A_492 = vector.shape_cast %get3A_491 : vector<1x1x16xf32> to vector<16xf32>
        %add3A_493 = arith.addf %scan3A_483, %get3A_492 : vector<16xf32>
        %mul3A_494 = arith.constant 10 : i32
        %mul3A_495 = arith.muli %scan3A_482, %mul3A_494 : i32
        %add3A_496 = arith.constant 1 : i32
        %add3A_497 = arith.addi %mul3A_495, %add3A_496 : i32
        %get3A_498 = arith.constant 7 : i32
        %get3A_499 = arith.index_cast %get3A_498 : i32 to index
        %get3A_500 = arith.index_cast %add3A_497 : i32 to index
        %get3A_501 = arith.constant 0 : index
        %get3A_502 = tpu.vector_load %arg6[%get3A_499, %get3A_500, %get3A_501] {strides = array<i32>} : memref<8x200x16xf32, #tpu.memory_space<vmem>>, vector<1x1x16xf32>,
        %get3A_503 = vector.shape_cast %get3A_502 : vector<1x1x16xf32> to vector<16xf32>
        %add3A_504 = arith.addf %add3A_493, %get3A_503 : vector<16xf32>
        %mul3A_505 = arith.constant 10 : i32
        %mul3A_506 = arith.muli %scan3A_482, %mul3A_505 : i32
        %add3A_507 = arith.constant 2 : i32
        %add3A_508 = arith.addi %mul3A_506, %add3A_507 : i32
        %get3A_509 = arith.constant 7 : i32
        %get3A_510 = arith.index_cast %get3A_509 : i32 to index
        %get3A_511 = arith.index_cast %add3A_508 : i32 to index
        %get3A_512 = arith.constant 0 : index
        %get3A_513 = tpu.vector_load %arg6[%get3A_510, %get3A_511, %get3A_512] {strides = array<i32>} : memref<8x200x16xf32, #tpu.memory_space<vmem>>, vector<1x1x16xf32>,
        %get3A_514 = vector.shape_cast %get3A_513 : vector<1x1x16xf32> to vector<16xf32>
        %add3A_515 = arith.addf %add3A_504, %get3A_514 : vector<16xf32>
        %mul3A_516 = arith.constant 10 : i32
        %mul3A_517 = arith.muli %scan3A_482, %mul3A_516 : i32
        %add3A_518 = arith.constant 3 : i32
        %add3A_519 = arith.addi %mul3A_517, %add3A_518 : i32
        %get3A_520 = arith.constant 7 : i32
        %get3A_521 = arith.index_cast %get3A_520 : i32 to index
        %get3A_522 = arith.index_cast %add3A_519 : i32 to index
        %get3A_523 = arith.constant 0 : index
        %get3A_524 = tpu.vector_load %arg6[%get3A_521, %get3A_522, %get3A_523] {strides = array<i32>} : memref<8x200x16xf32, #tpu.memory_space<vmem>>, vector<1x1x16xf32>,
        %get3A_525 = vector.shape_cast %get3A_524 : vector<1x1x16xf32> to vector<16xf32>
        %add3A_526 = arith.addf %add3A_515, %get3A_525 : vector<16xf32>
        %mul3A_527 = arith.constant 10 : i32
        %mul3A_528 = arith.muli %scan3A_482, %mul3A_527 : i32
        %add3A_529 = arith.constant 4 : i32
        %add3A_530 = arith.addi %mul3A_528, %add3A_529 : i32
        %get3A_531 = arith.constant 7 : i32
        %get3A_532 = arith.index_cast %get3A_531 : i32 to index
        %get3A_533 = arith.index_cast %add3A_530 : i32 to index
        %get3A_534 = arith.constant 0 : index
        %get3A_535 = tpu.vector_load %arg6[%get3A_532, %get3A_533, %get3A_534] {strides = array<i32>} : memref<8x200x16xf32, #tpu.memory_space<vmem>>, vector<1x1x16xf32>,
        %get3A_536 = vector.shape_cast %get3A_535 : vector<1x1x16xf32> to vector<16xf32>
        %add3A_537 = arith.addf %add3A_526, %get3A_536 : vector<16xf32>
        %mul3A_538 = arith.constant 10 : i32
        %mul3A_539 = arith.muli %scan3A_482, %mul3A_538 : i32
        %add3A_540 = arith.constant 5 : i32
        %add3A_541 = arith.addi %mul3A_539, %add3A_540 : i32
        %get3A_542 = arith.constant 7 : i32
        %get3A_543 = arith.index_cast %get3A_542 : i32 to index
        %get3A_544 = arith.index_cast %add3A_541 : i32 to index
        %get3A_545 = arith.constant 0 : index
        %get3A_546 = tpu.vector_load %arg6[%get3A_543, %get3A_544, %get3A_545] {strides = array<i32>} : memref<8x200x16xf32, #tpu.memory_space<vmem>>, vector<1x1x16xf32>,
        %get3A_547 = vector.shape_cast %get3A_546 : vector<1x1x16xf32> to vector<16xf32>
        %add3A_548 = arith.addf %add3A_537, %get3A_547 : vector<16xf32>
        %mul3A_549 = arith.constant 10 : i32
        %mul3A_550 = arith.muli %scan3A_482, %mul3A_549 : i32
        %add3A_551 = arith.constant 6 : i32
        %add3A_552 = arith.addi %mul3A_550, %add3A_551 : i32
        %get3A_553 = arith.constant 7 : i32
        %get3A_554 = arith.index_cast %get3A_553 : i32 to index
        %get3A_555 = arith.index_cast %add3A_552 : i32 to index
        %get3A_556 = arith.constant 0 : index
        %get3A_557 = tpu.vector_load %arg6[%get3A_554, %get3A_555, %get3A_556] {strides = array<i32>} : memref<8x200x16xf32, #tpu.memory_space<vmem>>, vector<1x1x16xf32>,
        %get3A_558 = vector.shape_cast %get3A_557 : vector<1x1x16xf32> to vector<16xf32>
        %add3A_559 = arith.addf %add3A_548, %get3A_558 : vector<16xf32>
        %mul3A_560 = arith.constant 10 : i32
        %mul3A_561 = arith.muli %scan3A_482, %mul3A_560 : i32
        %add3A_562 = arith.constant 7 : i32
        %add3A_563 = arith.addi %mul3A_561, %add3A_562 : i32
        %get3A_564 = arith.constant 7 : i32
        %get3A_565 = arith.index_cast %get3A_564 : i32 to index
        %get3A_566 = arith.index_cast %add3A_563 : i32 to index
        %get3A_567 = arith.constant 0 : index
        %get3A_568 = tpu.vector_load %arg6[%get3A_565, %get3A_566, %get3A_567] {strides = array<i32>} : memref<8x200x16xf32, #tpu.memory_space<vmem>>, vector<1x1x16xf32>,
        %get3A_569 = vector.shape_cast %get3A_568 : vector<1x1x16xf32> to vector<16xf32>
        %add3A_570 = arith.addf %add3A_559, %get3A_569 : vector<16xf32>
        %mul3A_571 = arith.constant 10 : i32
        %mul3A_572 = arith.muli %scan3A_482, %mul3A_571 : i32
        %add3A_573 = arith.constant 8 : i32
        %add3A_574 = arith.addi %mul3A_572, %add3A_573 : i32
        %get3A_575 = arith.constant 7 : i32
        %get3A_576 = arith.index_cast %get3A_575 : i32 to index
        %get3A_577 = arith.index_cast %add3A_574 : i32 to index
        %get3A_578 = arith.constant 0 : index
        %get3A_579 = tpu.vector_load %arg6[%get3A_576, %get3A_577, %get3A_578] {strides = array<i32>} : memref<8x200x16xf32, #tpu.memory_space<vmem>>, vector<1x1x16xf32>,
        %get3A_580 = vector.shape_cast %get3A_579 : vector<1x1x16xf32> to vector<16xf32>
        %add3A_581 = arith.addf %add3A_570, %get3A_580 : vector<16xf32>
        %mul3A_582 = arith.constant 10 : i32
        %mul3A_583 = arith.muli %scan3A_482, %mul3A_582 : i32
        %add3A_584 = arith.constant 9 : i32
        %add3A_585 = arith.addi %mul3A_583, %add3A_584 : i32
        %get3A_586 = arith.constant 7 : i32
        %get3A_587 = arith.index_cast %get3A_586 : i32 to index
        %get3A_588 = arith.index_cast %add3A_585 : i32 to index
        %get3A_589 = arith.constant 0 : index
        %get3A_590 = tpu.vector_load %arg6[%get3A_587, %get3A_588, %get3A_589] {strides = array<i32>} : memref<8x200x16xf32, #tpu.memory_space<vmem>>, vector<1x1x16xf32>,
        %get3A_591 = vector.shape_cast %get3A_590 : vector<1x1x16xf32> to vector<16xf32>
        %add3A_592 = arith.addf %add3A_581, %get3A_591 : vector<16xf32>
        scf.yield %add3A_592 : vector<16xf32>
      }
      %scan3A_469 = arith.constant 20 : i32
      %add3A_470 = arith.constant 8 : i32
      %add3A_471 = arith.addi %add3A_446, %add3A_470 : i32
      %lt3A_472 = arith.constant 128 : i32
      %lt3A_473 = arith.cmpi slt, %add3A_471, %lt3A_472 : i32
      %convert_element_type3A_474 = arith.extui %lt3A_473 : i1 to i32
      %cond3A_475 = arith.constant 0 : i32
      %cond3A_476 = arith.cmpi ne, %convert_element_type3A_474, %cond3A_475 : i32
      scf.if %cond3A_476 {
        %add3A_482 = arith.constant 8 : i32
        %add3A_483 = arith.addi %add3A_446, %add3A_482 : i32
        %mul3A_484 = arith.constant 200 : i32
        %mul3A_485 = arith.muli %add3A_483, %mul3A_484 : i32
        %dma_start3A_486 = arith.constant 7 : i32
        %dma_start3A_487 = arith.constant 0 : i32
        %dma_start3A_488 = arith.constant 0 : i32
        %dma_start3A_489 = tpu.memref_slice %arg6[%dma_start3A_486, %dma_start3A_487, %dma_start3A_488] : memref<8x200x16xf32, #tpu.memory_space<vmem>> -> memref<1x128x16xf32, #tpu.memory_space<vmem>>
        %dma_start3A_490 = tpu.memref_squeeze %dma_start3A_489 : memref<1x128x16xf32, #tpu.memory_space<vmem>> -> memref<128x16xf32, #tpu.memory_space<vmem>>
        %dma_start3A_491 = tpu.memref_slice %arg5[%mul3A_485] : memref<25600xi32, #tpu.memory_space<vmem>> -> memref<128xi32, #tpu.memory_space<vmem>>
        %dma_start3A_492 = arith.constant 0 : i32
        %dma_start3A_493 = arith.constant 0 : i32
        %dma_start3A_494 = tpu.memref_slice %arg3[%dma_start3A_492, %dma_start3A_493] : memref<1015808x16xf32, #tpu.memory_space<hbm>> -> memref<1015808x16xf32, #tpu.memory_space<hbm>>
        tpu.enqueue_indirect_dma source(%dma_start3A_494 : memref<1015808x16xf32, #tpu.memory_space<hbm>>) target(%dma_start3A_490 : memref<128x16xf32, #tpu.memory_space<vmem>>) offsets(%dma_start3A_491 : memref<128xi32, #tpu.memory_space<vmem>>) semaphore(%arg15 : memref<!tpu.dma_semaphore, #tpu.memory_space<semaphore_mem>>)
        %mul3A_495 = arith.constant 200 : i32
        %mul3A_496 = arith.muli %add3A_483, %mul3A_495 : i32
        %add3A_497 = arith.constant 128 : i32
        %add3A_498 = arith.addi %mul3A_496, %add3A_497 : i32
        %dma_start3A_499 = arith.constant 7 : i32
        %dma_start3A_500 = arith.constant 128 : i32
        %dma_start3A_501 = arith.constant 0 : i32
        %dma_start3A_502 = tpu.memref_slice %arg6[%dma_start3A_499, %dma_start3A_500, %dma_start3A_501] : memref<8x200x16xf32, #tpu.memory_space<vmem>> -> memref<1x72x16xf32, #tpu.memory_space<vmem>>
        %dma_start3A_503 = tpu.memref_squeeze %dma_start3A_502 : memref<1x72x16xf32, #tpu.memory_space<vmem>> -> memref<72x16xf32, #tpu.memory_space<vmem>>
        %dma_start3A_504 = tpu.memref_slice %arg5[%add3A_498] : memref<25600xi32, #tpu.memory_space<vmem>> -> memref<72xi32, #tpu.memory_space<vmem>>
        %dma_start3A_505 = arith.constant 0 : i32
        %dma_start3A_506 = arith.constant 0 : i32
        %dma_start3A_507 = tpu.memref_slice %arg3[%dma_start3A_505, %dma_start3A_506] : memref<1015808x16xf32, #tpu.memory_space<hbm>> -> memref<1015808x16xf32, #tpu.memory_space<hbm>>
        tpu.enqueue_indirect_dma source(%dma_start3A_507 : memref<1015808x16xf32, #tpu.memory_space<hbm>>) target(%dma_start3A_503 : memref<72x16xf32, #tpu.memory_space<vmem>>) offsets(%dma_start3A_504 : memref<72xi32, #tpu.memory_space<vmem>>) semaphore(%arg15 : memref<!tpu.dma_semaphore, #tpu.memory_space<semaphore_mem>>)
      } else {
      }
      %swap3A_477 = arith.index_cast %add3A_446 : i32 to index
      %swap3A_478 = arith.constant 0 : index
      %swap3A_479 = tpu.vector_load %arg7[%swap3A_477, %swap3A_478] {strides = array<i32>} : memref<128x16xf32, #tpu.memory_space<vmem>>, vector<1x16xf32>,
      %swap3A_480 = vector.shape_cast %swap3A_479 : vector<1x16xf32> to vector<16xf32>
      %swap3A_481 = vector.shape_cast %scan3A_468 : vector<16xf32> to vector<1x16xf32>
      tpu.vector_store %arg7[%swap3A_477, %swap3A_478], %swap3A_481 {strides = array<i32>} : memref<128x16xf32, #tpu.memory_space<vmem>>, vector<1x16xf32>,
    }
    %scan3A_174 = arith.constant 16 : i32
    "tpu.region"() ({
      %run_scoped3A = tpu.sem_alloc : memref<!tpu.dma_semaphore, #tpu.memory_space<semaphore_mem>>
      %dma_start3A_175 = arith.constant 0 : i32
      %dma_start3A_176 = tpu.memref_slice %arg4[%mul3A_2, %dma_start3A_175] : memref<4096x16xf32, #tpu.memory_space<hbm>> -> memref<128x16xf32, #tpu.memory_space<hbm>>
      %dma_start3A_177 = arith.constant 0 : i32
      %dma_start3A_178 = tpu.memref_slice %arg4[%mul3A_2, %dma_start3A_177] : memref<4096x16xf32, #tpu.memory_space<hbm>> -> memref<128x16xf32, #tpu.memory_space<hbm>>
      tpu.enqueue_dma source(%arg7 : memref<128x16xf32, #tpu.memory_space<vmem>>) target(%dma_start3A_178 : memref<128x16xf32, #tpu.memory_space<hbm>>) target_semaphore(%run_scoped3A : memref<!tpu.dma_semaphore, #tpu.memory_space<semaphore_mem>>)
      %dma_wait3A = arith.constant 0 : i32
      %dma_wait3A_179 = tpu.memref_slice %arg4[%mul3A_2, %dma_wait3A] : memref<4096x16xf32, #tpu.memory_space<hbm>> -> memref<128x16xf32, #tpu.memory_space<hbm>>
      %dma_wait3A_180 = arith.constant 0 : i32
      %dma_wait3A_181 = tpu.memref_slice %arg4[%mul3A_2, %dma_wait3A_180] : memref<4096x16xf32, #tpu.memory_space<hbm>> -> memref<128x16xf32, #tpu.memory_space<hbm>>
      tpu.wait_dma2 semaphore(%run_scoped3A : memref<!tpu.dma_semaphore, #tpu.memory_space<semaphore_mem>>) src(%arg7 : memref<128x16xf32, #tpu.memory_space<vmem>>) dst(%dma_wait3A_181 : memref<128x16xf32, #tpu.memory_space<hbm>>)
      tpu.yield
    }) : () -> ()
    return
  }
}

module attributes {stable_mosaic.version = 14 : i64} {
  func.func @_tw_body(%arg0: i32, %arg1: memref<64x16384xf32, #tpu.memory_space<vmem>>, %arg2: memref<64x16xf32, #tpu.memory_space<vmem>>, %arg3: memref<1x16xf32, #tpu.memory_space<vmem>>, %arg4: memref<2048x128xf32, #tpu.memory_space<vmem>>) attributes {dimension_semantics = [#tpu.dimension_semantics<arbitrary>], iteration_bounds = array<i64: 62>, scalar_prefetch = 0 : i64, scratch_operands = 0 : i64, tpu.core_type = #tpu.core_type<tc>, window_params = [{transform_indices = @transform_0, window_bounds = array<i64: 64, 16384>}, {pipeline_mode = #tpu.pipeline_mode<synchronous>, transform_indices = @transform_1, window_bounds = array<i64: 64, 16>}, {pipeline_mode = #tpu.pipeline_mode<synchronous>, transform_indices = @transform_2, window_bounds = array<i64: 1, 16>}, {transform_indices = @transform_3, window_bounds = array<i64: 2048, 128>}]} {
    %get3A = arith.constant 0 : index
    %get3A_0 = arith.constant 0 : index
    %get3A_1 = vector.load %arg1[%get3A, %get3A_0] : memref<64x16384xf32, #tpu.memory_space<vmem>>, vector<64x2048xf32>
    %get3A_2 = arith.constant 0 : index
    %get3A_3 = arith.constant 0 : index
    %get3A_4 = vector.load %arg2[%get3A_2, %get3A_3] : memref<64x16xf32, #tpu.memory_space<vmem>>, vector<64x16xf32>
    %dot_general3A = arith.constant dense<0.000000e+00> : vector<2048x16xf32>
    %dot_general3A_5 = tpu.matmul %get3A_1, %get3A_4, %dot_general3A {dimension_numbers = #tpu.dot_dimension_numbers<[0], [0], [1], [1], [0, 1, 1, 1], [], []>, transpose_lhs_hint = false} : vector<64x2048xf32>, vector<64x16xf32>, vector<2048x16xf32> -> vector<2048x16xf32>
    %get3A_6 = arith.constant 0 : index
    %get3A_7 = arith.constant 0 : index
    %get3A_8 = vector.load %arg3[%get3A_6, %get3A_7] : memref<1x16xf32, #tpu.memory_space<vmem>>, vector<1x16xf32>
    %add3A = vector.broadcast %get3A_8 : vector<1x16xf32> to vector<2048x16xf32>
    %add3A_9 = arith.addf %dot_general3A_5, %add3A : vector<2048x16xf32>
    %swap3A = arith.constant 0 : index
    %swap3A_10 = arith.constant 0 : index
    %swap3A_11 = vector.load %arg4[%swap3A, %swap3A_10] : memref<2048x128xf32, #tpu.memory_space<vmem>>, vector<2048x16xf32>
    tpu.vector_store %arg4[%swap3A, %swap3A_10], %add3A_9 {strides = array<i32>} : memref<2048x128xf32, #tpu.memory_space<vmem>>, vector<2048x16xf32>,
    %get3A_12 = arith.constant 0 : index
    %get3A_13 = arith.constant 2048 : index
    %get3A_14 = vector.load %arg1[%get3A_12, %get3A_13] : memref<64x16384xf32, #tpu.memory_space<vmem>>, vector<64x2048xf32>
    %get3A_15 = arith.constant 0 : index
    %get3A_16 = arith.constant 0 : index
    %get3A_17 = vector.load %arg2[%get3A_15, %get3A_16] : memref<64x16xf32, #tpu.memory_space<vmem>>, vector<64x16xf32>
    %dot_general3A_18 = arith.constant dense<0.000000e+00> : vector<2048x16xf32>
    %dot_general3A_19 = tpu.matmul %get3A_14, %get3A_17, %dot_general3A_18 {dimension_numbers = #tpu.dot_dimension_numbers<[0], [0], [1], [1], [0, 1, 1, 1], [], []>, transpose_lhs_hint = false} : vector<64x2048xf32>, vector<64x16xf32>, vector<2048x16xf32> -> vector<2048x16xf32>
    %get3A_20 = arith.constant 0 : index
    %get3A_21 = arith.constant 0 : index
    %get3A_22 = vector.load %arg3[%get3A_20, %get3A_21] : memref<1x16xf32, #tpu.memory_space<vmem>>, vector<1x16xf32>
    %add3A_23 = vector.broadcast %get3A_22 : vector<1x16xf32> to vector<2048x16xf32>
    %add3A_24 = arith.addf %dot_general3A_19, %add3A_23 : vector<2048x16xf32>
    %swap3A_25 = arith.constant 0 : index
    %swap3A_26 = arith.constant 16 : index
    %swap3A_27 = vector.load %arg4[%swap3A_25, %swap3A_26] : memref<2048x128xf32, #tpu.memory_space<vmem>>, vector<2048x16xf32>
    tpu.vector_store %arg4[%swap3A_25, %swap3A_26], %add3A_24 {strides = array<i32>} : memref<2048x128xf32, #tpu.memory_space<vmem>>, vector<2048x16xf32>,
    %get3A_28 = arith.constant 0 : index
    %get3A_29 = arith.constant 4096 : index
    %get3A_30 = vector.load %arg1[%get3A_28, %get3A_29] : memref<64x16384xf32, #tpu.memory_space<vmem>>, vector<64x2048xf32>
    %get3A_31 = arith.constant 0 : index
    %get3A_32 = arith.constant 0 : index
    %get3A_33 = vector.load %arg2[%get3A_31, %get3A_32] : memref<64x16xf32, #tpu.memory_space<vmem>>, vector<64x16xf32>
    %dot_general3A_34 = arith.constant dense<0.000000e+00> : vector<2048x16xf32>
    %dot_general3A_35 = tpu.matmul %get3A_30, %get3A_33, %dot_general3A_34 {dimension_numbers = #tpu.dot_dimension_numbers<[0], [0], [1], [1], [0, 1, 1, 1], [], []>, transpose_lhs_hint = false} : vector<64x2048xf32>, vector<64x16xf32>, vector<2048x16xf32> -> vector<2048x16xf32>
    %get3A_36 = arith.constant 0 : index
    %get3A_37 = arith.constant 0 : index
    %get3A_38 = vector.load %arg3[%get3A_36, %get3A_37] : memref<1x16xf32, #tpu.memory_space<vmem>>, vector<1x16xf32>
    %add3A_39 = vector.broadcast %get3A_38 : vector<1x16xf32> to vector<2048x16xf32>
    %add3A_40 = arith.addf %dot_general3A_35, %add3A_39 : vector<2048x16xf32>
    %swap3A_41 = arith.constant 0 : index
    %swap3A_42 = arith.constant 32 : index
    %swap3A_43 = vector.load %arg4[%swap3A_41, %swap3A_42] : memref<2048x128xf32, #tpu.memory_space<vmem>>, vector<2048x16xf32>
    tpu.vector_store %arg4[%swap3A_41, %swap3A_42], %add3A_40 {strides = array<i32>} : memref<2048x128xf32, #tpu.memory_space<vmem>>, vector<2048x16xf32>,
    %get3A_44 = arith.constant 0 : index
    %get3A_45 = arith.constant 6144 : index
    %get3A_46 = vector.load %arg1[%get3A_44, %get3A_45] : memref<64x16384xf32, #tpu.memory_space<vmem>>, vector<64x2048xf32>
    %get3A_47 = arith.constant 0 : index
    %get3A_48 = arith.constant 0 : index
    %get3A_49 = vector.load %arg2[%get3A_47, %get3A_48] : memref<64x16xf32, #tpu.memory_space<vmem>>, vector<64x16xf32>
    %dot_general3A_50 = arith.constant dense<0.000000e+00> : vector<2048x16xf32>
    %dot_general3A_51 = tpu.matmul %get3A_46, %get3A_49, %dot_general3A_50 {dimension_numbers = #tpu.dot_dimension_numbers<[0], [0], [1], [1], [0, 1, 1, 1], [], []>, transpose_lhs_hint = false} : vector<64x2048xf32>, vector<64x16xf32>, vector<2048x16xf32> -> vector<2048x16xf32>
    %get3A_52 = arith.constant 0 : index
    %get3A_53 = arith.constant 0 : index
    %get3A_54 = vector.load %arg3[%get3A_52, %get3A_53] : memref<1x16xf32, #tpu.memory_space<vmem>>, vector<1x16xf32>
    %add3A_55 = vector.broadcast %get3A_54 : vector<1x16xf32> to vector<2048x16xf32>
    %add3A_56 = arith.addf %dot_general3A_51, %add3A_55 : vector<2048x16xf32>
    %swap3A_57 = arith.constant 0 : index
    %swap3A_58 = arith.constant 48 : index
    %swap3A_59 = vector.load %arg4[%swap3A_57, %swap3A_58] : memref<2048x128xf32, #tpu.memory_space<vmem>>, vector<2048x16xf32>
    tpu.vector_store %arg4[%swap3A_57, %swap3A_58], %add3A_56 {strides = array<i32>} : memref<2048x128xf32, #tpu.memory_space<vmem>>, vector<2048x16xf32>,
    %get3A_60 = arith.constant 0 : index
    %get3A_61 = arith.constant 8192 : index
    %get3A_62 = vector.load %arg1[%get3A_60, %get3A_61] : memref<64x16384xf32, #tpu.memory_space<vmem>>, vector<64x2048xf32>
    %get3A_63 = arith.constant 0 : index
    %get3A_64 = arith.constant 0 : index
    %get3A_65 = vector.load %arg2[%get3A_63, %get3A_64] : memref<64x16xf32, #tpu.memory_space<vmem>>, vector<64x16xf32>
    %dot_general3A_66 = arith.constant dense<0.000000e+00> : vector<2048x16xf32>
    %dot_general3A_67 = tpu.matmul %get3A_62, %get3A_65, %dot_general3A_66 {dimension_numbers = #tpu.dot_dimension_numbers<[0], [0], [1], [1], [0, 1, 1, 1], [], []>, transpose_lhs_hint = false} : vector<64x2048xf32>, vector<64x16xf32>, vector<2048x16xf32> -> vector<2048x16xf32>
    %get3A_68 = arith.constant 0 : index
    %get3A_69 = arith.constant 0 : index
    %get3A_70 = vector.load %arg3[%get3A_68, %get3A_69] : memref<1x16xf32, #tpu.memory_space<vmem>>, vector<1x16xf32>
    %add3A_71 = vector.broadcast %get3A_70 : vector<1x16xf32> to vector<2048x16xf32>
    %add3A_72 = arith.addf %dot_general3A_67, %add3A_71 : vector<2048x16xf32>
    %swap3A_73 = arith.constant 0 : index
    %swap3A_74 = arith.constant 64 : index
    %swap3A_75 = vector.load %arg4[%swap3A_73, %swap3A_74] : memref<2048x128xf32, #tpu.memory_space<vmem>>, vector<2048x16xf32>
    tpu.vector_store %arg4[%swap3A_73, %swap3A_74], %add3A_72 {strides = array<i32>} : memref<2048x128xf32, #tpu.memory_space<vmem>>, vector<2048x16xf32>,
    %get3A_76 = arith.constant 0 : index
    %get3A_77 = arith.constant 10240 : index
    %get3A_78 = vector.load %arg1[%get3A_76, %get3A_77] : memref<64x16384xf32, #tpu.memory_space<vmem>>, vector<64x2048xf32>
    %get3A_79 = arith.constant 0 : index
    %get3A_80 = arith.constant 0 : index
    %get3A_81 = vector.load %arg2[%get3A_79, %get3A_80] : memref<64x16xf32, #tpu.memory_space<vmem>>, vector<64x16xf32>
    %dot_general3A_82 = arith.constant dense<0.000000e+00> : vector<2048x16xf32>
    %dot_general3A_83 = tpu.matmul %get3A_78, %get3A_81, %dot_general3A_82 {dimension_numbers = #tpu.dot_dimension_numbers<[0], [0], [1], [1], [0, 1, 1, 1], [], []>, transpose_lhs_hint = false} : vector<64x2048xf32>, vector<64x16xf32>, vector<2048x16xf32> -> vector<2048x16xf32>
    %get3A_84 = arith.constant 0 : index
    %get3A_85 = arith.constant 0 : index
    %get3A_86 = vector.load %arg3[%get3A_84, %get3A_85] : memref<1x16xf32, #tpu.memory_space<vmem>>, vector<1x16xf32>
    %add3A_87 = vector.broadcast %get3A_86 : vector<1x16xf32> to vector<2048x16xf32>
    %add3A_88 = arith.addf %dot_general3A_83, %add3A_87 : vector<2048x16xf32>
    %swap3A_89 = arith.constant 0 : index
    %swap3A_90 = arith.constant 80 : index
    %swap3A_91 = vector.load %arg4[%swap3A_89, %swap3A_90] : memref<2048x128xf32, #tpu.memory_space<vmem>>, vector<2048x16xf32>
    tpu.vector_store %arg4[%swap3A_89, %swap3A_90], %add3A_88 {strides = array<i32>} : memref<2048x128xf32, #tpu.memory_space<vmem>>, vector<2048x16xf32>,
    %get3A_92 = arith.constant 0 : index
    %get3A_93 = arith.constant 12288 : index
    %get3A_94 = vector.load %arg1[%get3A_92, %get3A_93] : memref<64x16384xf32, #tpu.memory_space<vmem>>, vector<64x2048xf32>
    %get3A_95 = arith.constant 0 : index
    %get3A_96 = arith.constant 0 : index
    %get3A_97 = vector.load %arg2[%get3A_95, %get3A_96] : memref<64x16xf32, #tpu.memory_space<vmem>>, vector<64x16xf32>
    %dot_general3A_98 = arith.constant dense<0.000000e+00> : vector<2048x16xf32>
    %dot_general3A_99 = tpu.matmul %get3A_94, %get3A_97, %dot_general3A_98 {dimension_numbers = #tpu.dot_dimension_numbers<[0], [0], [1], [1], [0, 1, 1, 1], [], []>, transpose_lhs_hint = false} : vector<64x2048xf32>, vector<64x16xf32>, vector<2048x16xf32> -> vector<2048x16xf32>
    %get3A_100 = arith.constant 0 : index
    %get3A_101 = arith.constant 0 : index
    %get3A_102 = vector.load %arg3[%get3A_100, %get3A_101] : memref<1x16xf32, #tpu.memory_space<vmem>>, vector<1x16xf32>
    %add3A_103 = vector.broadcast %get3A_102 : vector<1x16xf32> to vector<2048x16xf32>
    %add3A_104 = arith.addf %dot_general3A_99, %add3A_103 : vector<2048x16xf32>
    %swap3A_105 = arith.constant 0 : index
    %swap3A_106 = arith.constant 96 : index
    %swap3A_107 = vector.load %arg4[%swap3A_105, %swap3A_106] : memref<2048x128xf32, #tpu.memory_space<vmem>>, vector<2048x16xf32>
    tpu.vector_store %arg4[%swap3A_105, %swap3A_106], %add3A_104 {strides = array<i32>} : memref<2048x128xf32, #tpu.memory_space<vmem>>, vector<2048x16xf32>,
    %get3A_108 = arith.constant 0 : index
    %get3A_109 = arith.constant 14336 : index
    %get3A_110 = vector.load %arg1[%get3A_108, %get3A_109] : memref<64x16384xf32, #tpu.memory_space<vmem>>, vector<64x2048xf32>
    %get3A_111 = arith.constant 0 : index
    %get3A_112 = arith.constant 0 : index
    %get3A_113 = vector.load %arg2[%get3A_111, %get3A_112] : memref<64x16xf32, #tpu.memory_space<vmem>>, vector<64x16xf32>
    %dot_general3A_114 = arith.constant dense<0.000000e+00> : vector<2048x16xf32>
    %dot_general3A_115 = tpu.matmul %get3A_110, %get3A_113, %dot_general3A_114 {dimension_numbers = #tpu.dot_dimension_numbers<[0], [0], [1], [1], [0, 1, 1, 1], [], []>, transpose_lhs_hint = false} : vector<64x2048xf32>, vector<64x16xf32>, vector<2048x16xf32> -> vector<2048x16xf32>
    %get3A_116 = arith.constant 0 : index
    %get3A_117 = arith.constant 0 : index
    %get3A_118 = vector.load %arg3[%get3A_116, %get3A_117] : memref<1x16xf32, #tpu.memory_space<vmem>>, vector<1x16xf32>
    %add3A_119 = vector.broadcast %get3A_118 : vector<1x16xf32> to vector<2048x16xf32>
    %add3A_120 = arith.addf %dot_general3A_115, %add3A_119 : vector<2048x16xf32>
    %swap3A_121 = arith.constant 0 : index
    %swap3A_122 = arith.constant 112 : index
    %swap3A_123 = vector.load %arg4[%swap3A_121, %swap3A_122] : memref<2048x128xf32, #tpu.memory_space<vmem>>, vector<2048x16xf32>
    tpu.vector_store %arg4[%swap3A_121, %swap3A_122], %add3A_120 {strides = array<i32>} : memref<2048x128xf32, #tpu.memory_space<vmem>>, vector<2048x16xf32>,
    return
  }
  func.func @transform_0(%arg0: i32) -> (i32, i32) {
    %c0_i32 = arith.constant 0 : i32
    %c0_i32_0 = arith.constant 0 : i32
    return %c0_i32, %arg0 : i32, i32
  }
  func.func @transform_1(%arg0: i32) -> (i32, i32) {
    %c0_i32 = arith.constant 0 : i32
    %c0_i32_0 = arith.constant 0 : i32
    %c0_i32_1 = arith.constant 0 : i32
    return %c0_i32, %c0_i32_0 : i32, i32
  }
  func.func @transform_2(%arg0: i32) -> (i32, i32) {
    %c0_i32 = arith.constant 0 : i32
    %c0_i32_0 = arith.constant 0 : i32
    %c0_i32_1 = arith.constant 0 : i32
    return %c0_i32, %c0_i32_0 : i32, i32
  }
  func.func @transform_3(%arg0: i32) -> (i32, i32) {
    %c0_i32 = arith.constant 0 : i32
    %c0_i32_0 = arith.constant 0 : i32
    return %arg0, %c0_i32 : i32, i32
  }
}

</mosaic_0001>

<sc_bundles>
// kernel: kernel.4.cloned.1.call-start
scs
__scs_entry_jumppad:
0x0: {  	(pc) =	sbr.rel $0x88, $3  }
0x1: {  	(tag) =	ssettag $0x0;
	lr =	simm.s32 $0x1  }
0x2: {  	[smem:$0x3F9D] =	sst lr;
	_ =	strace $0xD0000000  }
0x3: {  	_ = 	snop  }
0x4: {  	_ = 	snop  }
0x5: {  	_ = 	snop  }
0x6: {  	_ = 	snop  }
0x7: {  	_ = 	snop  }
__scs_overlays_trampoline_lowered:
0x8: {  	[smem:$0x3FAC] =	sst s0  }
0x9: {  	[smem:$0x3FAD] =	sst s1  }
0xa: {  	[smem:$0x3FAE] =	sst s2  }
0xb: {  	[smem:$0x3FAF] =	sst s3  }
0xc: {  	[smem:$0x3FB0] =	sst s4  }
0xd: {  	[smem:$0x3FB1] =	sst s5  }
0xe: {  	[smem:$0x3FB2] =	sst s6  }
0xf: {  	[smem:$0x3FB3] =	sst s7  }
0x10: {  	[smem:$0x3FB4] =	sst s8  }
0x11: {  	[smem:$0x3FB5] =	sst s9;
	s0 =	simm.s32 @!p0 $0x0  }
0x12: {  	s1 =	sld [smem:$0x3F9B];
	s0 =	simm.s32 @p0 $0x1  }
0x13: {  	[smem:$0x3FB6] =	sst s0;
	s0 =	simm.s32 @!p1 $0x0  }
0x14: {  	s2 =	sld [smem:$0x3F9A];
	s0 =	simm.s32 @p1 $0x1  }
0x15: {  	[smem:$0x3FB7] =	sst s0;
	s0 =	simm.s32 @!p2 $0x0  }
0x16: {  	s3 =	sld [smem:$0x3FDB];
	s0 =	simm.s32 @p2 $0x1  }
0x17: {  	s4 =	simm.s32 $0x1BF5;
	[smem:$0x3FB9] =	sst s0  }
0x18: {  	s0 =	sld [smem:$0x3F9C];
	_ =	swait.ge [sflag:s4], $0x0  }
0x19: {  	s7 =	sld [smem:$0x3F9D]  }
0x1a: {  	s8 =	sadd.s32 $0xFFFFE003, lr  }
0x1b: {  	s9 =	sadd.s32 $0xFFFFFEF7, lr;
	s5 =	simm.s32 $0xFFFFFFFF;
	p2 =	slt.u32 s8, $0xFFFFF086  }
0x1c: {  	p1 =	slt.u32 s9, $0xF7A;
	s5 =	simm.s32 @!p2 $0x0  }
0x1d: {  	s5 =	simm.s32 @p1 $0x1;
	p0 =	seq.s32 s7, s2  }
0x1e: {  	s7 =	smul.u32 @!p0 $0xF7A, s2;
	p2 =	seq.s32 @!p0 s5, $0x0  }
0x1f: {  	s9 =	smul.u32 $0xF7A, s1;
	s8 =	simm.s32 @!p0 $0x1BF5;
	p2 =	por !p2, p0  }
0x20: {  	[sflag:s8] =	ssyncset.s32 @!p0 $0xFFFFF086;
	s6 =	sadd.s32 @!p0 s3, s7;
	s7 =	simm.s32 @!p0 $0x108  }
0x21: {  	s3 =	sadd.s32 s3, s9;
	s6 =	sadd.s32 @!p0 $0x88, s6;
	s7 =	simm.s32 @p2 $0x1082  }
0x22: {  	[simem:s7], [sflag:s8] =	dma.local @!p0 [hbm:s6], $0xF7A  }
0x23: {  	s9 =	sor.u32 $0xD0000000, s2;
	s6 =	simm.s32 $0x108;
	_ =	swait.ge @!p0 [sflag:s8], $0x0  }
0x24: {  	s3 =	sadd.s32 $0x88, s3;
	s6 =	simm.s32 @!p1 $0x1082;
	[sflag:s4] =	ssyncset.s32 $0xFFFFF086  }
0x25: {  	[simem:s6], [sflag:s4] =	dma.local [hbm:s3], $0xF7A  }
0x26: {  	[smem:$0x3F9D] =	sst s1;
	(tag) =	ssettag s2;
	_ =	strace s9  }
0x27: {  	s1 =	sld [smem:$0x3FAD]  }
0x28: {  	s2 =	sld [smem:$0x3FAE]  }
0x29: {  	s4 =	sld [smem:$0x3FB0]  }
0x2a: {  	p0 =	seq.s32 s5, $0x0;
	s5 =	sld [smem:$0x3FB1]  }
0x2b: {  	s6 =	sld [smem:$0x3FB2]  }
0x2c: {  	s7 =	sld [smem:$0x3FB3]  }
0x2d: {  	s3 =	simm.s32 $0x108;
	s8 =	sld [smem:$0x3FB4]  }
0x2e: {  	s3 =	simm.s32 @!p0 $0x1082;
	s9 =	sld [smem:$0x3FB5]  }
0x2f: {  	lr =	sadd.s32 s0, s3;
	s0 =	sld [smem:$0x3FAC]  }
0x30: {  	s3 =	sld [smem:$0x3FAF]  }
0x31: {  	[smem:$0x3FB8] =	sst s10  }
0x32: {  	s10 =	sld [smem:$0x3FB6];
	_ =	sdelay $0x3  }
0x33: {  	p0 =	seq.s32 s10, $0x1;
	s10 =	sld [smem:$0x3FB8];
	_ =	sdelay $0x3  }
0x34: {  	[smem:$0x3FB8] =	sst s10  }
0x35: {  	s10 =	sld [smem:$0x3FB7];
	_ =	sdelay $0x3  }
0x36: {  	p1 =	seq.s32 s10, $0x1;
	s10 =	sld [smem:$0x3FB8];
	_ =	sdelay $0x3  }
0x37: {  	[smem:$0x3FB8] =	sst s10  }
0x38: {  	s10 =	sld [smem:$0x3FB9]  }
0x39: {  	_ = 	snop;
	(pc) =	sbr.ind lr, $3  }
0x3a: {  	_ = 	snop  }
0x3b: {  	_ = 	snop  }
0x3c: {  	p2 =	seq.s32 s10, $0x1;
	s10 =	sld [smem:$0x3FB8]  }
0x3d: {  	_ =	shalt  }
0x3e: {  	_ =	shalt  }
0x3f: {  	_ =	shalt  }
0x40: {  	_ =	shalt  }
0x41: {  	_ =	shalt  }
0x42: {  	_ =	shalt  }
0x43: {  	_ =	shalt  }
0x44: {  	_ =	shalt  }
0x45: {  	_ =	shalt  }
0x46: {  	_ =	shalt  }
0x47: {  	_ =	shalt  }
0x48: {  	_ =	shalt  }
0x49: {  	_ =	shalt  }
0x4a: {  	_ =	shalt  }
0x4b: {  	_ =	shalt  }
0x4c: {  	_ =	shalt  }
0x4d: {  	_ =	shalt  }
0x4e: {  	_ =	shalt  }
0x4f: {  	_ =	shalt  }
0x50: {  	_ =	shalt  }
0x51: {  	_ =	shalt  }
0x52: {  	_ =	shalt  }
0x53: {  	_ =	shalt  }
0x54: {  	_ =	shalt  }
0x55: {  	_ =	shalt  }
0x56: {  	_ =	shalt  }
0x57: {  	_ =	shalt  }
0x58: {  	_ =	shalt  }
0x59: {  	_ =	shalt  }
0x5a: {  	_ =	shalt  }
0x5b: {  	_ =	shalt  }
0x5c: {  	_ =	shalt  }
0x5d: {  	_ =	shalt  }
0x5e: {  	_ =	shalt  }
0x5f: {  	_ =	shalt  }
0x60: {  	_ =	shalt  }
0x61: {  	_ =	shalt  }
0x62: {  	_ =	shalt  }
0x63: {  	_ =	shalt  }
0x64: {  	_ =	shalt  }
0x65: {  	_ =	shalt  }
0x66: {  	_ =	shalt  }
0x67: {  	_ =	shalt  }
0x68: {  	_ =	shalt  }
0x69: {  	_ =	shalt  }
0x6a: {  	_ =	shalt  }
0x6b: {  	_ =	shalt  }
0x6c: {  	_ =	shalt  }
0x6d: {  	_ =	shalt  }
0x6e: {  	_ =	shalt  }
0x6f: {  	_ =	shalt  }
0x70: {  	_ =	shalt  }
0x71: {  	_ =	shalt  }
0x72: {  	_ =	shalt  }
0x73: {  	_ =	shalt  }
0x74: {  	_ =	shalt  }
0x75: {  	_ =	shalt  }
0x76: {  	_ =	shalt  }
0x77: {  	_ =	shalt  }
0x78: {  	_ =	shalt  }
0x79: {  	_ =	shalt  }
0x7a: {  	_ =	shalt  }
0x7b: {  	_ =	shalt  }
0x7c: {  	_ =	shalt  }
0x7d: {  	_ =	shalt  }
0x7e: {  	_ =	shalt  }
0x7f: {  	_ =	shalt  }
0x80: {  	_ =	shalt  }
0x81: {  	_ =	shalt  }
0x82: {  	_ =	shalt  }
0x83: {  	_ =	shalt  }
0x84: {  	_ =	shalt  }
0x85: {  	_ =	shalt  }
0x86: {  	_ =	shalt  }
0x87: {  	_ =	shalt  }
.Lfunc_end0:
.L_simem_size_0:
called_computation_lowered:
.L_overlay_start_0:
0x88: {  	s2 =	sld [smem:$0x3FD9]  }
0x89: {  	s3 =	sld [smem:$0x3FFE];
	_ =	sdelay $0x1  }
0x8a: {  	s1 =	srdreg.scid  }
0x8b: {  	s0 =	sand.u32 $0x1, s1  }
0x8c: {  	s16 =	sshll.u32 s0, $0xA;
	s2 =	sadd.s32 s3, s2  }
0x8d: {  	s2 =	sadd.s32 s2, s16  }
0x8e: {  	[smem:$0x3FC4] =	sst s2  }
0x8f: {  	_ = 	snop  }
0x90: {  	(tm) =	ssettm $0x1  }
0x91: {  	s17 =	sld [smem:$0x3FFB];
	_ =	sdelay $0x3  }
0x92: {  	_ =	strace s17  }
0x93: {  	s2 =	sld [smem:$0x3FFC];
	_ =	sdelay $0x3  }
0x94: {  	_ =	strace s2  }
0x95: {  	s2 =	sld [smem:$0x3FFD];
	_ =	sdelay $0x3  }
0x96: {  	_ =	strace s2  }
0x97: {  	_ =	strace $0x8FFFFFFF  }
0x98: {  	s18 =	sld [smem:$0x3FDB];
	_ =	sdelay $0x1  }
0x99: {  	s19 =	simm.s32 $_scs_section_size  }
0x9a: {  	s4 =	simm.s32 $_size__tile_overlayer_lowered;
	s5 =	simm.s32 $_tile_overlayer_lowered  }
0x9b: {  	s22 =	simm.s32 $0x1BFF;
	s21 =	sshll.u32 s5, $0x1;
	s2 =	sadd.s32 s19, s18  }
0x9c: {  	s6 =	simm.s32 $0x0;
	s20 =	sshll.u32 s4, $0x1;
	s4 =	sadd.s32 s21, s2  }
0x9d: {  	[timem:s6], [sflag:s22] =	dma.local [hbm:s4], s20  }
0x9e: {  	_ =	swait.ge [sflag:s22], s20  }
0x9f: {  	s3 =	ssub.s32 $0x0, s20;
	[sflag:s22] =	ssyncset.done $0x0  }
0xa0: {  	[sflag:s22] =	ssyncadd.s32 s3;
	_ =	sdelay $0x1  }
0xa1: {  	s23 =	simm.s32 $0x1B8B  }
0xa2: {  	_ =	swait.ge [sflag:s23], $0x1  }
0xa3: {  	[sflag:s23] =	ssyncset.done $0x0  }
0xa4: {  	s25 =	simm.s32 $0x1B8E;
	s24 =	sld [smem:$0x3FFE];
	[sflag:s23] =	ssyncadd.s32 $0xFFFFFFFF  }
0xa5: {  	s26 =	simm.s32 $execute0_lowered;
	[smem:$0x3FD2] =	sst s25  }
0xa6: {  	s4 =	sshll.u32 s26, $0x1;
	_ =	strace $0x80000046;
	[dreg:$0x1] =	wrdreg $0xFFFFFFFF  }
0xa7: {  	s28 =	simm.s32 $_size_execute0_lowered;
	s2 =	sadd.s32 s2, s4;
	[dreg:$0x0] =	wrdreg $0x0  }
0xa8: {  	s4 =	sshll.u32 s28, $0x1;
	[dreg:$0x2] =	wrdreg s2  }
0xa9: {  	[dreg:$0x3] =	wrdreg s4  }
0xaa: {  	[dreg:$0x4] =	wrdreg $0xC0  }
0xab: {  	_ =	task [dreg:s6], $0x5FFFF  }
0xac: {  	[dreg:$0x1] =	wrdreg $0xFFFFFFFF  }
0xad: {  	[dreg:$0x0] =	wrdreg $0x60  }
0xae: {  	[dreg:$0x2] =	wrdreg s24  }
0xaf: {  	[dreg:$0x3] =	wrdreg $0x9  }
0xb0: {  	_ =	task.clear_ibuf [dreg:s6], $0x4FFFF;
	_ =	strace $0x90000046  }
0xb1: {  	s29 =	simm.s32 $0x9;
	_ =	strace $0x80000048  }
0xb2: {  	_ =	swait.ge [sflag:s29], $0x1  }
0xb3: {  	[sflag:s29] =	ssyncadd.s32 $0xFFFFFFFF  }
0xb4: {  	_ =	strace $0x90000048  }
0xb5: {  	_ =	sfence  }
0xb6: {  	s30 =	sld [smem:$0x0];
	_ =	sdelay $0x2  }
0xb7: {  	s31 =	sshll.u32 s1, $0xD;
	s1 =	sshrl.u32 s1, $0x2  }
0xb8: {  	s3 =	sand.u32 $0x4000, s31;
	s1 =	sadd.s32 s1, s30  }
0xb9: {  	s0 =	sor.u32 s3, s0;
	s1 =	sshll.u32 s1, $0x11  }
0xba: {  	s0 =	sor.u32 s1, s0  }
0xbb: {  	s0 =	sadd.s32 $0x8F2B, s0  }
0xbc: {  	[sflag:s0] =	ssyncadd.remote.s32 $0x1  }
0xbd: {  	_ =	sfence.sel $0xFFFF  }
0xbe: {  	[dreg:$0x0] =	wrdreg $0xFFFFFFFF;
	(pc) =	sbr.abs _section_cstart, $3  }
0xbf: {  	[dreg:$0x1] =	wrdreg $0xFFFFFFFF  }
0xc0: {  	_ =	task.clear_ibuf [dreg:s6], $0x2FFFF;
	_ =	strace $0x9FFFFFFF  }
0xc1: {  	(tm) =	ssettm $0x7FFFFFFF  }
tec
execute0_lowered:
.L_overlay_start_1:
0x0: {  	(tag) =	ssettag $0x1  }
0x1: {  	s0 =	srdreg.scid;
	s1 =	stileid.u32  }
0x2: {  	s4 =	rddreg [dreg:$0x0];
	s2 =	simm.s32 $0x0;
	s7 =	simm.s32 $0x9  }
0x3: {  	s8 =	simm.s32 $0x80;
	s10 =	simm.s32 $0x48;
	s9 =	simm.s32 $0xAF00  }
0x4: {  	s11 =	simm.s32 $0x530;
	s12 =	simm.s32 $0xB700;
	s13 =	simm.s32 $0x578  }
0x5: {  	s14 =	simm.s32 $0xBB80;
	s15 =	simm.s32 $0x5F8;
	s16 =	simm.s32 $0xC380  }
0x6: {  	s17 =	simm.s32 $0x1;
	s18 =	simm.s32 $0x2;
	s19 =	simm.s32 $0x3  }
0x7: {  	s20 =	simm.s32 $0x4;
	s21 =	simm.s32 $0x5;
	s22 =	simm.s32 $0x6  }
0x8: {  	s23 =	simm.s32 $0x7;
	s24 =	simm.s32 $0x8;
	s25 =	simm.s32 $0xC800  }
0x9: {  	s26 =	simm.s32 $0x0;
	s0 =	sand.u32 $0x1, s0;
	s1 =	sshll.u32 s1, $0x1  }
.Ltmp0:
0xa: {  	[smem:$0x7FF] =	sst s2;
	s1 =	sor.u32 s0, s1;
	(pc) =	sbr.rel .LBB2_1-.Ltmp0, $4  }
0xb: {  	s0 =	ssub.s32 $0x2, s0;
	s3 =	smul.u32 $0xC80, s1;
	s1 =	sshll.u32 s1, $0x8  }
0xc: {  	_ =	strace $0x80000047;
	s6 =	sshrl.u32 s0, $0x1;
	s1 =	sadd.s32 s1, s4  }
0xd: {  	s0 =	ssub.s32 s0, s6;
	s5 =	sadd.s32 s3, s4;
	s3 =	sadd.s32 $0x19400, s4  }
0xe: {  	s6 =	smax.u32 s0, $0x1;
	s4 =	sadd.s32 $0x400, s5;
	s5 =	sadd.s32 $0x209400, s1  }
.LBB2_22:
0xf: {  	s26 =	sadd.s32 $0x1, s26  }
0x10: {  	p0 =	sne.s32 s26, s6  }
.Ltmp1:
0x11: {  	[tilespmem:s29+$0xC870] =	vst v0;
	(pc) =	sbr.rel @!p0 .LBB2_23-.Ltmp1, $4  }
0x12: {  	[hbm4b:s5+s2] =	stream.linear.scatter [tilespmem:s25], [sflag:$0x9], $0x800, $0x38;
	[tilespmem:$0xD000] =	vst v63  }
0x13: {  	_ =	swait.ge [sflag:s7], $0x800  }
0x14: {  	[sflag:s7] =	ssyncset.done $0x0  }
0x15: {  	[sflag:s7] =	ssyncadd.s32 $0xFFFFF800  }
.LBB2_1:
0x16: {  	[tilespmem:s2], [sflag:$0x9] =	stream.linear.gather [hbm4b:s4+s2], $0x6400, $0x38;
	[tilespmem:$0xD000] =	vst v63  }
0x17: {  	_ =	swait.ge [sflag:s7], $0x6400  }
0x18: {  	[sflag:s7] =	ssyncset.done $0x0  }
0x19: {  	s29 =	simm.s32 $0x0;
	[sflag:s7] =	ssyncadd.s32 $0xFFFF9C00  }
0x1a: {  	v0 =	vld [tilespmem:s29+$0x30];
	_ =	sdelay $0x4  }
0x1b: {  	v1 =	vld [tilespmem:s29+$0x0];
	v2 =	vshll.u32 v0, $0x3  }
0x1c: {  	v3 =	vand.u32 $0xFFFFC000, v0;
	v0 =	vshrl.u32 v0, $0xB;
	v2 =	vand.u32 $0x3FF8, v2  }
0x1d: {  	v0 =	vand.u32 $0x7, v0;
	v2 =	vor.u32 v3, v2  }
0x1e: {  	v3 =	vld [tilespmem:s29+$0x10];
	v0 =	vor.u32 v0, v2  }
0x1f: {  	s28 =	simm.s32 $0x40;
	[tilespmem:s29+$0x30] =	vst v0  }
0x20: {  	v2 =	vshll.u32 v1, $0x3;
	v0 =	vld [tilespmem:s28+$0x30]  }
0x21: {  	v4 =	vshrl.u32 v1, $0xB;
	v1 =	vand.u32 $0xFFFFC000, v1;
	v2 =	vand.u32 $0x3FF8, v2  }
0x22: {  	v1 =	vor.u32 v1, v2;
	v2 =	vand.u32 $0x7, v4  }
0x23: {  	v1 =	vor.u32 v2, v1;
	v2 =	vld [tilespmem:s29+$0x20];
	v4 =	vshll.u32 v3, $0x3;
	v5 =	vshrl.u32 v3, $0xB  }
0x24: {  	v3 =	vand.u32 $0xFFFFC000, v3;
	[tilespmem:s29+$0x0] =	vst v1;
	v4 =	vand.u32 $0x3FF8, v4;
	v5 =	vand.u32 $0x7, v5  }
0x25: {  	v1 =	vld [tilespmem:s28+$0x0];
	v3 =	vor.u32 v3, v4;
	v6 =	vand.u32 $0xFFFFC000, v0;
	v7 =	vshll.u32 v0, $0x3  }
0x26: {  	v0 =	vshrl.u32 v0, $0xB;
	v3 =	vor.u32 v5, v3;
	v4 =	vand.u32 $0x3FF8, v7  }
0x27: {  	v5 =	vand.u32 $0x7, v0;
	[tilespmem:s29+$0x10] =	vst v3;
	v4 =	vor.u32 v6, v4  }
0x28: {  	s30 =	simm.s32 $0x200;
	v0 =	vld [tilespmem:s28+$0x10];
	v3 =	vor.u32 v5, v4;
	v4 =	vshll.u32 v2, $0x3;
	v5 =	vshrl.u32 v2, $0xB  }
.LBB2_2:
0x29: {  	s1 =	sshra.s32 s30, $0x2;
	p0 =	sne.s32 s30, $0x18F00;
	s30 =	sadd.s32 $0x100, s30;
	[tilespmem:s28+$0x30] =	vst v3;
	v2 =	vand.u32 $0xFFFFC000, v2;
	v3 =	vand.u32 $0x3FF8, v4;
	v4 =	vand.u32 $0x7, v5  }
0x2a: {  	v5 =	vld [tilespmem:s1+$0x30];
	v6 =	vshll.u32 v1, $0x3;
	v7 =	vshrl.u32 v1, $0xB;
	v2 =	vor.u32 v2, v3  }
0x2b: {  	v1 =	vand.u32 $0xFFFFC000, v1;
	v3 =	vand.u32 $0x3FF8, v6;
	v2 =	vor.u32 v4, v2  }
0x2c: {  	v1 =	vor.u32 v1, v3;
	v3 =	vand.u32 $0x7, v7;
	[tilespmem:s29+$0x20] =	vst v2;
	s29 =	smov.u32 s28;
	s28 =	smov.u32 s1  }
0x2d: {  	v1 =	vor.u32 v3, v1;
	v3 =	vshll.u32 v0, $0x3;
	v4 =	vshrl.u32 v0, $0xB;
	v2 =	vld [tilespmem:s29+$0x20]  }
.Ltmp2:
0x2e: {  	v0 =	vand.u32 $0xFFFFC000, v0;
	[tilespmem:s29+$0x0] =	vst v1;
	v3 =	vand.u32 $0x3FF8, v3;
	v4 =	vand.u32 $0x7, v4;
	(pc) =	sbr.rel @p0 .LBB2_2-.Ltmp2, $4  }
0x2f: {  	v1 =	vld [tilespmem:s28+$0x0];
	v6 =	vand.u32 $0xFFFFC000, v5;
	v7 =	vshll.u32 v5, $0x3;
	v0 =	vor.u32 v0, v3  }
0x30: {  	v5 =	vshrl.u32 v5, $0xB;
	v3 =	vand.u32 $0x3FF8, v7;
	v0 =	vor.u32 v4, v0  }
0x31: {  	v4 =	vand.u32 $0x7, v5;
	v3 =	vor.u32 v6, v3;
	[tilespmem:s29+$0x10] =	vst v0  }
0x32: {  	v0 =	vld [tilespmem:s28+$0x10];
	v3 =	vor.u32 v4, v3;
	v4 =	vshll.u32 v2, $0x3;
	v5 =	vshrl.u32 v2, $0xB  }
0x33: {  	v2 =	vand.u32 $0xFFFFC000, v2;
	v4 =	vand.u32 $0x3FF8, v4  }
0x34: {  	v5 =	vand.u32 $0x7, v5;
	v2 =	vor.u32 v2, v4  }
0x35: {  	[tilespmem:s28+$0x30] =	vst v3;
	v2 =	vor.u32 v5, v2  }
0x36: {  	[tilespmem:s29+$0x20] =	vst v2  }
0x37: {  	v53 =	vld [tilespmem:s28+$0x20]  }
0x38: {  	v52 =	vshll.u32 v1, $0x3;
	v54 =	vshrl.u32 v1, $0xB  }
0x39: {  	v55 =	vand.u32 $0xFFFFC000, v1;
	v56 =	vand.u32 $0x7, v54;
	v2 =	vand.u32 $0x3FF8, v52  }
0x3a: {  	v1 =	vor.u32 v55, v2;
	v57 =	vshll.u32 v0, $0x3;
	v58 =	vshrl.u32 v0, $0xB  }
0x3b: {  	v59 =	vand.u32 $0xFFFFC000, v0;
	v1 =	vor.u32 v56, v1;
	v2 =	vand.u32 $0x3FF8, v57  }
0x3c: {  	v4 =	vand.u32 $0x7, v58;
	v0 =	vor.u32 v59, v2;
	v60 =	vshll.u32 v53, $0x3  }
0x3d: {  	v61 =	vshrl.u32 v53, $0xB;
	v3 =	vand.u32 $0xFFFFC000, v53;
	v2 =	vand.u32 $0x3FF8, v60  }
0x3e: {  	[tilespmem:s28+$0x0] =	vst v1;
	v0 =	vor.u32 v4, v0;
	v62 =	vand.u32 $0x7, v61;
	v2 =	vor.u32 v3, v2  }
0x3f: {  	[tilespmem:s28+$0x10] =	vst v0;
	v63 =	vor.u32 v62, v2  }
0x40: {  	s0 =	simm.s32 $0x6400;
	[tilespmem:s28+$0x20] =	vst v63;
	s28 =	simm.s32 $0x0  }
0x41: {  	[tilespmem:s0], [sflag:$0x1] =	stream.indirect.gather [hbm4b:s3+s8], $0x10, s28, s8, $0xb8;
	[tilespmem:$0xD000] =	vst v63  }
0x42: {  	s30 =	simm.s32 $0x6C00  }
0x43: {  	[tilespmem:s30], [sflag:$0x1] =	stream.indirect.gather [hbm4b:s3+s10], $0x10, s8, s10, $0xb8;
	[tilespmem:$0xD000] =	vst v63  }
0x44: {  	s31 =	simm.s32 $0xC8;
	s1 =	simm.s32 $0x7080  }
0x45: {  	[tilespmem:s1], [sflag:$0x2] =	stream.indirect.gather [hbm4b:s3+s8], $0x10, s31, s8, $0xb8;
	[tilespmem:$0xD000] =	vst v63  }
0x46: {  	s29 =	simm.s32 $0x7880;
	s1 =	simm.s32 $0x148  }
0x47: {  	[tilespmem:s29], [sflag:$0x2] =	stream.indirect.gather [hbm4b:s3+s10], $0x10, s1, s10, $0xb8;
	[tilespmem:$0xD000] =	vst v63  }
0x48: {  	s30 =	simm.s32 $0x190;
	s31 =	simm.s32 $0x7D00  }
0x49: {  	[tilespmem:s31], [sflag:$0x3] =	stream.indirect.gather [hbm4b:s3+s8], $0x10, s30, s8, $0xb8;
	[tilespmem:$0xD000] =	vst v63  }
0x4a: {  	s1 =	simm.s32 $0x210;
	s29 =	simm.s32 $0x8500  }
0x4b: {  	[tilespmem:s29], [sflag:$0x3] =	stream.indirect.gather [hbm4b:s3+s10], $0x10, s1, s10, $0xb8;
	[tilespmem:$0xD000] =	vst v63  }
0x4c: {  	s30 =	simm.s32 $0x258;
	s31 =	simm.s32 $0x8980  }
0x4d: {  	[tilespmem:s31], [sflag:$0x4] =	stream.indirect.gather [hbm4b:s3+s8], $0x10, s30, s8, $0xb8;
	[tilespmem:$0xD000] =	vst v63  }
0x4e: {  	s1 =	simm.s32 $0x2D8;
	s29 =	simm.s32 $0x9180  }
0x4f: {  	[tilespmem:s29], [sflag:$0x4] =	stream.indirect.gather [hbm4b:s3+s10], $0x10, s1, s10, $0xb8;
	[tilespmem:$0xD000] =	vst v63  }
0x50: {  	s30 =	simm.s32 $0x320;
	s31 =	simm.s32 $0x9600  }
0x51: {  	[tilespmem:s31], [sflag:$0x5] =	stream.indirect.gather [hbm4b:s3+s8], $0x10, s30, s8, $0xb8;
	[tilespmem:$0xD000] =	vst v63  }
0x52: {  	s1 =	simm.s32 $0x3A0;
	s29 =	simm.s32 $0x9E00  }
0x53: {  	[tilespmem:s29], [sflag:$0x5] =	stream.indirect.gather [hbm4b:s3+s10], $0x10, s1, s10, $0xb8;
	[tilespmem:$0xD000] =	vst v63  }
0x54: {  	s30 =	simm.s32 $0x3E8;
	s31 =	simm.s32 $0xA280  }
0x55: {  	[tilespmem:s31], [sflag:$0x6] =	stream.indirect.gather [hbm4b:s3+s8], $0x10, s30, s8, $0xb8;
	[tilespmem:$0xD000] =	vst v63  }
0x56: {  	s29 =	simm.s32 $0x468;
	s30 =	simm.s32 $0xAA80  }
0x57: {  	[tilespmem:s30], [sflag:$0x6] =	stream.indirect.gather [hbm4b:s3+s10], $0x10, s29, s10, $0xb8;
	[tilespmem:$0xD000] =	vst v63  }
0x58: {  	s31 =	simm.s32 $0x4B0  }
0x59: {  	[tilespmem:s9], [sflag:$0x7] =	stream.indirect.gather [hbm4b:s3+s8], $0x10, s31, s8, $0xb8;
	[tilespmem:$0xD000] =	vst v63  }
0x5a: {  	_ = 	snop  }
0x5b: {  	[tilespmem:s12], [sflag:$0x7] =	stream.indirect.gather [hbm4b:s3+s10], $0x10, s11, s10, $0xb8;
	[tilespmem:$0xD000] =	vst v63  }
0x5c: {  	_ = 	snop  }
0x5d: {  	[tilespmem:s14], [sflag:$0x8] =	stream.indirect.gather [hbm4b:s3+s8], $0x10, s13, s8, $0xb8;
	[tilespmem:$0xD000] =	vst v63  }
0x5e: {  	_ = 	snop  }
0x5f: {  	[tilespmem:s16], [sflag:$0x8] =	stream.indirect.gather [hbm4b:s3+s10], $0x10, s15, s10, $0xb8;
	[tilespmem:$0xD000] =	vst v63  }
.LBB2_4:
0x60: {  	_ =	swait.ge [sflag:s17], $0xC80  }
0x61: {  	[sflag:s17] =	ssyncset.done $0x0  }
0x62: {  	s1 =	simm.s32 $0x0;
	[sflag:s17] =	ssyncadd.s32 $0xFFFFF380  }
0x63: {  	v0 =	vld [tilespmem:s1+$0x6400];
	_ =	sdelay $0x1  }
0x64: {  	v1 =	vld [tilespmem:s1+$0x6410];
	_ =	sdelay $0x1  }
0x65: {  	v2 =	vimm.f32 $0.0e+00;
	v3 =	vld [tilespmem:s1+$0x6420]  }
0x66: {  	v0 =	vadd.f32 v0, v2  }
0x67: {  	v2 =	vld [tilespmem:s1+$0x6430]  }
0x68: {  	v0 =	vadd.f32 v1, v0  }
0x69: {  	v1 =	vld [tilespmem:s1+$0x6440]  }
0x6a: {  	v0 =	vadd.f32 v3, v0  }
0x6b: {  	v3 =	vld [tilespmem:s1+$0x6450]  }
0x6c: {  	v0 =	vadd.f32 v2, v0  }
0x6d: {  	v2 =	vld [tilespmem:s1+$0x6460]  }
0x6e: {  	v0 =	vadd.f32 v1, v0  }
0x6f: {  	v4 =	vld [tilespmem:s1+$0x6470]  }
0x70: {  	v0 =	vadd.f32 v3, v0  }
0x71: {  	v1 =	vld [tilespmem:s1+$0x6480]  }
0x72: {  	v2 =	vadd.f32 v2, v0  }
0x73: {  	v0 =	vld [tilespmem:s1+$0x6490]  }
0x74: {  	s29 =	simm.s32 $0xA0;
	s30 =	simm.s32 $0x500;
	v2 =	vadd.f32 v4, v2  }
.LBB2_5:
0x75: {  	p0 =	sne.s32 s30, $0x2F80;
	v3 =	vld [tilespmem:s29+$0x6400]  }
0x76: {  	v1 =	vadd.f32 v1, v2  }
0x77: {  	v2 =	vld [tilespmem:s29+$0x6410]  }
0x78: {  	v0 =	vadd.f32 v0, v1  }
0x79: {  	v1 =	vld [tilespmem:s29+$0x6420]  }
0x7a: {  	v0 =	vadd.f32 v3, v0  }
0x7b: {  	v3 =	vld [tilespmem:s29+$0x6430]  }
0x7c: {  	v0 =	vadd.f32 v2, v0  }
0x7d: {  	v2 =	vld [tilespmem:s29+$0x6440]  }
0x7e: {  	v0 =	vadd.f32 v1, v0  }
0x7f: {  	v1 =	vld [tilespmem:s29+$0x6450]  }
0x80: {  	v0 =	vadd.f32 v3, v0  }
0x81: {  	v3 =	vld [tilespmem:s29+$0x6460]  }
0x82: {  	v0 =	vadd.f32 v2, v0  }
0x83: {  	v2 =	vld [tilespmem:s29+$0x6470]  }
.Ltmp3:
0x84: {  	v0 =	vadd.f32 v1, v0;
	(pc) =	sbr.rel @p0 .LBB2_5-.Ltmp3, $4  }
0x85: {  	v1 =	vld [tilespmem:s29+$0x6480]  }
0x86: {  	v3 =	vadd.f32 v3, v0  }
0x87: {  	v0 =	vld [tilespmem:s29+$0x6490]  }
0x88: {  	s29 =	sshra.s32 s30, $0x2;
	s30 =	sadd.s32 $0x280, s30;
	v2 =	vadd.f32 v2, v3  }
0x89: {  	v3 =	vld [tilespmem:s29+$0x6400]  }
0x8a: {  	v1 =	vadd.f32 v1, v2  }
0x8b: {  	v2 =	vld [tilespmem:s29+$0x6410]  }
0x8c: {  	v0 =	vadd.f32 v0, v1  }
0x8d: {  	v1 =	vld [tilespmem:s29+$0x6420]  }
0x8e: {  	v0 =	vadd.f32 v3, v0  }
0x8f: {  	v3 =	vld [tilespmem:s29+$0x6430]  }
0x90: {  	v0 =	vadd.f32 v2, v0  }
0x91: {  	v2 =	vld [tilespmem:s29+$0x6440]  }
0x92: {  	v0 =	vadd.f32 v1, v0  }
0x93: {  	v1 =	vld [tilespmem:s29+$0x6450]  }
0x94: {  	v0 =	vadd.f32 v3, v0  }
0x95: {  	v3 =	vld [tilespmem:s29+$0x6460]  }
0x96: {  	v0 =	vadd.f32 v2, v0  }
0x97: {  	v2 =	vld [tilespmem:s29+$0x6470]  }
0x98: {  	v0 =	vadd.f32 v1, v0  }
0x99: {  	p0 =	seq.s32 s28, $0xF;
	v1 =	vld [tilespmem:s29+$0x6480]  }
0x9a: {  	s1 =	smul.u32 @!p0 $0x1900, s28;
	v0 =	vadd.f32 v3, v0  }
0x9b: {  	v3 =	vld [tilespmem:s29+$0x6490]  }
0x9c: {  	s0 =	sshll.u32 s28, $0x7;
	s30 =	sshra.s32 @!p0 s1, $0x2;
	v0 =	vadd.f32 v2, v0  }
0x9d: {  	s31 =	simm.s32 @!p0 $0x6400;
	s1 =	sadd.s32 @!p0 $0x640, s30;
	s29 =	simm.s32 @!p0 $0x80  }
0x9e: {  	[tilespmem:s31], [sflag:$0x1] =	stream.indirect.gather @!p0 [hbm4b:s3+s29], $0x10, s1, s29, $0xb8;
	v0 =	vadd.f32 v1, v0;
	[tilespmem:$0xD000] =	vst v63  }
0x9f: {  	s1 =	sadd.s32 @!p0 $0x6C0, s30;
	s29 =	simm.s32 @!p0 $0x48;
	s31 =	simm.s32 @!p0 $0x6C00  }
0xa0: {  	[tilespmem:s31], [sflag:$0x1] =	stream.indirect.gather @!p0 [hbm4b:s3+s29], $0x10, s1, s29, $0xb8;
	v0 =	vadd.f32 v3, v0;
	[tilespmem:$0xD000] =	vst v63  }
0xa1: {  	s29 =	sand.u32 $0x3FFFFF80, s0  }
0xa2: {  	[tilespmem:s29+$0xC800] =	vst v0  }
0xa3: {  	_ =	swait.ge [sflag:s18], $0xC80  }
0xa4: {  	[sflag:s18] =	ssyncset.done $0x0  }
0xa5: {  	s0 =	simm.s32 $0x0;
	[sflag:s18] =	ssyncadd.s32 $0xFFFFF380  }
0xa6: {  	v0 =	vld [tilespmem:s0+$0x7080];
	_ =	sdelay $0x1  }
0xa7: {  	v1 =	vld [tilespmem:s0+$0x7090];
	_ =	sdelay $0x1  }
0xa8: {  	v2 =	vimm.f32 $0.0e+00;
	v3 =	vld [tilespmem:s0+$0x70A0]  }
0xa9: {  	v0 =	vadd.f32 v0, v2  }
0xaa: {  	v2 =	vld [tilespmem:s0+$0x70B0]  }
0xab: {  	v0 =	vadd.f32 v1, v0  }
0xac: {  	v1 =	vld [tilespmem:s0+$0x70C0]  }
0xad: {  	v0 =	vadd.f32 v3, v0  }
0xae: {  	v3 =	vld [tilespmem:s0+$0x70D0]  }
0xaf: {  	v0 =	vadd.f32 v2, v0  }
0xb0: {  	v2 =	vld [tilespmem:s0+$0x70E0]  }
0xb1: {  	v0 =	vadd.f32 v1, v0  }
0xb2: {  	v4 =	vld [tilespmem:s0+$0x70F0]  }
0xb3: {  	v0 =	vadd.f32 v3, v0  }
0xb4: {  	v1 =	vld [tilespmem:s0+$0x7100]  }
0xb5: {  	v2 =	vadd.f32 v2, v0  }
0xb6: {  	v0 =	vld [tilespmem:s0+$0x7110]  }
0xb7: {  	s31 =	simm.s32 $0xA0;
	s1 =	simm.s32 $0x500;
	v2 =	vadd.f32 v4, v2  }
.LBB2_7:
0xb8: {  	p1 =	sne.s32 s1, $0x2F80;
	v3 =	vld [tilespmem:s31+$0x7080]  }
0xb9: {  	v1 =	vadd.f32 v1, v2  }
0xba: {  	v2 =	vld [tilespmem:s31+$0x7090]  }
0xbb: {  	v0 =	vadd.f32 v0, v1  }
0xbc: {  	v1 =	vld [tilespmem:s31+$0x70A0]  }
0xbd: {  	v0 =	vadd.f32 v3, v0  }
0xbe: {  	v3 =	vld [tilespmem:s31+$0x70B0]  }
0xbf: {  	v0 =	vadd.f32 v2, v0  }
0xc0: {  	v2 =	vld [tilespmem:s31+$0x70C0]  }
0xc1: {  	v0 =	vadd.f32 v1, v0  }
0xc2: {  	v1 =	vld [tilespmem:s31+$0x70D0]  }
0xc3: {  	v0 =	vadd.f32 v3, v0  }
0xc4: {  	v3 =	vld [tilespmem:s31+$0x70E0]  }
0xc5: {  	v0 =	vadd.f32 v2, v0  }
0xc6: {  	v2 =	vld [tilespmem:s31+$0x70F0]  }
.Ltmp4:
0xc7: {  	v0 =	vadd.f32 v1, v0;
	(pc) =	sbr.rel @p1 .LBB2_7-.Ltmp4, $4  }
0xc8: {  	v1 =	vld [tilespmem:s31+$0x7100]  }
0xc9: {  	v3 =	vadd.f32 v3, v0  }
0xca: {  	v0 =	vld [tilespmem:s31+$0x7110]  }
0xcb: {  	s31 =	sshra.s32 s1, $0x2;
	s1 =	sadd.s32 $0x280, s1;
	v2 =	vadd.f32 v2, v3  }
0xcc: {  	v3 =	vld [tilespmem:s31+$0x7080]  }
0xcd: {  	v1 =	vadd.f32 v1, v2  }
0xce: {  	v2 =	vld [tilespmem:s31+$0x7090]  }
0xcf: {  	v0 =	vadd.f32 v0, v1  }
0xd0: {  	v1 =	vld [tilespmem:s31+$0x70A0]  }
0xd1: {  	v0 =	vadd.f32 v3, v0  }
0xd2: {  	v3 =	vld [tilespmem:s31+$0x70B0]  }
0xd3: {  	v0 =	vadd.f32 v2, v0  }
0xd4: {  	v2 =	vld [tilespmem:s31+$0x70C0]  }
0xd5: {  	v0 =	vadd.f32 v1, v0  }
0xd6: {  	v1 =	vld [tilespmem:s31+$0x70D0]  }
0xd7: {  	v0 =	vadd.f32 v3, v0  }
0xd8: {  	v3 =	vld [tilespmem:s31+$0x70E0]  }
0xd9: {  	v0 =	vadd.f32 v2, v0  }
0xda: {  	v2 =	vld [tilespmem:s31+$0x70F0]  }
0xdb: {  	v0 =	vadd.f32 v1, v0  }
0xdc: {  	v1 =	vld [tilespmem:s31+$0x7100]  }
0xdd: {  	v0 =	vadd.f32 v3, v0  }
0xde: {  	v3 =	vld [tilespmem:s31+$0x7110]  }
0xdf: {  	v0 =	vadd.f32 v2, v0;
	_ =	sdelay $0x1  }
0xe0: {  	s1 =	sadd.s32 @!p0 $0x708, s30;
	s0 =	simm.s32 @!p0 $0x7080;
	s31 =	simm.s32 @!p0 $0x80;
	v0 =	vadd.f32 v1, v0  }
0xe1: {  	[tilespmem:s0], [sflag:$0x2] =	stream.indirect.gather @!p0 [hbm4b:s3+s31], $0x10, s1, s31, $0xb8;
	[tilespmem:$0xD000] =	vst v63  }
0xe2: {  	s0 =	sadd.s32 @!p0 $0x788, s30;
	s1 =	simm.s32 @!p0 $0x48;
	s31 =	simm.s32 @!p0 $0x7880;
	v0 =	vadd.f32 v3, v0  }
0xe3: {  	[tilespmem:s31], [sflag:$0x2] =	stream.indirect.gather @!p0 [hbm4b:s3+s1], $0x10, s0, s1, $0xb8;
	[tilespmem:$0xD000] =	vst v63  }
0xe4: {  	[tilespmem:s29+$0xC810] =	vst v0  }
0xe5: {  	_ =	swait.ge [sflag:s19], $0xC80  }
0xe6: {  	[sflag:s19] =	ssyncset.done $0x0  }
0xe7: {  	s1 =	simm.s32 $0x0;
	[sflag:s19] =	ssyncadd.s32 $0xFFFFF380  }
0xe8: {  	v0 =	vld [tilespmem:s1+$0x7D00];
	_ =	sdelay $0x1  }
0xe9: {  	v1 =	vld [tilespmem:s1+$0x7D10];
	_ =	sdelay $0x1  }
0xea: {  	v2 =	vimm.f32 $0.0e+00;
	v3 =	vld [tilespmem:s1+$0x7D20]  }
0xeb: {  	v0 =	vadd.f32 v0, v2  }
0xec: {  	v2 =	vld [tilespmem:s1+$0x7D30]  }
0xed: {  	v0 =	vadd.f32 v1, v0  }
0xee: {  	v1 =	vld [tilespmem:s1+$0x7D40]  }
0xef: {  	v0 =	vadd.f32 v3, v0  }
0xf0: {  	v3 =	vld [tilespmem:s1+$0x7D50]  }
0xf1: {  	v0 =	vadd.f32 v2, v0  }
0xf2: {  	v2 =	vld [tilespmem:s1+$0x7D60]  }
0xf3: {  	v0 =	vadd.f32 v1, v0  }
0xf4: {  	v4 =	vld [tilespmem:s1+$0x7D70]  }
0xf5: {  	v0 =	vadd.f32 v3, v0  }
0xf6: {  	v1 =	vld [tilespmem:s1+$0x7D80]  }
0xf7: {  	v2 =	vadd.f32 v2, v0  }
0xf8: {  	v0 =	vld [tilespmem:s1+$0x7D90]  }
0xf9: {  	s31 =	simm.s32 $0xA0;
	s1 =	simm.s32 $0x500;
	v2 =	vadd.f32 v4, v2  }
.LBB2_9:
0xfa: {  	p1 =	sne.s32 s1, $0x2F80;
	v3 =	vld [tilespmem:s31+$0x7D00]  }
0xfb: {  	v1 =	vadd.f32 v1, v2  }
0xfc: {  	v2 =	vld [tilespmem:s31+$0x7D10]  }
0xfd: {  	v0 =	vadd.f32 v0, v1  }
0xfe: {  	v1 =	vld [tilespmem:s31+$0x7D20]  }
0xff: {  	v0 =	vadd.f32 v3, v0  }
0x100: {  	v3 =	vld [tilespmem:s31+$0x7D30]  }
0x101: {  	v0 =	vadd.f32 v2, v0  }
0x102: {  	v2 =	vld [tilespmem:s31+$0x7D40]  }
0x103: {  	v0 =	vadd.f32 v1, v0  }
0x104: {  	v1 =	vld [tilespmem:s31+$0x7D50]  }
0x105: {  	v0 =	vadd.f32 v3, v0  }
0x106: {  	v3 =	vld [tilespmem:s31+$0x7D60]  }
0x107: {  	v0 =	vadd.f32 v2, v0  }
0x108: {  	v2 =	vld [tilespmem:s31+$0x7D70]  }
.Ltmp5:
0x109: {  	v0 =	vadd.f32 v1, v0;
	(pc) =	sbr.rel @p1 .LBB2_9-.Ltmp5, $4  }
0x10a: {  	v1 =	vld [tilespmem:s31+$0x7D80]  }
0x10b: {  	v3 =	vadd.f32 v3, v0  }
0x10c: {  	v0 =	vld [tilespmem:s31+$0x7D90]  }
0x10d: {  	s31 =	sshra.s32 s1, $0x2;
	s1 =	sadd.s32 $0x280, s1;
	v2 =	vadd.f32 v2, v3  }
0x10e: {  	v3 =	vld [tilespmem:s31+$0x7D00]  }
0x10f: {  	v1 =	vadd.f32 v1, v2  }
0x110: {  	v2 =	vld [tilespmem:s31+$0x7D10]  }
0x111: {  	v0 =	vadd.f32 v0, v1  }
0x112: {  	v1 =	vld [tilespmem:s31+$0x7D20]  }
0x113: {  	v0 =	vadd.f32 v3, v0  }
0x114: {  	v3 =	vld [tilespmem:s31+$0x7D30]  }
0x115: {  	v0 =	vadd.f32 v2, v0  }
0x116: {  	v2 =	vld [tilespmem:s31+$0x7D40]  }
0x117: {  	v0 =	vadd.f32 v1, v0  }
0x118: {  	v1 =	vld [tilespmem:s31+$0x7D50]  }
0x119: {  	v0 =	vadd.f32 v3, v0  }
0x11a: {  	v3 =	vld [tilespmem:s31+$0x7D60]  }
0x11b: {  	v0 =	vadd.f32 v2, v0  }
0x11c: {  	v2 =	vld [tilespmem:s31+$0x7D70]  }
0x11d: {  	v0 =	vadd.f32 v1, v0  }
0x11e: {  	v1 =	vld [tilespmem:s31+$0x7D80]  }
0x11f: {  	v0 =	vadd.f32 v3, v0  }
0x120: {  	v3 =	vld [tilespmem:s31+$0x7D90]  }
0x121: {  	v0 =	vadd.f32 v2, v0;
	_ =	sdelay $0x1  }
0x122: {  	s0 =	sadd.s32 @!p0 $0x7D0, s30;
	s1 =	simm.s32 @!p0 $0x80;
	s31 =	simm.s32 @!p0 $0x7D00;
	v0 =	vadd.f32 v1, v0  }
0x123: {  	[tilespmem:s31], [sflag:$0x3] =	stream.indirect.gather @!p0 [hbm4b:s3+s1], $0x10, s0, s1, $0xb8;
	[tilespmem:$0xD000] =	vst v63  }
0x124: {  	s0 =	sadd.s32 @!p0 $0x850, s30;
	s1 =	simm.s32 @!p0 $0x48;
	s31 =	simm.s32 @!p0 $0x8500;
	v0 =	vadd.f32 v3, v0  }
0x125: {  	[tilespmem:s31], [sflag:$0x3] =	stream.indirect.gather @!p0 [hbm4b:s3+s1], $0x10, s0, s1, $0xb8;
	[tilespmem:$0xD000] =	vst v63  }
0x126: {  	[tilespmem:s29+$0xC820] =	vst v0  }
0x127: {  	_ =	swait.ge [sflag:s20], $0xC80  }
0x128: {  	[sflag:s20] =	ssyncset.done $0x0  }
0x129: {  	s1 =	simm.s32 $0x0;
	[sflag:s20] =	ssyncadd.s32 $0xFFFFF380  }
0x12a: {  	v0 =	vld [tilespmem:s1+$0x8980];
	_ =	sdelay $0x1  }
0x12b: {  	v1 =	vld [tilespmem:s1+$0x8990];
	_ =	sdelay $0x1  }
0x12c: {  	v2 =	vimm.f32 $0.0e+00;
	v3 =	vld [tilespmem:s1+$0x89A0]  }
0x12d: {  	v0 =	vadd.f32 v0, v2  }
0x12e: {  	v2 =	vld [tilespmem:s1+$0x89B0]  }
0x12f: {  	v0 =	vadd.f32 v1, v0  }
0x130: {  	v1 =	vld [tilespmem:s1+$0x89C0]  }
0x131: {  	v0 =	vadd.f32 v3, v0  }
0x132: {  	v3 =	vld [tilespmem:s1+$0x89D0]  }
0x133: {  	v0 =	vadd.f32 v2, v0  }
0x134: {  	v2 =	vld [tilespmem:s1+$0x89E0]  }
0x135: {  	v0 =	vadd.f32 v1, v0  }
0x136: {  	v4 =	vld [tilespmem:s1+$0x89F0]  }
0x137: {  	v0 =	vadd.f32 v3, v0  }
0x138: {  	v1 =	vld [tilespmem:s1+$0x8A00]  }
0x139: {  	v2 =	vadd.f32 v2, v0  }
0x13a: {  	v0 =	vld [tilespmem:s1+$0x8A10]  }
0x13b: {  	s31 =	simm.s32 $0xA0;
	s1 =	simm.s32 $0x500;
	v2 =	vadd.f32 v4, v2  }
.LBB2_11:
0x13c: {  	p1 =	sne.s32 s1, $0x2F80;
	v3 =	vld [tilespmem:s31+$0x8980]  }
0x13d: {  	v1 =	vadd.f32 v1, v2  }
0x13e: {  	v2 =	vld [tilespmem:s31+$0x8990]  }
0x13f: {  	v0 =	vadd.f32 v0, v1  }
0x140: {  	v1 =	vld [tilespmem:s31+$0x89A0]  }
0x141: {  	v0 =	vadd.f32 v3, v0  }
0x142: {  	v3 =	vld [tilespmem:s31+$0x89B0]  }
0x143: {  	v0 =	vadd.f32 v2, v0  }
0x144: {  	v2 =	vld [tilespmem:s31+$0x89C0]  }
0x145: {  	v0 =	vadd.f32 v1, v0  }
0x146: {  	v1 =	vld [tilespmem:s31+$0x89D0]  }
0x147: {  	v0 =	vadd.f32 v3, v0  }
0x148: {  	v3 =	vld [tilespmem:s31+$0x89E0]  }
0x149: {  	v0 =	vadd.f32 v2, v0  }
0x14a: {  	v2 =	vld [tilespmem:s31+$0x89F0]  }
.Ltmp6:
0x14b: {  	v0 =	vadd.f32 v1, v0;
	(pc) =	sbr.rel @p1 .LBB2_11-.Ltmp6, $4  }
0x14c: {  	v1 =	vld [tilespmem:s31+$0x8A00]  }
0x14d: {  	v3 =	vadd.f32 v3, v0  }
0x14e: {  	v0 =	vld [tilespmem:s31+$0x8A10]  }
0x14f: {  	s31 =	sshra.s32 s1, $0x2;
	s1 =	sadd.s32 $0x280, s1;
	v2 =	vadd.f32 v2, v3  }
0x150: {  	v3 =	vld [tilespmem:s31+$0x8980]  }
0x151: {  	v1 =	vadd.f32 v1, v2  }
0x152: {  	v2 =	vld [tilespmem:s31+$0x8990]  }
0x153: {  	v0 =	vadd.f32 v0, v1  }
0x154: {  	v1 =	vld [tilespmem:s31+$0x89A0]  }
0x155: {  	v0 =	vadd.f32 v3, v0  }
0x156: {  	v3 =	vld [tilespmem:s31+$0x89B0]  }
0x157: {  	v0 =	vadd.f32 v2, v0  }
0x158: {  	v2 =	vld [tilespmem:s31+$0x89C0]  }
0x159: {  	v0 =	vadd.f32 v1, v0  }
0x15a: {  	v1 =	vld [tilespmem:s31+$0x89D0]  }
0x15b: {  	v0 =	vadd.f32 v3, v0  }
0x15c: {  	v3 =	vld [tilespmem:s31+$0x89E0]  }
0x15d: {  	v0 =	vadd.f32 v2, v0  }
0x15e: {  	v2 =	vld [tilespmem:s31+$0x89F0]  }
0x15f: {  	v0 =	vadd.f32 v1, v0  }
0x160: {  	v1 =	vld [tilespmem:s31+$0x8A00]  }
0x161: {  	v0 =	vadd.f32 v3, v0  }
0x162: {  	v3 =	vld [tilespmem:s31+$0x8A10]  }
0x163: {  	v0 =	vadd.f32 v2, v0;
	_ =	sdelay $0x1  }
0x164: {  	s0 =	sadd.s32 @!p0 $0x898, s30;
	s1 =	simm.s32 @!p0 $0x80;
	s31 =	simm.s32 @!p0 $0x8980;
	v0 =	vadd.f32 v1, v0  }
0x165: {  	[tilespmem:s31], [sflag:$0x4] =	stream.indirect.gather @!p0 [hbm4b:s3+s1], $0x10, s0, s1, $0xb8;
	[tilespmem:$0xD000] =	vst v63  }
0x166: {  	s0 =	sadd.s32 @!p0 $0x918, s30;
	s1 =	simm.s32 @!p0 $0x48;
	s31 =	simm.s32 @!p0 $0x9180;
	v0 =	vadd.f32 v3, v0  }
0x167: {  	[tilespmem:s31], [sflag:$0x4] =	stream.indirect.gather @!p0 [hbm4b:s3+s1], $0x10, s0, s1, $0xb8;
	[tilespmem:$0xD000] =	vst v63  }
0x168: {  	[tilespmem:s29+$0xC830] =	vst v0  }
0x169: {  	_ =	swait.ge [sflag:s21], $0xC80  }
0x16a: {  	[sflag:s21] =	ssyncset.done $0x0  }
0x16b: {  	s1 =	simm.s32 $0x0;
	[sflag:s21] =	ssyncadd.s32 $0xFFFFF380  }
0x16c: {  	v0 =	vld [tilespmem:s1+$0x9600];
	_ =	sdelay $0x1  }
0x16d: {  	v1 =	vld [tilespmem:s1+$0x9610];
	_ =	sdelay $0x1  }
0x16e: {  	v2 =	vimm.f32 $0.0e+00;
	v3 =	vld [tilespmem:s1+$0x9620]  }
0x16f: {  	v0 =	vadd.f32 v0, v2  }
0x170: {  	v2 =	vld [tilespmem:s1+$0x9630]  }
0x171: {  	v0 =	vadd.f32 v1, v0  }
0x172: {  	v1 =	vld [tilespmem:s1+$0x9640]  }
0x173: {  	v0 =	vadd.f32 v3, v0  }
0x174: {  	v3 =	vld [tilespmem:s1+$0x9650]  }
0x175: {  	v0 =	vadd.f32 v2, v0  }
0x176: {  	v2 =	vld [tilespmem:s1+$0x9660]  }
0x177: {  	v0 =	vadd.f32 v1, v0  }
0x178: {  	v4 =	vld [tilespmem:s1+$0x9670]  }
0x179: {  	v0 =	vadd.f32 v3, v0  }
0x17a: {  	v1 =	vld [tilespmem:s1+$0x9680]  }
0x17b: {  	v2 =	vadd.f32 v2, v0  }
0x17c: {  	v0 =	vld [tilespmem:s1+$0x9690]  }
0x17d: {  	s31 =	simm.s32 $0xA0;
	s1 =	simm.s32 $0x500;
	v2 =	vadd.f32 v4, v2  }
.LBB2_13:
0x17e: {  	p1 =	sne.s32 s1, $0x2F80;
	v3 =	vld [tilespmem:s31+$0x9600]  }
0x17f: {  	v1 =	vadd.f32 v1, v2  }
0x180: {  	v2 =	vld [tilespmem:s31+$0x9610]  }
0x181: {  	v0 =	vadd.f32 v0, v1  }
0x182: {  	v1 =	vld [tilespmem:s31+$0x9620]  }
0x183: {  	v0 =	vadd.f32 v3, v0  }
0x184: {  	v3 =	vld [tilespmem:s31+$0x9630]  }
0x185: {  	v0 =	vadd.f32 v2, v0  }
0x186: {  	v2 =	vld [tilespmem:s31+$0x9640]  }
0x187: {  	v0 =	vadd.f32 v1, v0  }
0x188: {  	v1 =	vld [tilespmem:s31+$0x9650]  }
0x189: {  	v0 =	vadd.f32 v3, v0  }
0x18a: {  	v3 =	vld [tilespmem:s31+$0x9660]  }
0x18b: {  	v0 =	vadd.f32 v2, v0  }
0x18c: {  	v2 =	vld [tilespmem:s31+$0x9670]  }
.Ltmp7:
0x18d: {  	v0 =	vadd.f32 v1, v0;
	(pc) =	sbr.rel @p1 .LBB2_13-.Ltmp7, $4  }
0x18e: {  	v1 =	vld [tilespmem:s31+$0x9680]  }
0x18f: {  	v3 =	vadd.f32 v3, v0  }
0x190: {  	v0 =	vld [tilespmem:s31+$0x9690]  }
0x191: {  	s31 =	sshra.s32 s1, $0x2;
	s1 =	sadd.s32 $0x280, s1;
	v2 =	vadd.f32 v2, v3  }
0x192: {  	v3 =	vld [tilespmem:s31+$0x9600]  }
0x193: {  	v1 =	vadd.f32 v1, v2  }
0x194: {  	v2 =	vld [tilespmem:s31+$0x9610]  }
0x195: {  	v0 =	vadd.f32 v0, v1  }
0x196: {  	v1 =	vld [tilespmem:s31+$0x9620]  }
0x197: {  	v0 =	vadd.f32 v3, v0  }
0x198: {  	v3 =	vld [tilespmem:s31+$0x9630]  }
0x199: {  	v0 =	vadd.f32 v2, v0  }
0x19a: {  	v2 =	vld [tilespmem:s31+$0x9640]  }
0x19b: {  	v0 =	vadd.f32 v1, v0  }
0x19c: {  	v1 =	vld [tilespmem:s31+$0x9650]  }
0x19d: {  	v0 =	vadd.f32 v3, v0  }
0x19e: {  	v3 =	vld [tilespmem:s31+$0x9660]  }
0x19f: {  	v0 =	vadd.f32 v2, v0  }
0x1a0: {  	v2 =	vld [tilespmem:s31+$0x9670]  }
0x1a1: {  	v0 =	vadd.f32 v1, v0  }
0x1a2: {  	v1 =	vld [tilespmem:s31+$0x9680]  }
0x1a3: {  	v0 =	vadd.f32 v3, v0  }
0x1a4: {  	v3 =	vld [tilespmem:s31+$0x9690]  }
0x1a5: {  	v0 =	vadd.f32 v2, v0;
	_ =	sdelay $0x1  }
0x1a6: {  	s0 =	sadd.s32 @!p0 $0x960, s30;
	s1 =	simm.s32 @!p0 $0x80;
	s31 =	simm.s32 @!p0 $0x9600;
	v0 =	vadd.f32 v1, v0  }
0x1a7: {  	[tilespmem:s31], [sflag:$0x5] =	stream.indirect.gather @!p0 [hbm4b:s3+s1], $0x10, s0, s1, $0xb8;
	[tilespmem:$0xD000] =	vst v63  }
0x1a8: {  	s0 =	sadd.s32 @!p0 $0x9E0, s30;
	s1 =	simm.s32 @!p0 $0x48;
	s31 =	simm.s32 @!p0 $0x9E00;
	v0 =	vadd.f32 v3, v0  }
0x1a9: {  	[tilespmem:s31], [sflag:$0x5] =	stream.indirect.gather @!p0 [hbm4b:s3+s1], $0x10, s0, s1, $0xb8;
	[tilespmem:$0xD000] =	vst v63  }
0x1aa: {  	[tilespmem:s29+$0xC840] =	vst v0  }
0x1ab: {  	_ =	swait.ge [sflag:s22], $0xC80  }
0x1ac: {  	[sflag:s22] =	ssyncset.done $0x0  }
0x1ad: {  	s1 =	simm.s32 $0x0;
	[sflag:s22] =	ssyncadd.s32 $0xFFFFF380  }
0x1ae: {  	v0 =	vld [tilespmem:s1+$0xA280];
	_ =	sdelay $0x1  }
0x1af: {  	v1 =	vld [tilespmem:s1+$0xA290];
	_ =	sdelay $0x1  }
0x1b0: {  	v2 =	vimm.f32 $0.0e+00;
	v3 =	vld [tilespmem:s1+$0xA2A0]  }
0x1b1: {  	v0 =	vadd.f32 v0, v2  }
0x1b2: {  	v2 =	vld [tilespmem:s1+$0xA2B0]  }
0x1b3: {  	v0 =	vadd.f32 v1, v0  }
0x1b4: {  	v1 =	vld [tilespmem:s1+$0xA2C0]  }
0x1b5: {  	v0 =	vadd.f32 v3, v0  }
0x1b6: {  	v3 =	vld [tilespmem:s1+$0xA2D0]  }
0x1b7: {  	v0 =	vadd.f32 v2, v0  }
0x1b8: {  	v2 =	vld [tilespmem:s1+$0xA2E0]  }
0x1b9: {  	v0 =	vadd.f32 v1, v0  }
0x1ba: {  	v4 =	vld [tilespmem:s1+$0xA2F0]  }
0x1bb: {  	v0 =	vadd.f32 v3, v0  }
0x1bc: {  	v1 =	vld [tilespmem:s1+$0xA300]  }
0x1bd: {  	v2 =	vadd.f32 v2, v0  }
0x1be: {  	v0 =	vld [tilespmem:s1+$0xA310]  }
0x1bf: {  	s31 =	simm.s32 $0xA0;
	s1 =	simm.s32 $0x500;
	v2 =	vadd.f32 v4, v2  }
.LBB2_15:
0x1c0: {  	p1 =	sne.s32 s1, $0x2F80;
	v3 =	vld [tilespmem:s31+$0xA280]  }
0x1c1: {  	v1 =	vadd.f32 v1, v2  }
0x1c2: {  	v2 =	vld [tilespmem:s31+$0xA290]  }
0x1c3: {  	v0 =	vadd.f32 v0, v1  }
0x1c4: {  	v1 =	vld [tilespmem:s31+$0xA2A0]  }
0x1c5: {  	v0 =	vadd.f32 v3, v0  }
0x1c6: {  	v3 =	vld [tilespmem:s31+$0xA2B0]  }
0x1c7: {  	v0 =	vadd.f32 v2, v0  }
0x1c8: {  	v2 =	vld [tilespmem:s31+$0xA2C0]  }
0x1c9: {  	v0 =	vadd.f32 v1, v0  }
0x1ca: {  	v1 =	vld [tilespmem:s31+$0xA2D0]  }
0x1cb: {  	v0 =	vadd.f32 v3, v0  }
0x1cc: {  	v3 =	vld [tilespmem:s31+$0xA2E0]  }
0x1cd: {  	v0 =	vadd.f32 v2, v0  }
0x1ce: {  	v2 =	vld [tilespmem:s31+$0xA2F0]  }
.Ltmp8:
0x1cf: {  	v0 =	vadd.f32 v1, v0;
	(pc) =	sbr.rel @p1 .LBB2_15-.Ltmp8, $4  }
0x1d0: {  	v1 =	vld [tilespmem:s31+$0xA300]  }
0x1d1: {  	v3 =	vadd.f32 v3, v0  }
0x1d2: {  	v0 =	vld [tilespmem:s31+$0xA310]  }
0x1d3: {  	s31 =	sshra.s32 s1, $0x2;
	s1 =	sadd.s32 $0x280, s1;
	v2 =	vadd.f32 v2, v3  }
0x1d4: {  	v3 =	vld [tilespmem:s31+$0xA280]  }
0x1d5: {  	v1 =	vadd.f32 v1, v2  }
0x1d6: {  	v2 =	vld [tilespmem:s31+$0xA290]  }
0x1d7: {  	v0 =	vadd.f32 v0, v1  }
0x1d8: {  	v1 =	vld [tilespmem:s31+$0xA2A0]  }
0x1d9: {  	v0 =	vadd.f32 v3, v0  }
0x1da: {  	v3 =	vld [tilespmem:s31+$0xA2B0]  }
0x1db: {  	v0 =	vadd.f32 v2, v0  }
0x1dc: {  	v2 =	vld [tilespmem:s31+$0xA2C0]  }
0x1dd: {  	v0 =	vadd.f32 v1, v0  }
0x1de: {  	v1 =	vld [tilespmem:s31+$0xA2D0]  }
0x1df: {  	v0 =	vadd.f32 v3, v0  }
0x1e0: {  	v3 =	vld [tilespmem:s31+$0xA2E0]  }
0x1e1: {  	v0 =	vadd.f32 v2, v0  }
0x1e2: {  	v2 =	vld [tilespmem:s31+$0xA2F0]  }
0x1e3: {  	v0 =	vadd.f32 v1, v0  }
0x1e4: {  	v1 =	vld [tilespmem:s31+$0xA300]  }
0x1e5: {  	v0 =	vadd.f32 v3, v0  }
0x1e6: {  	v3 =	vld [tilespmem:s31+$0xA310]  }
0x1e7: {  	v0 =	vadd.f32 v2, v0;
	_ =	sdelay $0x1  }
0x1e8: {  	s0 =	sadd.s32 @!p0 $0xA28, s30;
	s1 =	simm.s32 @!p0 $0x80;
	s31 =	simm.s32 @!p0 $0xA280;
	v0 =	vadd.f32 v1, v0  }
0x1e9: {  	[tilespmem:s31], [sflag:$0x6] =	stream.indirect.gather @!p0 [hbm4b:s3+s1], $0x10, s0, s1, $0xb8;
	[tilespmem:$0xD000] =	vst v63  }
0x1ea: {  	s0 =	sadd.s32 @!p0 $0xAA8, s30;
	s1 =	simm.s32 @!p0 $0x48;
	s31 =	simm.s32 @!p0 $0xAA80;
	v0 =	vadd.f32 v3, v0  }
0x1eb: {  	[tilespmem:s31], [sflag:$0x6] =	stream.indirect.gather @!p0 [hbm4b:s3+s1], $0x10, s0, s1, $0xb8;
	[tilespmem:$0xD000] =	vst v63  }
0x1ec: {  	[tilespmem:s29+$0xC850] =	vst v0  }
0x1ed: {  	_ =	swait.ge [sflag:s23], $0xC80  }
0x1ee: {  	[sflag:s23] =	ssyncset.done $0x0  }
0x1ef: {  	s1 =	simm.s32 $0x0;
	[sflag:s23] =	ssyncadd.s32 $0xFFFFF380  }
0x1f0: {  	v0 =	vld [tilespmem:s1+$0xAF00];
	_ =	sdelay $0x1  }
0x1f1: {  	v1 =	vld [tilespmem:s1+$0xAF10];
	_ =	sdelay $0x1  }
0x1f2: {  	v2 =	vimm.f32 $0.0e+00;
	v3 =	vld [tilespmem:s1+$0xAF20]  }
0x1f3: {  	v0 =	vadd.f32 v0, v2  }
0x1f4: {  	v2 =	vld [tilespmem:s1+$0xAF30]  }
0x1f5: {  	v0 =	vadd.f32 v1, v0  }
0x1f6: {  	v1 =	vld [tilespmem:s1+$0xAF40]  }
0x1f7: {  	v0 =	vadd.f32 v3, v0  }
0x1f8: {  	v3 =	vld [tilespmem:s1+$0xAF50]  }
0x1f9: {  	v0 =	vadd.f32 v2, v0  }
0x1fa: {  	v2 =	vld [tilespmem:s1+$0xAF60]  }
0x1fb: {  	v0 =	vadd.f32 v1, v0  }
0x1fc: {  	v4 =	vld [tilespmem:s1+$0xAF70]  }
0x1fd: {  	v0 =	vadd.f32 v3, v0  }
0x1fe: {  	v1 =	vld [tilespmem:s1+$0xAF80]  }
0x1ff: {  	v2 =	vadd.f32 v2, v0  }
0x200: {  	v0 =	vld [tilespmem:s1+$0xAF90]  }
0x201: {  	s31 =	simm.s32 $0xA0;
	s1 =	simm.s32 $0x500;
	v2 =	vadd.f32 v4, v2  }
.LBB2_17:
0x202: {  	p1 =	sne.s32 s1, $0x2F80;
	v3 =	vld [tilespmem:s31+$0xAF00]  }
0x203: {  	v1 =	vadd.f32 v1, v2  }
0x204: {  	v2 =	vld [tilespmem:s31+$0xAF10]  }
0x205: {  	v0 =	vadd.f32 v0, v1  }
0x206: {  	v1 =	vld [tilespmem:s31+$0xAF20]  }
0x207: {  	v0 =	vadd.f32 v3, v0  }
0x208: {  	v3 =	vld [tilespmem:s31+$0xAF30]  }
0x209: {  	v0 =	vadd.f32 v2, v0  }
0x20a: {  	v2 =	vld [tilespmem:s31+$0xAF40]  }
0x20b: {  	v0 =	vadd.f32 v1, v0  }
0x20c: {  	v1 =	vld [tilespmem:s31+$0xAF50]  }
0x20d: {  	v0 =	vadd.f32 v3, v0  }
0x20e: {  	v3 =	vld [tilespmem:s31+$0xAF60]  }
0x20f: {  	v0 =	vadd.f32 v2, v0  }
0x210: {  	v2 =	vld [tilespmem:s31+$0xAF70]  }
.Ltmp9:
0x211: {  	v0 =	vadd.f32 v1, v0;
	(pc) =	sbr.rel @p1 .LBB2_17-.Ltmp9, $4  }
0x212: {  	v1 =	vld [tilespmem:s31+$0xAF80]  }
0x213: {  	v3 =	vadd.f32 v3, v0  }
0x214: {  	v0 =	vld [tilespmem:s31+$0xAF90]  }
0x215: {  	s31 =	sshra.s32 s1, $0x2;
	s1 =	sadd.s32 $0x280, s1;
	v2 =	vadd.f32 v2, v3  }
0x216: {  	v3 =	vld [tilespmem:s31+$0xAF00]  }
0x217: {  	v1 =	vadd.f32 v1, v2  }
0x218: {  	v2 =	vld [tilespmem:s31+$0xAF10]  }
0x219: {  	v0 =	vadd.f32 v0, v1  }
0x21a: {  	v1 =	vld [tilespmem:s31+$0xAF20]  }
0x21b: {  	v0 =	vadd.f32 v3, v0  }
0x21c: {  	v3 =	vld [tilespmem:s31+$0xAF30]  }
0x21d: {  	v0 =	vadd.f32 v2, v0  }
0x21e: {  	v2 =	vld [tilespmem:s31+$0xAF40]  }
0x21f: {  	v0 =	vadd.f32 v1, v0  }
0x220: {  	v1 =	vld [tilespmem:s31+$0xAF50]  }
0x221: {  	v0 =	vadd.f32 v3, v0  }
0x222: {  	v3 =	vld [tilespmem:s31+$0xAF60]  }
0x223: {  	v0 =	vadd.f32 v2, v0  }
0x224: {  	v2 =	vld [tilespmem:s31+$0xAF70]  }
0x225: {  	v0 =	vadd.f32 v1, v0  }
0x226: {  	v1 =	vld [tilespmem:s31+$0xAF80]  }
0x227: {  	v0 =	vadd.f32 v3, v0  }
0x228: {  	v3 =	vld [tilespmem:s31+$0xAF90]  }
0x229: {  	v0 =	vadd.f32 v2, v0;
	_ =	sdelay $0x1  }
0x22a: {  	s0 =	sadd.s32 @!p0 $0xAF0, s30;
	s1 =	simm.s32 @!p0 $0x80;
	s31 =	simm.s32 @!p0 $0xAF00;
	v0 =	vadd.f32 v1, v0  }
0x22b: {  	[tilespmem:s31], [sflag:$0x7] =	stream.indirect.gather @!p0 [hbm4b:s3+s1], $0x10, s0, s1, $0xb8;
	[tilespmem:$0xD000] =	vst v63  }
0x22c: {  	s0 =	sadd.s32 @!p0 $0xB70, s30;
	s1 =	simm.s32 @!p0 $0x48;
	s30 =	simm.s32 @!p0 $0xB700;
	v0 =	vadd.f32 v3, v0  }
0x22d: {  	[tilespmem:s30], [sflag:$0x7] =	stream.indirect.gather @!p0 [hbm4b:s3+s1], $0x10, s0, s1, $0xb8;
	[tilespmem:$0xD000] =	vst v63  }
0x22e: {  	[tilespmem:s29+$0xC860] =	vst v0  }
0x22f: {  	_ =	swait.ge [sflag:s24], $0xC80  }
0x230: {  	[sflag:s24] =	ssyncset.done $0x0  }
0x231: {  	s31 =	simm.s32 $0x0;
	[sflag:s24] =	ssyncadd.s32 $0xFFFFF380  }
0x232: {  	v0 =	vld [tilespmem:s31+$0xBB80];
	_ =	sdelay $0x1  }
0x233: {  	v1 =	vld [tilespmem:s31+$0xBB90];
	_ =	sdelay $0x1  }
0x234: {  	v2 =	vimm.f32 $0.0e+00;
	v3 =	vld [tilespmem:s31+$0xBBA0]  }
0x235: {  	v0 =	vadd.f32 v0, v2  }
0x236: {  	v2 =	vld [tilespmem:s31+$0xBBB0]  }
0x237: {  	v0 =	vadd.f32 v1, v0  }
0x238: {  	v1 =	vld [tilespmem:s31+$0xBBC0]  }
0x239: {  	v0 =	vadd.f32 v3, v0  }
0x23a: {  	v3 =	vld [tilespmem:s31+$0xBBD0]  }
0x23b: {  	v0 =	vadd.f32 v2, v0  }
0x23c: {  	v2 =	vld [tilespmem:s31+$0xBBE0]  }
0x23d: {  	v0 =	vadd.f32 v1, v0  }
0x23e: {  	v4 =	vld [tilespmem:s31+$0xBBF0]  }
0x23f: {  	v0 =	vadd.f32 v3, v0  }
0x240: {  	v1 =	vld [tilespmem:s31+$0xBC00]  }
0x241: {  	v2 =	vadd.f32 v2, v0  }
0x242: {  	v0 =	vld [tilespmem:s31+$0xBC10]  }
0x243: {  	s30 =	simm.s32 $0xA0;
	s1 =	simm.s32 $0x500;
	v2 =	vadd.f32 v4, v2  }
.LBB2_19:
0x244: {  	p1 =	sne.s32 s1, $0x2F80;
	v3 =	vld [tilespmem:s30+$0xBB80]  }
0x245: {  	v1 =	vadd.f32 v1, v2  }
0x246: {  	v2 =	vld [tilespmem:s30+$0xBB90]  }
0x247: {  	v0 =	vadd.f32 v0, v1  }
0x248: {  	v1 =	vld [tilespmem:s30+$0xBBA0]  }
0x249: {  	v0 =	vadd.f32 v3, v0  }
0x24a: {  	v3 =	vld [tilespmem:s30+$0xBBB0]  }
0x24b: {  	v0 =	vadd.f32 v2, v0  }
0x24c: {  	v2 =	vld [tilespmem:s30+$0xBBC0]  }
0x24d: {  	v0 =	vadd.f32 v1, v0  }
0x24e: {  	v1 =	vld [tilespmem:s30+$0xBBD0]  }
0x24f: {  	v0 =	vadd.f32 v3, v0  }
0x250: {  	v3 =	vld [tilespmem:s30+$0xBBE0]  }
0x251: {  	v0 =	vadd.f32 v2, v0  }
0x252: {  	v2 =	vld [tilespmem:s30+$0xBBF0]  }
.Ltmp10:
0x253: {  	v0 =	vadd.f32 v1, v0;
	(pc) =	sbr.rel @p1 .LBB2_19-.Ltmp10, $4  }
0x254: {  	v1 =	vld [tilespmem:s30+$0xBC00]  }
0x255: {  	v3 =	vadd.f32 v3, v0  }
0x256: {  	v0 =	vld [tilespmem:s30+$0xBC10]  }
0x257: {  	s30 =	sshra.s32 s1, $0x2;
	s1 =	sadd.s32 $0x280, s1;
	v2 =	vadd.f32 v2, v3  }
0x258: {  	v3 =	vld [tilespmem:s30+$0xBB80]  }
0x259: {  	v1 =	vadd.f32 v1, v2  }
0x25a: {  	v2 =	vld [tilespmem:s30+$0xBB90]  }
0x25b: {  	v0 =	vadd.f32 v0, v1  }
0x25c: {  	v1 =	vld [tilespmem:s30+$0xBBA0]  }
0x25d: {  	v0 =	vadd.f32 v3, v0  }
0x25e: {  	v3 =	vld [tilespmem:s30+$0xBBB0]  }
0x25f: {  	v0 =	vadd.f32 v2, v0  }
0x260: {  	v2 =	vld [tilespmem:s30+$0xBBC0]  }
0x261: {  	v0 =	vadd.f32 v1, v0  }
0x262: {  	v1 =	vld [tilespmem:s30+$0xBBD0]  }
0x263: {  	v0 =	vadd.f32 v3, v0  }
0x264: {  	v3 =	vld [tilespmem:s30+$0xBBE0]  }
0x265: {  	v0 =	vadd.f32 v2, v0  }
0x266: {  	v2 =	vld [tilespmem:s30+$0xBBF0]  }
0x267: {  	v0 =	vadd.f32 v1, v0  }
0x268: {  	v1 =	vld [tilespmem:s30+$0xBC00]  }
0x269: {  	v0 =	vadd.f32 v3, v0  }
0x26a: {  	v3 =	vld [tilespmem:s30+$0xBC10]  }
.Ltmp11:
0x26b: {  	v0 =	vadd.f32 v2, v0;
	(pc) =	sbr.rel @p0 .LBB2_22-.Ltmp11, $3  }
0x26c: {  	_ = 	snop  }
0x26d: {  	v0 =	vadd.f32 v1, v0;
	_ =	sdelay $0x1  }
0x26e: {  	v0 =	vadd.f32 v3, v0  }
0x26f: {  	s0 =	smul.u32 $0x1900, s28;
	_ =	sdelay $0x1  }
0x270: {  	s0 =	sshra.s32 s0, $0x2  }
.Ltmp12:
0x271: {  	s1 =	sadd.s32 $0xBB8, s0;
	(pc) =	sbr.rel .LBB2_4-.Ltmp12, $4  }
0x272: {  	[tilespmem:s14], [sflag:$0x8] =	stream.indirect.gather [hbm4b:s3+s8], $0x10, s1, s8, $0xb8;
	[tilespmem:$0xD000] =	vst v63  }
0x273: {  	s0 =	sadd.s32 $0xC38, s0  }
0x274: {  	[tilespmem:s16], [sflag:$0x8] =	stream.indirect.gather [hbm4b:s3+s10], $0x10, s0, s10, $0xb8;
	[tilespmem:$0xD000] =	vst v63  }
0x275: {  	s28 =	sadd.s32 $0x1, s28;
	[tilespmem:s29+$0xC870] =	vst v0  }
.LBB2_23:
0x276: {  	_ =	sfence.sel $0x180000  }
0x277: {  	[bflag:$0x0] =	sbarrier.arrive $0xFFFF  }
0x278: {  	_ =	strace $0x90000047  }
0x279: {  	s0 =	stileid.u32;
	[bflag:$0x2] =	sbarrier.arrive $0xFFFF  }
0x27a: {  	p0 =	sne.s32 s0, $0x0;
	s0 =	rddreg [dreg:$0x1]  }
0x27b: {  	s0 =	sadd.s32 @!p0 $0x100000, s0  }
0x27c: {  	[sflag:s0] =	ssyncadd.tile.s32 @!p0 $0x1;
	_ =	shalt  }
.Lfunc_end2:
_tile_overlayer_lowered:
.L_overlay_start_2:
0x27d: {  	(tag) =	ssettag $0x2  }
0x27e: {  	s0 =	rddreg [dreg:$0x0];
	s2 =	stileid.u32  }
0x27f: {  	s1 =	rddreg [dreg:$0x1];
	p0 =	sne.s32 s2, $0x0  }
0x280: {  	s3 =	rddreg [dreg:$0x2];
	[bflag:$0x3] =	sbarrier.arrive $0xFFFF;
	s2 =	simm.s32 @!p0 $0x1C09  }
0x281: {  	[timem:s3], [sflag:s2] =	dma.local @!p0 [hbm:s0], s1  }
0x282: {  	s0 =	simm.s32 @!p0 $0x9  }
0x283: {  	_ =	swait.ge @!p0 [sflag:s0], s1  }
0x284: {  	s1 =	ssub.s32 @!p0 $0x0, s1;
	[sflag:s0] =	ssyncset.done @!p0 $0x0  }
0x285: {  	[sflag:s0] =	ssyncadd.s32 @!p0 s1  }
0x286: {  	[bflag:$0x3] =	sbarrier.arrive $0xFFFF  }
0x287: {  	_ =	shalt  }

</sc_bundles>
